<compile_context>
chip_gen: v7x
topology: tpu7x:2x2x1
jax: 0.10.2.dev20260603
libtpu: 0.0.44.dev20260713+nightly
codegen_flags: <defaults>
</compile_context>

<pallas_src>
import functools

import jax
import jax.numpy as jnp
from jax import lax
from jax.experimental import pallas as pl
from jax.experimental.pallas import tpu as pltpu
from jax.experimental.pallas import tpu_sc as plsc

B = 8
H = W = 512
P = 16
N = 1024
PD = 768
D = 256
C = 80
K = 300
KP = 304

_MEAN = (123.675, 116.28, 103.53)
_STD = (58.395, 57.12, 57.375)


IPB = 1


def _tc_body(x_ref, mean_ref, std_ref, we_ref, be_ref, wb_ref, bb_ref,
             wc_ref, bc_ref, vals_ref, rank_ref):
    x0 = x_ref[0]
    xf = jnp.concatenate([x0[2:3], x0[1:2], x0[0:1]], axis=0)
    p = (xf.reshape(3, H // P, P, W // P, P)
         .transpose(1, 3, 0, 2, 4)
         .reshape(N, PD))
    pn = (p - mean_ref[...]) / std_ref[...]
    feats = jnp.tanh(
        jnp.dot(pn, we_ref[...], preferred_element_type=jnp.float32)
        + be_ref[...])
    logits = (jnp.dot(feats, wc_ref[...], preferred_element_type=jnp.float32)
              + bc_ref[...])
    probs = jax.nn.sigmoid(logits)
    score = jnp.max(probs, axis=1, keepdims=True)
    cls_iota = lax.broadcasted_iota(jnp.int32, (1, C), 1)
    label = jnp.min(jnp.where(probs == score, cls_iota, C), axis=1,
                    keepdims=True)
    boxes = jax.nn.sigmoid(
        jnp.dot(feats, wb_ref[...], preferred_element_type=jnp.float32)
        + bb_ref[...])
    cols = jnp.concatenate(
        [boxes, score, label.astype(jnp.float32),
         jnp.zeros((N, 2), jnp.float32)], axis=1)
    colsT = cols.T
    vals_ref[0] = colsT
    srow = colsT[4:5]
    irow = lax.broadcasted_iota(jnp.int32, (1, N), 1)
    rank = jnp.zeros((1, N), jnp.int32)
    for jc in range(4):
        scol = score[jc * 256:(jc + 1) * 256]
        icol = (lax.broadcasted_iota(jnp.int32, (256, 1), 0) + jc * 256)
        gt = scol > srow
        tie = (scol == srow) & (icol < irow)
        rank = rank + jnp.sum((gt | tie).astype(jnp.int32), axis=0,
                              keepdims=True)
    rank_ref[0] = rank


def _tc_call(x, mean_v, std_v, We, be, Wb, bb, Wc, bc):
    return pl.pallas_call(
        _tc_body,
        grid=(B,),
        in_specs=[
            pl.BlockSpec((1, 3, H, W), lambda i: (i, 0, 0, 0)),
            pl.BlockSpec((1, PD), lambda i: (0, 0)),
            pl.BlockSpec((1, PD), lambda i: (0, 0)),
            pl.BlockSpec((PD, D), lambda i: (0, 0)),
            pl.BlockSpec((1, D), lambda i: (0, 0)),
            pl.BlockSpec((D, 4), lambda i: (0, 0)),
            pl.BlockSpec((1, 4), lambda i: (0, 0)),
            pl.BlockSpec((D, C), lambda i: (0, 0)),
            pl.BlockSpec((1, C), lambda i: (0, 0)),
        ],
        out_specs=[
            pl.BlockSpec((1, 8, N), lambda i: (i, 0, 0)),
            pl.BlockSpec((1, 1, N), lambda i: (i, 0, 0)),
        ],
        out_shape=[
            jax.ShapeDtypeStruct((B, 8, N), jnp.float32),
            jax.ShapeDtypeStruct((B, 1, N), jnp.int32),
        ],
    )(x, mean_v, std_v, We, be, Wb, bb, Wc, bc)


def _sc_call(vals, rank):
    mesh = plsc.VectorSubcoreMesh(core_axis_name="c", subcore_axis_name="s")

    @functools.partial(
        pl.kernel,
        mesh=mesh,
        compiler_params=pltpu.CompilerParams(needs_layout_passes=False),
        out_type=jax.ShapeDtypeStruct((B, 6, KP), jnp.float32),
        scratch_types=[
            pltpu.VMEM((N,), jnp.int32),
            pltpu.VMEM((64, 128), jnp.float32),
            pltpu.VMEM((8, 128), jnp.int32),
            pltpu.VMEM((6, KP), jnp.float32),
        ],
    )
    def k(vals_hbm, rank_hbm, out_hbm, rank_v, vals_v, inv_v, out_v):
        cid = lax.axis_index("c")
        sid = lax.axis_index("s")
        wid = sid * 2 + cid

        @pl.when(wid < B)
        def _():
            pltpu.sync_copy(rank_hbm.at[wid], rank_v)
            pltpu.sync_copy(vals_hbm.at[wid], vals_v)
            for g in range(N // 16):
                rv = rank_v[pl.ds(g * 16, 16)]
                iv = lax.iota(jnp.int32, 16) + g * 16
                plsc.store_scatter(inv_v, [rv >> 7, rv & 127], iv)
            for rg in range(KP // 16):
                src = inv_v[rg >> 3, pl.ds((rg & 7) * 16, 16)]
                for c in range(6):
                    out_v[c, pl.ds(rg * 16, 16)] = plsc.load_gather(
                        vals_v, [(c * 8) + (src >> 7), src & 127])
            pltpu.sync_copy(out_v, out_hbm.at[wid])

    return k(vals, rank)


def kernel(x, W_embed, b_embed, W_box, b_box, W_cls, b_cls):
    mean_v = jnp.repeat(jnp.asarray(_MEAN, jnp.float32), P * P).reshape(1, PD)
    std_v = jnp.repeat(jnp.asarray(_STD, jnp.float32), P * P).reshape(1, PD)
    vals, rank = _tc_call(x, mean_v, std_v, W_embed,
                          b_embed.reshape(1, D), W_box, b_box.reshape(1, 4),
                          W_cls, b_cls.reshape(1, C))
    out = _sc_call(vals.reshape(B, 64, 128), rank.reshape(B, N))
    return out[:, :, :K].transpose(0, 2, 1)

# --- scband reference (transcript-rebuilt; emitter-appended) ---
"""Pipeline reference for scband-deploy-model-11733850653251 (READ-ONLY COPY).

The authoritative reference and input builder live on the scoring server;
editing this copy changes nothing except your own understanding.
"""

import jax, jax.numpy as jnp
import numpy as np

B, H, W, P = 8, 512, 512, 16
N = (H // P) * (W // P)  # 1024 queries
PATCH_DIM = 3 * P * P     # 768
D = 256
C = 80
MAX_DET = 300


def setup_inputs(seed: int = 0) -> dict:
    key = jax.random.key(seed)
    ks = jax.random.split(key, 6)
    x = jax.random.uniform(ks[0], (B, 3, H, W), jnp.float32, 0.0, 255.0)
    W_embed = jax.random.normal(ks[1], (PATCH_DIM, D), jnp.float32) * 0.02
    b_embed = jnp.zeros((D,), jnp.float32)
    W_box = jax.random.normal(ks[2], (D, 4), jnp.float32) * 0.02
    b_box = jnp.zeros((4,), jnp.float32)
    W_cls = jax.random.normal(ks[3], (D, C), jnp.float32) * 0.02
    b_cls = jnp.zeros((C,), jnp.float32)
    return {"x": x, "W_embed": W_embed, "b_embed": b_embed, "W_box": W_box,
            "b_box": b_box, "W_cls": W_cls, "b_cls": b_cls}


def reference(x, W_embed, b_embed, W_box, b_box, W_cls, b_cls):
    mean = jnp.array([123.675, 116.28, 103.53], jnp.float32).reshape(1, 3, 1, 1)
    std = jnp.array([58.395, 57.12, 57.375], jnp.float32).reshape(1, 3, 1, 1)
    x = x.astype(jnp.float32)
    x = x[:, jnp.array([2, 1, 0]), :, :]
    x = (x - mean) / std
    Bn, Cc, Hh, Ww = x.shape
    # core_model stub: DETR-like patch-embed head producing (pred_boxes, pred_logits)
    patches = x.reshape(Bn, Cc, Hh // P, P, Ww // P, P)
    patches = patches.transpose(0, 2, 4, 1, 3, 5).reshape(Bn, (Hh // P) * (Ww // P), Cc * P * P)
    feats = jnp.tanh(patches @ W_embed + b_embed)
    pred_boxes = jax.nn.sigmoid(feats @ W_box + b_box)
    pred_logits = feats @ W_cls + b_cls
    # post-processing from DeployModel.forward
    probs = jax.nn.sigmoid(pred_logits)
    max_scores = jnp.max(probs, axis=-1)
    best_labels = jnp.argmax(probs, axis=-1)
    k = min(MAX_DET, pred_logits.shape[1])
    topk_scores, topk_indices = jax.lax.top_k(max_scores, k)
    selected_boxes = jnp.take_along_axis(pred_boxes, topk_indices[:, :, None], axis=1)
    selected_labels = jnp.take_along_axis(best_labels, topk_indices, axis=1)
    out_cx = selected_boxes[:, :, 0]
    out_cy = selected_boxes[:, :, 1]
    out_w = selected_boxes[:, :, 2]
    out_h = selected_boxes[:, :, 3]
    out_score = topk_scores
    out_cls = selected_labels.astype(jnp.float32)
    final_output = jnp.stack([out_cx, out_cy, out_w, out_h, out_score, out_cls], axis=2)
    return final_output

if __name__ == "__main__":
    import jax
    _d = setup_inputs()
    print(jax.jit(kernel)(*tuple(_d.values())))

</pallas_src>

<mosaic_0001>
#map = affine_map<(d0, d1) -> (0, 0, 0)>
#map1 = affine_map<(d0, d1) -> (0, 0)>
module attributes {stable_mosaic.version = 14 : i64} {
  func.func @k(%arg0: i32, %arg1: i32, %arg2: memref<8x64x128xf32, #tpu.memory_space<hbm>>, %arg3: memref<8x1024xi32, #tpu.memory_space<hbm>>, %arg4: memref<8x6x304xf32, #tpu.memory_space<hbm>>, %arg5: memref<1024xi32, #tpu.memory_space<vmem>>, %arg6: memref<64x128xf32, #tpu.memory_space<vmem>>, %arg7: memref<8x128xi32, #tpu.memory_space<vmem>>, %arg8: memref<6x304xf32, #tpu.memory_space<vmem>>) attributes {dimension_semantics = [#tpu.dimension_semantics<core_parallel>, #tpu.dimension_semantics<subcore_parallel>], iteration_bounds = array<i64: 2, 16>, scalar_prefetch = 0 : i64, scratch_operands = 4 : i64, tpu.core_type = #tpu.core_type<sc_vector_subcore>, window_params = [{transform_indices = #map}, {transform_indices = #map1}, {transform_indices = #map}]} {
    %mul3A = arith.constant 2 : i32
    %mul3A_0 = arith.muli %arg1, %mul3A : i32
    %add3A = arith.addi %mul3A_0, %arg0 : i32
    %lt3A = arith.constant 8 : i32
    %lt3A_1 = arith.cmpi slt, %add3A, %lt3A : i32
    %convert_element_type3A = arith.extui %lt3A_1 : i1 to i32
    %cond3A = arith.constant 0 : i32
    %cond3A_2 = arith.cmpi ne, %convert_element_type3A, %cond3A : i32
    scf.if %cond3A_2 {
      "tpu.region"() ({
        %run_scoped3A = tpu.sem_alloc : memref<!tpu.dma_semaphore, #tpu.memory_space<semaphore_mem>>
        %dma_start3A = arith.constant 0 : i32
        %dma_start3A_2437 = tpu.memref_slice %arg3[%add3A, %dma_start3A] : memref<8x1024xi32, #tpu.memory_space<hbm>> -> memref<1x1024xi32, #tpu.memory_space<hbm>>
        %dma_start3A_2438 = tpu.memref_squeeze %dma_start3A_2437 : memref<1x1024xi32, #tpu.memory_space<hbm>> -> memref<1024xi32, #tpu.memory_space<hbm>>
        %dma_start3A_2439 = arith.constant 0 : i32
        %dma_start3A_2440 = tpu.memref_slice %arg3[%add3A, %dma_start3A_2439] : memref<8x1024xi32, #tpu.memory_space<hbm>> -> memref<1x1024xi32, #tpu.memory_space<hbm>>
        %dma_start3A_2441 = tpu.memref_squeeze %dma_start3A_2440 : memref<1x1024xi32, #tpu.memory_space<hbm>> -> memref<1024xi32, #tpu.memory_space<hbm>>
        tpu.enqueue_dma source(%dma_start3A_2441 : memref<1024xi32, #tpu.memory_space<hbm>>) target(%arg5 : memref<1024xi32, #tpu.memory_space<vmem>>) target_semaphore(%run_scoped3A : memref<!tpu.dma_semaphore, #tpu.memory_space<semaphore_mem>>)
        %dma_wait3A = arith.constant 0 : i32
        %dma_wait3A_2442 = tpu.memref_slice %arg3[%add3A, %dma_wait3A] : memref<8x1024xi32, #tpu.memory_space<hbm>> -> memref<1x1024xi32, #tpu.memory_space<hbm>>
        %dma_wait3A_2443 = tpu.memref_squeeze %dma_wait3A_2442 : memref<1x1024xi32, #tpu.memory_space<hbm>> -> memref<1024xi32, #tpu.memory_space<hbm>>
        %dma_wait3A_2444 = arith.constant 0 : i32
        %dma_wait3A_2445 = tpu.memref_slice %arg3[%add3A, %dma_wait3A_2444] : memref<8x1024xi32, #tpu.memory_space<hbm>> -> memref<1x1024xi32, #tpu.memory_space<hbm>>
        %dma_wait3A_2446 = tpu.memref_squeeze %dma_wait3A_2445 : memref<1x1024xi32, #tpu.memory_space<hbm>> -> memref<1024xi32, #tpu.memory_space<hbm>>
        tpu.wait_dma2 semaphore(%run_scoped3A : memref<!tpu.dma_semaphore, #tpu.memory_space<semaphore_mem>>) src(%dma_wait3A_2446 : memref<1024xi32, #tpu.memory_space<hbm>>) dst(%arg5 : memref<1024xi32, #tpu.memory_space<vmem>>)
        tpu.yield
      }) : () -> ()
      "tpu.region"() ({
        %run_scoped3A = tpu.sem_alloc : memref<!tpu.dma_semaphore, #tpu.memory_space<semaphore_mem>>
        %dma_start3A = arith.constant 0 : i32
        %dma_start3A_2437 = arith.constant 0 : i32
        %dma_start3A_2438 = tpu.memref_slice %arg2[%add3A, %dma_start3A, %dma_start3A_2437] : memref<8x64x128xf32, #tpu.memory_space<hbm>> -> memref<1x64x128xf32, #tpu.memory_space<hbm>>
        %dma_start3A_2439 = tpu.memref_squeeze %dma_start3A_2438 : memref<1x64x128xf32, #tpu.memory_space<hbm>> -> memref<64x128xf32, #tpu.memory_space<hbm>>
        %dma_start3A_2440 = arith.constant 0 : i32
        %dma_start3A_2441 = arith.constant 0 : i32
        %dma_start3A_2442 = tpu.memref_slice %arg2[%add3A, %dma_start3A_2440, %dma_start3A_2441] : memref<8x64x128xf32, #tpu.memory_space<hbm>> -> memref<1x64x128xf32, #tpu.memory_space<hbm>>
        %dma_start3A_2443 = tpu.memref_squeeze %dma_start3A_2442 : memref<1x64x128xf32, #tpu.memory_space<hbm>> -> memref<64x128xf32, #tpu.memory_space<hbm>>
        tpu.enqueue_dma source(%dma_start3A_2443 : memref<64x128xf32, #tpu.memory_space<hbm>>) target(%arg6 : memref<64x128xf32, #tpu.memory_space<vmem>>) target_semaphore(%run_scoped3A : memref<!tpu.dma_semaphore, #tpu.memory_space<semaphore_mem>>)
        %dma_wait3A = arith.constant 0 : i32
        %dma_wait3A_2444 = arith.constant 0 : i32
        %dma_wait3A_2445 = tpu.memref_slice %arg2[%add3A, %dma_wait3A, %dma_wait3A_2444] : memref<8x64x128xf32, #tpu.memory_space<hbm>> -> memref<1x64x128xf32, #tpu.memory_space<hbm>>
        %dma_wait3A_2446 = tpu.memref_squeeze %dma_wait3A_2445 : memref<1x64x128xf32, #tpu.memory_space<hbm>> -> memref<64x128xf32, #tpu.memory_space<hbm>>
        %dma_wait3A_2447 = arith.constant 0 : i32
        %dma_wait3A_2448 = arith.constant 0 : i32
        %dma_wait3A_2449 = tpu.memref_slice %arg2[%add3A, %dma_wait3A_2447, %dma_wait3A_2448] : memref<8x64x128xf32, #tpu.memory_space<hbm>> -> memref<1x64x128xf32, #tpu.memory_space<hbm>>
        %dma_wait3A_2450 = tpu.memref_squeeze %dma_wait3A_2449 : memref<1x64x128xf32, #tpu.memory_space<hbm>> -> memref<64x128xf32, #tpu.memory_space<hbm>>
        tpu.wait_dma2 semaphore(%run_scoped3A : memref<!tpu.dma_semaphore, #tpu.memory_space<semaphore_mem>>) src(%dma_wait3A_2450 : memref<64x128xf32, #tpu.memory_space<hbm>>) dst(%arg6 : memref<64x128xf32, #tpu.memory_space<vmem>>)
        tpu.yield
      }) : () -> ()
      %get3A = arith.constant 0 : index
      %get3A_3 = tpu.vector_load %arg5[%get3A] {strides = array<i32>} : memref<1024xi32, #tpu.memory_space<vmem>>, vector<16xi32>,
      %iota3A = tpu.iota {dimensions = array<i32: 0>} : vector<16xi32>
      %add3A_4 = arith.constant 0 : i32
      %add3A_5 = vector.broadcast %add3A_4 : i32 to vector<16xi32>
      %add3A_6 = arith.addi %iota3A, %add3A_5 : vector<16xi32>
      %shift_right_arithmetic3A = arith.constant 7 : i32
      %shift_right_arithmetic3A_7 = vector.broadcast %shift_right_arithmetic3A : i32 to vector<16xi32>
      %shift_right_arithmetic3A_8 = arith.shrsi %get3A_3, %shift_right_arithmetic3A_7 : vector<16xi32>
      %and3A = arith.constant 127 : i32
      %and3A_9 = vector.broadcast %and3A : i32 to vector<16xi32>
      %and3A_10 = arith.andi %get3A_3, %and3A_9 : vector<16xi32>
      tpu.vector_store_idx %arg7[%shift_right_arithmetic3A_8, %and3A_10], %add3A_6 : memref<8x128xi32, #tpu.memory_space<vmem>>[vector<16xi32>, vector<16xi32>], vector<16xi32>,
      %get3A_11 = arith.constant 16 : index
      %get3A_12 = tpu.vector_load %arg5[%get3A_11] {strides = array<i32>} : memref<1024xi32, #tpu.memory_space<vmem>>, vector<16xi32>,
      %iota3A_13 = tpu.iota {dimensions = array<i32: 0>} : vector<16xi32>
      %add3A_14 = arith.constant 16 : i32
      %add3A_15 = vector.broadcast %add3A_14 : i32 to vector<16xi32>
      %add3A_16 = arith.addi %iota3A_13, %add3A_15 : vector<16xi32>
      %shift_right_arithmetic3A_17 = arith.constant 7 : i32
      %shift_right_arithmetic3A_18 = vector.broadcast %shift_right_arithmetic3A_17 : i32 to vector<16xi32>
      %shift_right_arithmetic3A_19 = arith.shrsi %get3A_12, %shift_right_arithmetic3A_18 : vector<16xi32>
      %and3A_20 = arith.constant 127 : i32
      %and3A_21 = vector.broadcast %and3A_20 : i32 to vector<16xi32>
      %and3A_22 = arith.andi %get3A_12, %and3A_21 : vector<16xi32>
      tpu.vector_store_idx %arg7[%shift_right_arithmetic3A_19, %and3A_22], %add3A_16 : memref<8x128xi32, #tpu.memory_space<vmem>>[vector<16xi32>, vector<16xi32>], vector<16xi32>,
      %get3A_23 = arith.constant 32 : index
      %get3A_24 = tpu.vector_load %arg5[%get3A_23] {strides = array<i32>} : memref<1024xi32, #tpu.memory_space<vmem>>, vector<16xi32>,
      %iota3A_25 = tpu.iota {dimensions = array<i32: 0>} : vector<16xi32>
      %add3A_26 = arith.constant 32 : i32
      %add3A_27 = vector.broadcast %add3A_26 : i32 to vector<16xi32>
      %add3A_28 = arith.addi %iota3A_25, %add3A_27 : vector<16xi32>
      %shift_right_arithmetic3A_29 = arith.constant 7 : i32
      %shift_right_arithmetic3A_30 = vector.broadcast %shift_right_arithmetic3A_29 : i32 to vector<16xi32>
      %shift_right_arithmetic3A_31 = arith.shrsi %get3A_24, %shift_right_arithmetic3A_30 : vector<16xi32>
      %and3A_32 = arith.constant 127 : i32
      %and3A_33 = vector.broadcast %and3A_32 : i32 to vector<16xi32>
      %and3A_34 = arith.andi %get3A_24, %and3A_33 : vector<16xi32>
      tpu.vector_store_idx %arg7[%shift_right_arithmetic3A_31, %and3A_34], %add3A_28 : memref<8x128xi32, #tpu.memory_space<vmem>>[vector<16xi32>, vector<16xi32>], vector<16xi32>,
      %get3A_35 = arith.constant 48 : index
      %get3A_36 = tpu.vector_load %arg5[%get3A_35] {strides = array<i32>} : memref<1024xi32, #tpu.memory_space<vmem>>, vector<16xi32>,
      %iota3A_37 = tpu.iota {dimensions = array<i32: 0>} : vector<16xi32>
      %add3A_38 = arith.constant 48 : i32
      %add3A_39 = vector.broadcast %add3A_38 : i32 to vector<16xi32>
      %add3A_40 = arith.addi %iota3A_37, %add3A_39 : vector<16xi32>
      %shift_right_arithmetic3A_41 = arith.constant 7 : i32
      %shift_right_arithmetic3A_42 = vector.broadcast %shift_right_arithmetic3A_41 : i32 to vector<16xi32>
      %shift_right_arithmetic3A_43 = arith.shrsi %get3A_36, %shift_right_arithmetic3A_42 : vector<16xi32>
      %and3A_44 = arith.constant 127 : i32
      %and3A_45 = vector.broadcast %and3A_44 : i32 to vector<16xi32>
      %and3A_46 = arith.andi %get3A_36, %and3A_45 : vector<16xi32>
      tpu.vector_store_idx %arg7[%shift_right_arithmetic3A_43, %and3A_46], %add3A_40 : memref<8x128xi32, #tpu.memory_space<vmem>>[vector<16xi32>, vector<16xi32>], vector<16xi32>,
      %get3A_47 = arith.constant 64 : index
      %get3A_48 = tpu.vector_load %arg5[%get3A_47] {strides = array<i32>} : memref<1024xi32, #tpu.memory_space<vmem>>, vector<16xi32>,
      %iota3A_49 = tpu.iota {dimensions = array<i32: 0>} : vector<16xi32>
      %add3A_50 = arith.constant 64 : i32
      %add3A_51 = vector.broadcast %add3A_50 : i32 to vector<16xi32>
      %add3A_52 = arith.addi %iota3A_49, %add3A_51 : vector<16xi32>
      %shift_right_arithmetic3A_53 = arith.constant 7 : i32
      %shift_right_arithmetic3A_54 = vector.broadcast %shift_right_arithmetic3A_53 : i32 to vector<16xi32>
      %shift_right_arithmetic3A_55 = arith.shrsi %get3A_48, %shift_right_arithmetic3A_54 : vector<16xi32>
      %and3A_56 = arith.constant 127 : i32
      %and3A_57 = vector.broadcast %and3A_56 : i32 to vector<16xi32>
      %and3A_58 = arith.andi %get3A_48, %and3A_57 : vector<16xi32>
      tpu.vector_store_idx %arg7[%shift_right_arithmetic3A_55, %and3A_58], %add3A_52 : memref<8x128xi32, #tpu.memory_space<vmem>>[vector<16xi32>, vector<16xi32>], vector<16xi32>,
      %get3A_59 = arith.constant 80 : index
      %get3A_60 = tpu.vector_load %arg5[%get3A_59] {strides = array<i32>} : memref<1024xi32, #tpu.memory_space<vmem>>, vector<16xi32>,
      %iota3A_61 = tpu.iota {dimensions = array<i32: 0>} : vector<16xi32>
      %add3A_62 = arith.constant 80 : i32
      %add3A_63 = vector.broadcast %add3A_62 : i32 to vector<16xi32>
      %add3A_64 = arith.addi %iota3A_61, %add3A_63 : vector<16xi32>
      %shift_right_arithmetic3A_65 = arith.constant 7 : i32
      %shift_right_arithmetic3A_66 = vector.broadcast %shift_right_arithmetic3A_65 : i32 to vector<16xi32>
      %shift_right_arithmetic3A_67 = arith.shrsi %get3A_60, %shift_right_arithmetic3A_66 : vector<16xi32>
      %and3A_68 = arith.constant 127 : i32
      %and3A_69 = vector.broadcast %and3A_68 : i32 to vector<16xi32>
      %and3A_70 = arith.andi %get3A_60, %and3A_69 : vector<16xi32>
      tpu.vector_store_idx %arg7[%shift_right_arithmetic3A_67, %and3A_70], %add3A_64 : memref<8x128xi32, #tpu.memory_space<vmem>>[vector<16xi32>, vector<16xi32>], vector<16xi32>,
      %get3A_71 = arith.constant 96 : index
      %get3A_72 = tpu.vector_load %arg5[%get3A_71] {strides = array<i32>} : memref<1024xi32, #tpu.memory_space<vmem>>, vector<16xi32>,
      %iota3A_73 = tpu.iota {dimensions = array<i32: 0>} : vector<16xi32>
      %add3A_74 = arith.constant 96 : i32
      %add3A_75 = vector.broadcast %add3A_74 : i32 to vector<16xi32>
      %add3A_76 = arith.addi %iota3A_73, %add3A_75 : vector<16xi32>
      %shift_right_arithmetic3A_77 = arith.constant 7 : i32
      %shift_right_arithmetic3A_78 = vector.broadcast %shift_right_arithmetic3A_77 : i32 to vector<16xi32>
      %shift_right_arithmetic3A_79 = arith.shrsi %get3A_72, %shift_right_arithmetic3A_78 : vector<16xi32>
      %and3A_80 = arith.constant 127 : i32
      %and3A_81 = vector.broadcast %and3A_80 : i32 to vector<16xi32>
      %and3A_82 = arith.andi %get3A_72, %and3A_81 : vector<16xi32>
      tpu.vector_store_idx %arg7[%shift_right_arithmetic3A_79, %and3A_82], %add3A_76 : memref<8x128xi32, #tpu.memory_space<vmem>>[vector<16xi32>, vector<16xi32>], vector<16xi32>,
      %get3A_83 = arith.constant 112 : index
      %get3A_84 = tpu.vector_load %arg5[%get3A_83] {strides = array<i32>} : memref<1024xi32, #tpu.memory_space<vmem>>, vector<16xi32>,
      %iota3A_85 = tpu.iota {dimensions = array<i32: 0>} : vector<16xi32>
      %add3A_86 = arith.constant 112 : i32
      %add3A_87 = vector.broadcast %add3A_86 : i32 to vector<16xi32>
      %add3A_88 = arith.addi %iota3A_85, %add3A_87 : vector<16xi32>
      %shift_right_arithmetic3A_89 = arith.constant 7 : i32
      %shift_right_arithmetic3A_90 = vector.broadcast %shift_right_arithmetic3A_89 : i32 to vector<16xi32>
      %shift_right_arithmetic3A_91 = arith.shrsi %get3A_84, %shift_right_arithmetic3A_90 : vector<16xi32>
      %and3A_92 = arith.constant 127 : i32
      %and3A_93 = vector.broadcast %and3A_92 : i32 to vector<16xi32>
      %and3A_94 = arith.andi %get3A_84, %and3A_93 : vector<16xi32>
      tpu.vector_store_idx %arg7[%shift_right_arithmetic3A_91, %and3A_94], %add3A_88 : memref<8x128xi32, #tpu.memory_space<vmem>>[vector<16xi32>, vector<16xi32>], vector<16xi32>,
      %get3A_95 = arith.constant 128 : index
      %get3A_96 = tpu.vector_load %arg5[%get3A_95] {strides = array<i32>} : memref<1024xi32, #tpu.memory_space<vmem>>, vector<16xi32>,
      %iota3A_97 = tpu.iota {dimensions = array<i32: 0>} : vector<16xi32>
      %add3A_98 = arith.constant 128 : i32
      %add3A_99 = vector.broadcast %add3A_98 : i32 to vector<16xi32>
      %add3A_100 = arith.addi %iota3A_97, %add3A_99 : vector<16xi32>
      %shift_right_arithmetic3A_101 = arith.constant 7 : i32
      %shift_right_arithmetic3A_102 = vector.broadcast %shift_right_arithmetic3A_101 : i32 to vector<16xi32>
      %shift_right_arithmetic3A_103 = arith.shrsi %get3A_96, %shift_right_arithmetic3A_102 : vector<16xi32>
      %and3A_104 = arith.constant 127 : i32
      %and3A_105 = vector.broadcast %and3A_104 : i32 to vector<16xi32>
      %and3A_106 = arith.andi %get3A_96, %and3A_105 : vector<16xi32>
      tpu.vector_store_idx %arg7[%shift_right_arithmetic3A_103, %and3A_106], %add3A_100 : memref<8x128xi32, #tpu.memory_space<vmem>>[vector<16xi32>, vector<16xi32>], vector<16xi32>,
      %get3A_107 = arith.constant 144 : index
      %get3A_108 = tpu.vector_load %arg5[%get3A_107] {strides = array<i32>} : memref<1024xi32, #tpu.memory_space<vmem>>, vector<16xi32>,
      %iota3A_109 = tpu.iota {dimensions = array<i32: 0>} : vector<16xi32>
      %add3A_110 = arith.constant 144 : i32
      %add3A_111 = vector.broadcast %add3A_110 : i32 to vector<16xi32>
      %add3A_112 = arith.addi %iota3A_109, %add3A_111 : vector<16xi32>
      %shift_right_arithmetic3A_113 = arith.constant 7 : i32
      %shift_right_arithmetic3A_114 = vector.broadcast %shift_right_arithmetic3A_113 : i32 to vector<16xi32>
      %shift_right_arithmetic3A_115 = arith.shrsi %get3A_108, %shift_right_arithmetic3A_114 : vector<16xi32>
      %and3A_116 = arith.constant 127 : i32
      %and3A_117 = vector.broadcast %and3A_116 : i32 to vector<16xi32>
      %and3A_118 = arith.andi %get3A_108, %and3A_117 : vector<16xi32>
      tpu.vector_store_idx %arg7[%shift_right_arithmetic3A_115, %and3A_118], %add3A_112 : memref<8x128xi32, #tpu.memory_space<vmem>>[vector<16xi32>, vector<16xi32>], vector<16xi32>,
      %get3A_119 = arith.constant 160 : index
      %get3A_120 = tpu.vector_load %arg5[%get3A_119] {strides = array<i32>} : memref<1024xi32, #tpu.memory_space<vmem>>, vector<16xi32>,
      %iota3A_121 = tpu.iota {dimensions = array<i32: 0>} : vector<16xi32>
      %add3A_122 = arith.constant 160 : i32
      %add3A_123 = vector.broadcast %add3A_122 : i32 to vector<16xi32>
      %add3A_124 = arith.addi %iota3A_121, %add3A_123 : vector<16xi32>
      %shift_right_arithmetic3A_125 = arith.constant 7 : i32
      %shift_right_arithmetic3A_126 = vector.broadcast %shift_right_arithmetic3A_125 : i32 to vector<16xi32>
      %shift_right_arithmetic3A_127 = arith.shrsi %get3A_120, %shift_right_arithmetic3A_126 : vector<16xi32>
      %and3A_128 = arith.constant 127 : i32
      %and3A_129 = vector.broadcast %and3A_128 : i32 to vector<16xi32>
      %and3A_130 = arith.andi %get3A_120, %and3A_129 : vector<16xi32>
      tpu.vector_store_idx %arg7[%shift_right_arithmetic3A_127, %and3A_130], %add3A_124 : memref<8x128xi32, #tpu.memory_space<vmem>>[vector<16xi32>, vector<16xi32>], vector<16xi32>,
      %get3A_131 = arith.constant 176 : index
      %get3A_132 = tpu.vector_load %arg5[%get3A_131] {strides = array<i32>} : memref<1024xi32, #tpu.memory_space<vmem>>, vector<16xi32>,
      %iota3A_133 = tpu.iota {dimensions = array<i32: 0>} : vector<16xi32>
      %add3A_134 = arith.constant 176 : i32
      %add3A_135 = vector.broadcast %add3A_134 : i32 to vector<16xi32>
      %add3A_136 = arith.addi %iota3A_133, %add3A_135 : vector<16xi32>
      %shift_right_arithmetic3A_137 = arith.constant 7 : i32
      %shift_right_arithmetic3A_138 = vector.broadcast %shift_right_arithmetic3A_137 : i32 to vector<16xi32>
      %shift_right_arithmetic3A_139 = arith.shrsi %get3A_132, %shift_right_arithmetic3A_138 : vector<16xi32>
      %and3A_140 = arith.constant 127 : i32
      %and3A_141 = vector.broadcast %and3A_140 : i32 to vector<16xi32>
      %and3A_142 = arith.andi %get3A_132, %and3A_141 : vector<16xi32>
      tpu.vector_store_idx %arg7[%shift_right_arithmetic3A_139, %and3A_142], %add3A_136 : memref<8x128xi32, #tpu.memory_space<vmem>>[vector<16xi32>, vector<16xi32>], vector<16xi32>,
      %get3A_143 = arith.constant 192 : index
      %get3A_144 = tpu.vector_load %arg5[%get3A_143] {strides = array<i32>} : memref<1024xi32, #tpu.memory_space<vmem>>, vector<16xi32>,
      %iota3A_145 = tpu.iota {dimensions = array<i32: 0>} : vector<16xi32>
      %add3A_146 = arith.constant 192 : i32
      %add3A_147 = vector.broadcast %add3A_146 : i32 to vector<16xi32>
      %add3A_148 = arith.addi %iota3A_145, %add3A_147 : vector<16xi32>
      %shift_right_arithmetic3A_149 = arith.constant 7 : i32
      %shift_right_arithmetic3A_150 = vector.broadcast %shift_right_arithmetic3A_149 : i32 to vector<16xi32>
      %shift_right_arithmetic3A_151 = arith.shrsi %get3A_144, %shift_right_arithmetic3A_150 : vector<16xi32>
      %and3A_152 = arith.constant 127 : i32
      %and3A_153 = vector.broadcast %and3A_152 : i32 to vector<16xi32>
      %and3A_154 = arith.andi %get3A_144, %and3A_153 : vector<16xi32>
      tpu.vector_store_idx %arg7[%shift_right_arithmetic3A_151, %and3A_154], %add3A_148 : memref<8x128xi32, #tpu.memory_space<vmem>>[vector<16xi32>, vector<16xi32>], vector<16xi32>,
      %get3A_155 = arith.constant 208 : index
      %get3A_156 = tpu.vector_load %arg5[%get3A_155] {strides = array<i32>} : memref<1024xi32, #tpu.memory_space<vmem>>, vector<16xi32>,
      %iota3A_157 = tpu.iota {dimensions = array<i32: 0>} : vector<16xi32>
      %add3A_158 = arith.constant 208 : i32
      %add3A_159 = vector.broadcast %add3A_158 : i32 to vector<16xi32>
      %add3A_160 = arith.addi %iota3A_157, %add3A_159 : vector<16xi32>
      %shift_right_arithmetic3A_161 = arith.constant 7 : i32
      %shift_right_arithmetic3A_162 = vector.broadcast %shift_right_arithmetic3A_161 : i32 to vector<16xi32>
      %shift_right_arithmetic3A_163 = arith.shrsi %get3A_156, %shift_right_arithmetic3A_162 : vector<16xi32>
      %and3A_164 = arith.constant 127 : i32
      %and3A_165 = vector.broadcast %and3A_164 : i32 to vector<16xi32>
      %and3A_166 = arith.andi %get3A_156, %and3A_165 : vector<16xi32>
      tpu.vector_store_idx %arg7[%shift_right_arithmetic3A_163, %and3A_166], %add3A_160 : memref<8x128xi32, #tpu.memory_space<vmem>>[vector<16xi32>, vector<16xi32>], vector<16xi32>,
      %get3A_167 = arith.constant 224 : index
      %get3A_168 = tpu.vector_load %arg5[%get3A_167] {strides = array<i32>} : memref<1024xi32, #tpu.memory_space<vmem>>, vector<16xi32>,
      %iota3A_169 = tpu.iota {dimensions = array<i32: 0>} : vector<16xi32>
      %add3A_170 = arith.constant 224 : i32
      %add3A_171 = vector.broadcast %add3A_170 : i32 to vector<16xi32>
      %add3A_172 = arith.addi %iota3A_169, %add3A_171 : vector<16xi32>
      %shift_right_arithmetic3A_173 = arith.constant 7 : i32
      %shift_right_arithmetic3A_174 = vector.broadcast %shift_right_arithmetic3A_173 : i32 to vector<16xi32>
      %shift_right_arithmetic3A_175 = arith.shrsi %get3A_168, %shift_right_arithmetic3A_174 : vector<16xi32>
      %and3A_176 = arith.constant 127 : i32
      %and3A_177 = vector.broadcast %and3A_176 : i32 to vector<16xi32>
      %and3A_178 = arith.andi %get3A_168, %and3A_177 : vector<16xi32>
      tpu.vector_store_idx %arg7[%shift_right_arithmetic3A_175, %and3A_178], %add3A_172 : memref<8x128xi32, #tpu.memory_space<vmem>>[vector<16xi32>, vector<16xi32>], vector<16xi32>,
      %get3A_179 = arith.constant 240 : index
      %get3A_180 = tpu.vector_load %arg5[%get3A_179] {strides = array<i32>} : memref<1024xi32, #tpu.memory_space<vmem>>, vector<16xi32>,
      %iota3A_181 = tpu.iota {dimensions = array<i32: 0>} : vector<16xi32>
      %add3A_182 = arith.constant 240 : i32
      %add3A_183 = vector.broadcast %add3A_182 : i32 to vector<16xi32>
      %add3A_184 = arith.addi %iota3A_181, %add3A_183 : vector<16xi32>
      %shift_right_arithmetic3A_185 = arith.constant 7 : i32
      %shift_right_arithmetic3A_186 = vector.broadcast %shift_right_arithmetic3A_185 : i32 to vector<16xi32>
      %shift_right_arithmetic3A_187 = arith.shrsi %get3A_180, %shift_right_arithmetic3A_186 : vector<16xi32>
      %and3A_188 = arith.constant 127 : i32
      %and3A_189 = vector.broadcast %and3A_188 : i32 to vector<16xi32>
      %and3A_190 = arith.andi %get3A_180, %and3A_189 : vector<16xi32>
      tpu.vector_store_idx %arg7[%shift_right_arithmetic3A_187, %and3A_190], %add3A_184 : memref<8x128xi32, #tpu.memory_space<vmem>>[vector<16xi32>, vector<16xi32>], vector<16xi32>,
      %get3A_191 = arith.constant 256 : index
      %get3A_192 = tpu.vector_load %arg5[%get3A_191] {strides = array<i32>} : memref<1024xi32, #tpu.memory_space<vmem>>, vector<16xi32>,
      %iota3A_193 = tpu.iota {dimensions = array<i32: 0>} : vector<16xi32>
      %add3A_194 = arith.constant 256 : i32
      %add3A_195 = vector.broadcast %add3A_194 : i32 to vector<16xi32>
      %add3A_196 = arith.addi %iota3A_193, %add3A_195 : vector<16xi32>
      %shift_right_arithmetic3A_197 = arith.constant 7 : i32
      %shift_right_arithmetic3A_198 = vector.broadcast %shift_right_arithmetic3A_197 : i32 to vector<16xi32>
      %shift_right_arithmetic3A_199 = arith.shrsi %get3A_192, %shift_right_arithmetic3A_198 : vector<16xi32>
      %and3A_200 = arith.constant 127 : i32
      %and3A_201 = vector.broadcast %and3A_200 : i32 to vector<16xi32>
      %and3A_202 = arith.andi %get3A_192, %and3A_201 : vector<16xi32>
      tpu.vector_store_idx %arg7[%shift_right_arithmetic3A_199, %and3A_202], %add3A_196 : memref<8x128xi32, #tpu.memory_space<vmem>>[vector<16xi32>, vector<16xi32>], vector<16xi32>,
      %get3A_203 = arith.constant 272 : index
      %get3A_204 = tpu.vector_load %arg5[%get3A_203] {strides = array<i32>} : memref<1024xi32, #tpu.memory_space<vmem>>, vector<16xi32>,
      %iota3A_205 = tpu.iota {dimensions = array<i32: 0>} : vector<16xi32>
      %add3A_206 = arith.constant 272 : i32
      %add3A_207 = vector.broadcast %add3A_206 : i32 to vector<16xi32>
      %add3A_208 = arith.addi %iota3A_205, %add3A_207 : vector<16xi32>
      %shift_right_arithmetic3A_209 = arith.constant 7 : i32
      %shift_right_arithmetic3A_210 = vector.broadcast %shift_right_arithmetic3A_209 : i32 to vector<16xi32>
      %shift_right_arithmetic3A_211 = arith.shrsi %get3A_204, %shift_right_arithmetic3A_210 : vector<16xi32>
      %and3A_212 = arith.constant 127 : i32
      %and3A_213 = vector.broadcast %and3A_212 : i32 to vector<16xi32>
      %and3A_214 = arith.andi %get3A_204, %and3A_213 : vector<16xi32>
      tpu.vector_store_idx %arg7[%shift_right_arithmetic3A_211, %and3A_214], %add3A_208 : memref<8x128xi32, #tpu.memory_space<vmem>>[vector<16xi32>, vector<16xi32>], vector<16xi32>,
      %get3A_215 = arith.constant 288 : index
      %get3A_216 = tpu.vector_load %arg5[%get3A_215] {strides = array<i32>} : memref<1024xi32, #tpu.memory_space<vmem>>, vector<16xi32>,
      %iota3A_217 = tpu.iota {dimensions = array<i32: 0>} : vector<16xi32>
      %add3A_218 = arith.constant 288 : i32
      %add3A_219 = vector.broadcast %add3A_218 : i32 to vector<16xi32>
      %add3A_220 = arith.addi %iota3A_217, %add3A_219 : vector<16xi32>
      %shift_right_arithmetic3A_221 = arith.constant 7 : i32
      %shift_right_arithmetic3A_222 = vector.broadcast %shift_right_arithmetic3A_221 : i32 to vector<16xi32>
      %shift_right_arithmetic3A_223 = arith.shrsi %get3A_216, %shift_right_arithmetic3A_222 : vector<16xi32>
      %and3A_224 = arith.constant 127 : i32
      %and3A_225 = vector.broadcast %and3A_224 : i32 to vector<16xi32>
      %and3A_226 = arith.andi %get3A_216, %and3A_225 : vector<16xi32>
      tpu.vector_store_idx %arg7[%shift_right_arithmetic3A_223, %and3A_226], %add3A_220 : memref<8x128xi32, #tpu.memory_space<vmem>>[vector<16xi32>, vector<16xi32>], vector<16xi32>,
      %get3A_227 = arith.constant 304 : index
      %get3A_228 = tpu.vector_load %arg5[%get3A_227] {strides = array<i32>} : memref<1024xi32, #tpu.memory_space<vmem>>, vector<16xi32>,
      %iota3A_229 = tpu.iota {dimensions = array<i32: 0>} : vector<16xi32>
      %add3A_230 = arith.constant 304 : i32
      %add3A_231 = vector.broadcast %add3A_230 : i32 to vector<16xi32>
      %add3A_232 = arith.addi %iota3A_229, %add3A_231 : vector<16xi32>
      %shift_right_arithmetic3A_233 = arith.constant 7 : i32
      %shift_right_arithmetic3A_234 = vector.broadcast %shift_right_arithmetic3A_233 : i32 to vector<16xi32>
      %shift_right_arithmetic3A_235 = arith.shrsi %get3A_228, %shift_right_arithmetic3A_234 : vector<16xi32>
      %and3A_236 = arith.constant 127 : i32
      %and3A_237 = vector.broadcast %and3A_236 : i32 to vector<16xi32>
      %and3A_238 = arith.andi %get3A_228, %and3A_237 : vector<16xi32>
      tpu.vector_store_idx %arg7[%shift_right_arithmetic3A_235, %and3A_238], %add3A_232 : memref<8x128xi32, #tpu.memory_space<vmem>>[vector<16xi32>, vector<16xi32>], vector<16xi32>,
      %get3A_239 = arith.constant 320 : index
      %get3A_240 = tpu.vector_load %arg5[%get3A_239] {strides = array<i32>} : memref<1024xi32, #tpu.memory_space<vmem>>, vector<16xi32>,
      %iota3A_241 = tpu.iota {dimensions = array<i32: 0>} : vector<16xi32>
      %add3A_242 = arith.constant 320 : i32
      %add3A_243 = vector.broadcast %add3A_242 : i32 to vector<16xi32>
      %add3A_244 = arith.addi %iota3A_241, %add3A_243 : vector<16xi32>
      %shift_right_arithmetic3A_245 = arith.constant 7 : i32
      %shift_right_arithmetic3A_246 = vector.broadcast %shift_right_arithmetic3A_245 : i32 to vector<16xi32>
      %shift_right_arithmetic3A_247 = arith.shrsi %get3A_240, %shift_right_arithmetic3A_246 : vector<16xi32>
      %and3A_248 = arith.constant 127 : i32
      %and3A_249 = vector.broadcast %and3A_248 : i32 to vector<16xi32>
      %and3A_250 = arith.andi %get3A_240, %and3A_249 : vector<16xi32>
      tpu.vector_store_idx %arg7[%shift_right_arithmetic3A_247, %and3A_250], %add3A_244 : memref<8x128xi32, #tpu.memory_space<vmem>>[vector<16xi32>, vector<16xi32>], vector<16xi32>,
      %get3A_251 = arith.constant 336 : index
      %get3A_252 = tpu.vector_load %arg5[%get3A_251] {strides = array<i32>} : memref<1024xi32, #tpu.memory_space<vmem>>, vector<16xi32>,
      %iota3A_253 = tpu.iota {dimensions = array<i32: 0>} : vector<16xi32>
      %add3A_254 = arith.constant 336 : i32
      %add3A_255 = vector.broadcast %add3A_254 : i32 to vector<16xi32>
      %add3A_256 = arith.addi %iota3A_253, %add3A_255 : vector<16xi32>
      %shift_right_arithmetic3A_257 = arith.constant 7 : i32
      %shift_right_arithmetic3A_258 = vector.broadcast %shift_right_arithmetic3A_257 : i32 to vector<16xi32>
      %shift_right_arithmetic3A_259 = arith.shrsi %get3A_252, %shift_right_arithmetic3A_258 : vector<16xi32>
      %and3A_260 = arith.constant 127 : i32
      %and3A_261 = vector.broadcast %and3A_260 : i32 to vector<16xi32>
      %and3A_262 = arith.andi %get3A_252, %and3A_261 : vector<16xi32>
      tpu.vector_store_idx %arg7[%shift_right_arithmetic3A_259, %and3A_262], %add3A_256 : memref<8x128xi32, #tpu.memory_space<vmem>>[vector<16xi32>, vector<16xi32>], vector<16xi32>,
      %get3A_263 = arith.constant 352 : index
      %get3A_264 = tpu.vector_load %arg5[%get3A_263] {strides = array<i32>} : memref<1024xi32, #tpu.memory_space<vmem>>, vector<16xi32>,
      %iota3A_265 = tpu.iota {dimensions = array<i32: 0>} : vector<16xi32>
      %add3A_266 = arith.constant 352 : i32
      %add3A_267 = vector.broadcast %add3A_266 : i32 to vector<16xi32>
      %add3A_268 = arith.addi %iota3A_265, %add3A_267 : vector<16xi32>
      %shift_right_arithmetic3A_269 = arith.constant 7 : i32
      %shift_right_arithmetic3A_270 = vector.broadcast %shift_right_arithmetic3A_269 : i32 to vector<16xi32>
      %shift_right_arithmetic3A_271 = arith.shrsi %get3A_264, %shift_right_arithmetic3A_270 : vector<16xi32>
      %and3A_272 = arith.constant 127 : i32
      %and3A_273 = vector.broadcast %and3A_272 : i32 to vector<16xi32>
      %and3A_274 = arith.andi %get3A_264, %and3A_273 : vector<16xi32>
      tpu.vector_store_idx %arg7[%shift_right_arithmetic3A_271, %and3A_274], %add3A_268 : memref<8x128xi32, #tpu.memory_space<vmem>>[vector<16xi32>, vector<16xi32>], vector<16xi32>,
      %get3A_275 = arith.constant 368 : index
      %get3A_276 = tpu.vector_load %arg5[%get3A_275] {strides = array<i32>} : memref<1024xi32, #tpu.memory_space<vmem>>, vector<16xi32>,
      %iota3A_277 = tpu.iota {dimensions = array<i32: 0>} : vector<16xi32>
      %add3A_278 = arith.constant 368 : i32
      %add3A_279 = vector.broadcast %add3A_278 : i32 to vector<16xi32>
      %add3A_280 = arith.addi %iota3A_277, %add3A_279 : vector<16xi32>
      %shift_right_arithmetic3A_281 = arith.constant 7 : i32
      %shift_right_arithmetic3A_282 = vector.broadcast %shift_right_arithmetic3A_281 : i32 to vector<16xi32>
      %shift_right_arithmetic3A_283 = arith.shrsi %get3A_276, %shift_right_arithmetic3A_282 : vector<16xi32>
      %and3A_284 = arith.constant 127 : i32
      %and3A_285 = vector.broadcast %and3A_284 : i32 to vector<16xi32>
      %and3A_286 = arith.andi %get3A_276, %and3A_285 : vector<16xi32>
      tpu.vector_store_idx %arg7[%shift_right_arithmetic3A_283, %and3A_286], %add3A_280 : memref<8x128xi32, #tpu.memory_space<vmem>>[vector<16xi32>, vector<16xi32>], vector<16xi32>,
      %get3A_287 = arith.constant 384 : index
      %get3A_288 = tpu.vector_load %arg5[%get3A_287] {strides = array<i32>} : memref<1024xi32, #tpu.memory_space<vmem>>, vector<16xi32>,
      %iota3A_289 = tpu.iota {dimensions = array<i32: 0>} : vector<16xi32>
      %add3A_290 = arith.constant 384 : i32
      %add3A_291 = vector.broadcast %add3A_290 : i32 to vector<16xi32>
      %add3A_292 = arith.addi %iota3A_289, %add3A_291 : vector<16xi32>
      %shift_right_arithmetic3A_293 = arith.constant 7 : i32
      %shift_right_arithmetic3A_294 = vector.broadcast %shift_right_arithmetic3A_293 : i32 to vector<16xi32>
      %shift_right_arithmetic3A_295 = arith.shrsi %get3A_288, %shift_right_arithmetic3A_294 : vector<16xi32>
      %and3A_296 = arith.constant 127 : i32
      %and3A_297 = vector.broadcast %and3A_296 : i32 to vector<16xi32>
      %and3A_298 = arith.andi %get3A_288, %and3A_297 : vector<16xi32>
      tpu.vector_store_idx %arg7[%shift_right_arithmetic3A_295, %and3A_298], %add3A_292 : memref<8x128xi32, #tpu.memory_space<vmem>>[vector<16xi32>, vector<16xi32>], vector<16xi32>,
      %get3A_299 = arith.constant 400 : index
      %get3A_300 = tpu.vector_load %arg5[%get3A_299] {strides = array<i32>} : memref<1024xi32, #tpu.memory_space<vmem>>, vector<16xi32>,
      %iota3A_301 = tpu.iota {dimensions = array<i32: 0>} : vector<16xi32>
      %add3A_302 = arith.constant 400 : i32
      %add3A_303 = vector.broadcast %add3A_302 : i32 to vector<16xi32>
      %add3A_304 = arith.addi %iota3A_301, %add3A_303 : vector<16xi32>
      %shift_right_arithmetic3A_305 = arith.constant 7 : i32
      %shift_right_arithmetic3A_306 = vector.broadcast %shift_right_arithmetic3A_305 : i32 to vector<16xi32>
      %shift_right_arithmetic3A_307 = arith.shrsi %get3A_300, %shift_right_arithmetic3A_306 : vector<16xi32>
      %and3A_308 = arith.constant 127 : i32
      %and3A_309 = vector.broadcast %and3A_308 : i32 to vector<16xi32>
      %and3A_310 = arith.andi %get3A_300, %and3A_309 : vector<16xi32>
      tpu.vector_store_idx %arg7[%shift_right_arithmetic3A_307, %and3A_310], %add3A_304 : memref<8x128xi32, #tpu.memory_space<vmem>>[vector<16xi32>, vector<16xi32>], vector<16xi32>,
      %get3A_311 = arith.constant 416 : index
      %get3A_312 = tpu.vector_load %arg5[%get3A_311] {strides = array<i32>} : memref<1024xi32, #tpu.memory_space<vmem>>, vector<16xi32>,
      %iota3A_313 = tpu.iota {dimensions = array<i32: 0>} : vector<16xi32>
      %add3A_314 = arith.constant 416 : i32
      %add3A_315 = vector.broadcast %add3A_314 : i32 to vector<16xi32>
      %add3A_316 = arith.addi %iota3A_313, %add3A_315 : vector<16xi32>
      %shift_right_arithmetic3A_317 = arith.constant 7 : i32
      %shift_right_arithmetic3A_318 = vector.broadcast %shift_right_arithmetic3A_317 : i32 to vector<16xi32>
      %shift_right_arithmetic3A_319 = arith.shrsi %get3A_312, %shift_right_arithmetic3A_318 : vector<16xi32>
      %and3A_320 = arith.constant 127 : i32
      %and3A_321 = vector.broadcast %and3A_320 : i32 to vector<16xi32>
      %and3A_322 = arith.andi %get3A_312, %and3A_321 : vector<16xi32>
      tpu.vector_store_idx %arg7[%shift_right_arithmetic3A_319, %and3A_322], %add3A_316 : memref<8x128xi32, #tpu.memory_space<vmem>>[vector<16xi32>, vector<16xi32>], vector<16xi32>,
      %get3A_323 = arith.constant 432 : index
      %get3A_324 = tpu.vector_load %arg5[%get3A_323] {strides = array<i32>} : memref<1024xi32, #tpu.memory_space<vmem>>, vector<16xi32>,
      %iota3A_325 = tpu.iota {dimensions = array<i32: 0>} : vector<16xi32>
      %add3A_326 = arith.constant 432 : i32
      %add3A_327 = vector.broadcast %add3A_326 : i32 to vector<16xi32>
      %add3A_328 = arith.addi %iota3A_325, %add3A_327 : vector<16xi32>
      %shift_right_arithmetic3A_329 = arith.constant 7 : i32
      %shift_right_arithmetic3A_330 = vector.broadcast %shift_right_arithmetic3A_329 : i32 to vector<16xi32>
      %shift_right_arithmetic3A_331 = arith.shrsi %get3A_324, %shift_right_arithmetic3A_330 : vector<16xi32>
      %and3A_332 = arith.constant 127 : i32
      %and3A_333 = vector.broadcast %and3A_332 : i32 to vector<16xi32>
      %and3A_334 = arith.andi %get3A_324, %and3A_333 : vector<16xi32>
      tpu.vector_store_idx %arg7[%shift_right_arithmetic3A_331, %and3A_334], %add3A_328 : memref<8x128xi32, #tpu.memory_space<vmem>>[vector<16xi32>, vector<16xi32>], vector<16xi32>,
      %get3A_335 = arith.constant 448 : index
      %get3A_336 = tpu.vector_load %arg5[%get3A_335] {strides = array<i32>} : memref<1024xi32, #tpu.memory_space<vmem>>, vector<16xi32>,
      %iota3A_337 = tpu.iota {dimensions = array<i32: 0>} : vector<16xi32>
      %add3A_338 = arith.constant 448 : i32
      %add3A_339 = vector.broadcast %add3A_338 : i32 to vector<16xi32>
      %add3A_340 = arith.addi %iota3A_337, %add3A_339 : vector<16xi32>
      %shift_right_arithmetic3A_341 = arith.constant 7 : i32
      %shift_right_arithmetic3A_342 = vector.broadcast %shift_right_arithmetic3A_341 : i32 to vector<16xi32>
      %shift_right_arithmetic3A_343 = arith.shrsi %get3A_336, %shift_right_arithmetic3A_342 : vector<16xi32>
      %and3A_344 = arith.constant 127 : i32
      %and3A_345 = vector.broadcast %and3A_344 : i32 to vector<16xi32>
      %and3A_346 = arith.andi %get3A_336, %and3A_345 : vector<16xi32>
      tpu.vector_store_idx %arg7[%shift_right_arithmetic3A_343, %and3A_346], %add3A_340 : memref<8x128xi32, #tpu.memory_space<vmem>>[vector<16xi32>, vector<16xi32>], vector<16xi32>,
      %get3A_347 = arith.constant 464 : index
      %get3A_348 = tpu.vector_load %arg5[%get3A_347] {strides = array<i32>} : memref<1024xi32, #tpu.memory_space<vmem>>, vector<16xi32>,
      %iota3A_349 = tpu.iota {dimensions = array<i32: 0>} : vector<16xi32>
      %add3A_350 = arith.constant 464 : i32
      %add3A_351 = vector.broadcast %add3A_350 : i32 to vector<16xi32>
      %add3A_352 = arith.addi %iota3A_349, %add3A_351 : vector<16xi32>
      %shift_right_arithmetic3A_353 = arith.constant 7 : i32
      %shift_right_arithmetic3A_354 = vector.broadcast %shift_right_arithmetic3A_353 : i32 to vector<16xi32>
      %shift_right_arithmetic3A_355 = arith.shrsi %get3A_348, %shift_right_arithmetic3A_354 : vector<16xi32>
      %and3A_356 = arith.constant 127 : i32
      %and3A_357 = vector.broadcast %and3A_356 : i32 to vector<16xi32>
      %and3A_358 = arith.andi %get3A_348, %and3A_357 : vector<16xi32>
      tpu.vector_store_idx %arg7[%shift_right_arithmetic3A_355, %and3A_358], %add3A_352 : memref<8x128xi32, #tpu.memory_space<vmem>>[vector<16xi32>, vector<16xi32>], vector<16xi32>,
      %get3A_359 = arith.constant 480 : index
      %get3A_360 = tpu.vector_load %arg5[%get3A_359] {strides = array<i32>} : memref<1024xi32, #tpu.memory_space<vmem>>, vector<16xi32>,
      %iota3A_361 = tpu.iota {dimensions = array<i32: 0>} : vector<16xi32>
      %add3A_362 = arith.constant 480 : i32
      %add3A_363 = vector.broadcast %add3A_362 : i32 to vector<16xi32>
      %add3A_364 = arith.addi %iota3A_361, %add3A_363 : vector<16xi32>
      %shift_right_arithmetic3A_365 = arith.constant 7 : i32
      %shift_right_arithmetic3A_366 = vector.broadcast %shift_right_arithmetic3A_365 : i32 to vector<16xi32>
      %shift_right_arithmetic3A_367 = arith.shrsi %get3A_360, %shift_right_arithmetic3A_366 : vector<16xi32>
      %and3A_368 = arith.constant 127 : i32
      %and3A_369 = vector.broadcast %and3A_368 : i32 to vector<16xi32>
      %and3A_370 = arith.andi %get3A_360, %and3A_369 : vector<16xi32>
      tpu.vector_store_idx %arg7[%shift_right_arithmetic3A_367, %and3A_370], %add3A_364 : memref<8x128xi32, #tpu.memory_space<vmem>>[vector<16xi32>, vector<16xi32>], vector<16xi32>,
      %get3A_371 = arith.constant 496 : index
      %get3A_372 = tpu.vector_load %arg5[%get3A_371] {strides = array<i32>} : memref<1024xi32, #tpu.memory_space<vmem>>, vector<16xi32>,
      %iota3A_373 = tpu.iota {dimensions = array<i32: 0>} : vector<16xi32>
      %add3A_374 = arith.constant 496 : i32
      %add3A_375 = vector.broadcast %add3A_374 : i32 to vector<16xi32>
      %add3A_376 = arith.addi %iota3A_373, %add3A_375 : vector<16xi32>
      %shift_right_arithmetic3A_377 = arith.constant 7 : i32
      %shift_right_arithmetic3A_378 = vector.broadcast %shift_right_arithmetic3A_377 : i32 to vector<16xi32>
      %shift_right_arithmetic3A_379 = arith.shrsi %get3A_372, %shift_right_arithmetic3A_378 : vector<16xi32>
      %and3A_380 = arith.constant 127 : i32
      %and3A_381 = vector.broadcast %and3A_380 : i32 to vector<16xi32>
      %and3A_382 = arith.andi %get3A_372, %and3A_381 : vector<16xi32>
      tpu.vector_store_idx %arg7[%shift_right_arithmetic3A_379, %and3A_382], %add3A_376 : memref<8x128xi32, #tpu.memory_space<vmem>>[vector<16xi32>, vector<16xi32>], vector<16xi32>,
      %get3A_383 = arith.constant 512 : index
      %get3A_384 = tpu.vector_load %arg5[%get3A_383] {strides = array<i32>} : memref<1024xi32, #tpu.memory_space<vmem>>, vector<16xi32>,
      %iota3A_385 = tpu.iota {dimensions = array<i32: 0>} : vector<16xi32>
      %add3A_386 = arith.constant 512 : i32
      %add3A_387 = vector.broadcast %add3A_386 : i32 to vector<16xi32>
      %add3A_388 = arith.addi %iota3A_385, %add3A_387 : vector<16xi32>
      %shift_right_arithmetic3A_389 = arith.constant 7 : i32
      %shift_right_arithmetic3A_390 = vector.broadcast %shift_right_arithmetic3A_389 : i32 to vector<16xi32>
      %shift_right_arithmetic3A_391 = arith.shrsi %get3A_384, %shift_right_arithmetic3A_390 : vector<16xi32>
      %and3A_392 = arith.constant 127 : i32
      %and3A_393 = vector.broadcast %and3A_392 : i32 to vector<16xi32>
      %and3A_394 = arith.andi %get3A_384, %and3A_393 : vector<16xi32>
      tpu.vector_store_idx %arg7[%shift_right_arithmetic3A_391, %and3A_394], %add3A_388 : memref<8x128xi32, #tpu.memory_space<vmem>>[vector<16xi32>, vector<16xi32>], vector<16xi32>,
      %get3A_395 = arith.constant 528 : index
      %get3A_396 = tpu.vector_load %arg5[%get3A_395] {strides = array<i32>} : memref<1024xi32, #tpu.memory_space<vmem>>, vector<16xi32>,
      %iota3A_397 = tpu.iota {dimensions = array<i32: 0>} : vector<16xi32>
      %add3A_398 = arith.constant 528 : i32
      %add3A_399 = vector.broadcast %add3A_398 : i32 to vector<16xi32>
      %add3A_400 = arith.addi %iota3A_397, %add3A_399 : vector<16xi32>
      %shift_right_arithmetic3A_401 = arith.constant 7 : i32
      %shift_right_arithmetic3A_402 = vector.broadcast %shift_right_arithmetic3A_401 : i32 to vector<16xi32>
      %shift_right_arithmetic3A_403 = arith.shrsi %get3A_396, %shift_right_arithmetic3A_402 : vector<16xi32>
      %and3A_404 = arith.constant 127 : i32
      %and3A_405 = vector.broadcast %and3A_404 : i32 to vector<16xi32>
      %and3A_406 = arith.andi %get3A_396, %and3A_405 : vector<16xi32>
      tpu.vector_store_idx %arg7[%shift_right_arithmetic3A_403, %and3A_406], %add3A_400 : memref<8x128xi32, #tpu.memory_space<vmem>>[vector<16xi32>, vector<16xi32>], vector<16xi32>,
      %get3A_407 = arith.constant 544 : index
      %get3A_408 = tpu.vector_load %arg5[%get3A_407] {strides = array<i32>} : memref<1024xi32, #tpu.memory_space<vmem>>, vector<16xi32>,
      %iota3A_409 = tpu.iota {dimensions = array<i32: 0>} : vector<16xi32>
      %add3A_410 = arith.constant 544 : i32
      %add3A_411 = vector.broadcast %add3A_410 : i32 to vector<16xi32>
      %add3A_412 = arith.addi %iota3A_409, %add3A_411 : vector<16xi32>
      %shift_right_arithmetic3A_413 = arith.constant 7 : i32
      %shift_right_arithmetic3A_414 = vector.broadcast %shift_right_arithmetic3A_413 : i32 to vector<16xi32>
      %shift_right_arithmetic3A_415 = arith.shrsi %get3A_408, %shift_right_arithmetic3A_414 : vector<16xi32>
      %and3A_416 = arith.constant 127 : i32
      %and3A_417 = vector.broadcast %and3A_416 : i32 to vector<16xi32>
      %and3A_418 = arith.andi %get3A_408, %and3A_417 : vector<16xi32>
      tpu.vector_store_idx %arg7[%shift_right_arithmetic3A_415, %and3A_418], %add3A_412 : memref<8x128xi32, #tpu.memory_space<vmem>>[vector<16xi32>, vector<16xi32>], vector<16xi32>,
      %get3A_419 = arith.constant 560 : index
      %get3A_420 = tpu.vector_load %arg5[%get3A_419] {strides = array<i32>} : memref<1024xi32, #tpu.memory_space<vmem>>, vector<16xi32>,
      %iota3A_421 = tpu.iota {dimensions = array<i32: 0>} : vector<16xi32>
      %add3A_422 = arith.constant 560 : i32
      %add3A_423 = vector.broadcast %add3A_422 : i32 to vector<16xi32>
      %add3A_424 = arith.addi %iota3A_421, %add3A_423 : vector<16xi32>
      %shift_right_arithmetic3A_425 = arith.constant 7 : i32
      %shift_right_arithmetic3A_426 = vector.broadcast %shift_right_arithmetic3A_425 : i32 to vector<16xi32>
      %shift_right_arithmetic3A_427 = arith.shrsi %get3A_420, %shift_right_arithmetic3A_426 : vector<16xi32>
      %and3A_428 = arith.constant 127 : i32
      %and3A_429 = vector.broadcast %and3A_428 : i32 to vector<16xi32>
      %and3A_430 = arith.andi %get3A_420, %and3A_429 : vector<16xi32>
      tpu.vector_store_idx %arg7[%shift_right_arithmetic3A_427, %and3A_430], %add3A_424 : memref<8x128xi32, #tpu.memory_space<vmem>>[vector<16xi32>, vector<16xi32>], vector<16xi32>,
      %get3A_431 = arith.constant 576 : index
      %get3A_432 = tpu.vector_load %arg5[%get3A_431] {strides = array<i32>} : memref<1024xi32, #tpu.memory_space<vmem>>, vector<16xi32>,
      %iota3A_433 = tpu.iota {dimensions = array<i32: 0>} : vector<16xi32>
      %add3A_434 = arith.constant 576 : i32
      %add3A_435 = vector.broadcast %add3A_434 : i32 to vector<16xi32>
      %add3A_436 = arith.addi %iota3A_433, %add3A_435 : vector<16xi32>
      %shift_right_arithmetic3A_437 = arith.constant 7 : i32
      %shift_right_arithmetic3A_438 = vector.broadcast %shift_right_arithmetic3A_437 : i32 to vector<16xi32>
      %shift_right_arithmetic3A_439 = arith.shrsi %get3A_432, %shift_right_arithmetic3A_438 : vector<16xi32>
      %and3A_440 = arith.constant 127 : i32
      %and3A_441 = vector.broadcast %and3A_440 : i32 to vector<16xi32>
      %and3A_442 = arith.andi %get3A_432, %and3A_441 : vector<16xi32>
      tpu.vector_store_idx %arg7[%shift_right_arithmetic3A_439, %and3A_442], %add3A_436 : memref<8x128xi32, #tpu.memory_space<vmem>>[vector<16xi32>, vector<16xi32>], vector<16xi32>,
      %get3A_443 = arith.constant 592 : index
      %get3A_444 = tpu.vector_load %arg5[%get3A_443] {strides = array<i32>} : memref<1024xi32, #tpu.memory_space<vmem>>, vector<16xi32>,
      %iota3A_445 = tpu.iota {dimensions = array<i32: 0>} : vector<16xi32>
      %add3A_446 = arith.constant 592 : i32
      %add3A_447 = vector.broadcast %add3A_446 : i32 to vector<16xi32>
      %add3A_448 = arith.addi %iota3A_445, %add3A_447 : vector<16xi32>
      %shift_right_arithmetic3A_449 = arith.constant 7 : i32
      %shift_right_arithmetic3A_450 = vector.broadcast %shift_right_arithmetic3A_449 : i32 to vector<16xi32>
      %shift_right_arithmetic3A_451 = arith.shrsi %get3A_444, %shift_right_arithmetic3A_450 : vector<16xi32>
      %and3A_452 = arith.constant 127 : i32
      %and3A_453 = vector.broadcast %and3A_452 : i32 to vector<16xi32>
      %and3A_454 = arith.andi %get3A_444, %and3A_453 : vector<16xi32>
      tpu.vector_store_idx %arg7[%shift_right_arithmetic3A_451, %and3A_454], %add3A_448 : memref<8x128xi32, #tpu.memory_space<vmem>>[vector<16xi32>, vector<16xi32>], vector<16xi32>,
      %get3A_455 = arith.constant 608 : index
      %get3A_456 = tpu.vector_load %arg5[%get3A_455] {strides = array<i32>} : memref<1024xi32, #tpu.memory_space<vmem>>, vector<16xi32>,
      %iota3A_457 = tpu.iota {dimensions = array<i32: 0>} : vector<16xi32>
      %add3A_458 = arith.constant 608 : i32
      %add3A_459 = vector.broadcast %add3A_458 : i32 to vector<16xi32>
      %add3A_460 = arith.addi %iota3A_457, %add3A_459 : vector<16xi32>
      %shift_right_arithmetic3A_461 = arith.constant 7 : i32
      %shift_right_arithmetic3A_462 = vector.broadcast %shift_right_arithmetic3A_461 : i32 to vector<16xi32>
      %shift_right_arithmetic3A_463 = arith.shrsi %get3A_456, %shift_right_arithmetic3A_462 : vector<16xi32>
      %and3A_464 = arith.constant 127 : i32
      %and3A_465 = vector.broadcast %and3A_464 : i32 to vector<16xi32>
      %and3A_466 = arith.andi %get3A_456, %and3A_465 : vector<16xi32>
      tpu.vector_store_idx %arg7[%shift_right_arithmetic3A_463, %and3A_466], %add3A_460 : memref<8x128xi32, #tpu.memory_space<vmem>>[vector<16xi32>, vector<16xi32>], vector<16xi32>,
      %get3A_467 = arith.constant 624 : index
      %get3A_468 = tpu.vector_load %arg5[%get3A_467] {strides = array<i32>} : memref<1024xi32, #tpu.memory_space<vmem>>, vector<16xi32>,
      %iota3A_469 = tpu.iota {dimensions = array<i32: 0>} : vector<16xi32>
      %add3A_470 = arith.constant 624 : i32
      %add3A_471 = vector.broadcast %add3A_470 : i32 to vector<16xi32>
      %add3A_472 = arith.addi %iota3A_469, %add3A_471 : vector<16xi32>
      %shift_right_arithmetic3A_473 = arith.constant 7 : i32
      %shift_right_arithmetic3A_474 = vector.broadcast %shift_right_arithmetic3A_473 : i32 to vector<16xi32>
      %shift_right_arithmetic3A_475 = arith.shrsi %get3A_468, %shift_right_arithmetic3A_474 : vector<16xi32>
      %and3A_476 = arith.constant 127 : i32
      %and3A_477 = vector.broadcast %and3A_476 : i32 to vector<16xi32>
      %and3A_478 = arith.andi %get3A_468, %and3A_477 : vector<16xi32>
      tpu.vector_store_idx %arg7[%shift_right_arithmetic3A_475, %and3A_478], %add3A_472 : memref<8x128xi32, #tpu.memory_space<vmem>>[vector<16xi32>, vector<16xi32>], vector<16xi32>,
      %get3A_479 = arith.constant 640 : index
      %get3A_480 = tpu.vector_load %arg5[%get3A_479] {strides = array<i32>} : memref<1024xi32, #tpu.memory_space<vmem>>, vector<16xi32>,
      %iota3A_481 = tpu.iota {dimensions = array<i32: 0>} : vector<16xi32>
      %add3A_482 = arith.constant 640 : i32
      %add3A_483 = vector.broadcast %add3A_482 : i32 to vector<16xi32>
      %add3A_484 = arith.addi %iota3A_481, %add3A_483 : vector<16xi32>
      %shift_right_arithmetic3A_485 = arith.constant 7 : i32
      %shift_right_arithmetic3A_486 = vector.broadcast %shift_right_arithmetic3A_485 : i32 to vector<16xi32>
      %shift_right_arithmetic3A_487 = arith.shrsi %get3A_480, %shift_right_arithmetic3A_486 : vector<16xi32>
      %and3A_488 = arith.constant 127 : i32
      %and3A_489 = vector.broadcast %and3A_488 : i32 to vector<16xi32>
      %and3A_490 = arith.andi %get3A_480, %and3A_489 : vector<16xi32>
      tpu.vector_store_idx %arg7[%shift_right_arithmetic3A_487, %and3A_490], %add3A_484 : memref<8x128xi32, #tpu.memory_space<vmem>>[vector<16xi32>, vector<16xi32>], vector<16xi32>,
      %get3A_491 = arith.constant 656 : index
      %get3A_492 = tpu.vector_load %arg5[%get3A_491] {strides = array<i32>} : memref<1024xi32, #tpu.memory_space<vmem>>, vector<16xi32>,
      %iota3A_493 = tpu.iota {dimensions = array<i32: 0>} : vector<16xi32>
      %add3A_494 = arith.constant 656 : i32
      %add3A_495 = vector.broadcast %add3A_494 : i32 to vector<16xi32>
      %add3A_496 = arith.addi %iota3A_493, %add3A_495 : vector<16xi32>
      %shift_right_arithmetic3A_497 = arith.constant 7 : i32
      %shift_right_arithmetic3A_498 = vector.broadcast %shift_right_arithmetic3A_497 : i32 to vector<16xi32>
      %shift_right_arithmetic3A_499 = arith.shrsi %get3A_492, %shift_right_arithmetic3A_498 : vector<16xi32>
      %and3A_500 = arith.constant 127 : i32
      %and3A_501 = vector.broadcast %and3A_500 : i32 to vector<16xi32>
      %and3A_502 = arith.andi %get3A_492, %and3A_501 : vector<16xi32>
      tpu.vector_store_idx %arg7[%shift_right_arithmetic3A_499, %and3A_502], %add3A_496 : memref<8x128xi32, #tpu.memory_space<vmem>>[vector<16xi32>, vector<16xi32>], vector<16xi32>,
      %get3A_503 = arith.constant 672 : index
      %get3A_504 = tpu.vector_load %arg5[%get3A_503] {strides = array<i32>} : memref<1024xi32, #tpu.memory_space<vmem>>, vector<16xi32>,
      %iota3A_505 = tpu.iota {dimensions = array<i32: 0>} : vector<16xi32>
      %add3A_506 = arith.constant 672 : i32
      %add3A_507 = vector.broadcast %add3A_506 : i32 to vector<16xi32>
      %add3A_508 = arith.addi %iota3A_505, %add3A_507 : vector<16xi32>
      %shift_right_arithmetic3A_509 = arith.constant 7 : i32
      %shift_right_arithmetic3A_510 = vector.broadcast %shift_right_arithmetic3A_509 : i32 to vector<16xi32>
      %shift_right_arithmetic3A_511 = arith.shrsi %get3A_504, %shift_right_arithmetic3A_510 : vector<16xi32>
      %and3A_512 = arith.constant 127 : i32
      %and3A_513 = vector.broadcast %and3A_512 : i32 to vector<16xi32>
      %and3A_514 = arith.andi %get3A_504, %and3A_513 : vector<16xi32>
      tpu.vector_store_idx %arg7[%shift_right_arithmetic3A_511, %and3A_514], %add3A_508 : memref<8x128xi32, #tpu.memory_space<vmem>>[vector<16xi32>, vector<16xi32>], vector<16xi32>,
      %get3A_515 = arith.constant 688 : index
      %get3A_516 = tpu.vector_load %arg5[%get3A_515] {strides = array<i32>} : memref<1024xi32, #tpu.memory_space<vmem>>, vector<16xi32>,
      %iota3A_517 = tpu.iota {dimensions = array<i32: 0>} : vector<16xi32>
      %add3A_518 = arith.constant 688 : i32
      %add3A_519 = vector.broadcast %add3A_518 : i32 to vector<16xi32>
      %add3A_520 = arith.addi %iota3A_517, %add3A_519 : vector<16xi32>
      %shift_right_arithmetic3A_521 = arith.constant 7 : i32
      %shift_right_arithmetic3A_522 = vector.broadcast %shift_right_arithmetic3A_521 : i32 to vector<16xi32>
      %shift_right_arithmetic3A_523 = arith.shrsi %get3A_516, %shift_right_arithmetic3A_522 : vector<16xi32>
      %and3A_524 = arith.constant 127 : i32
      %and3A_525 = vector.broadcast %and3A_524 : i32 to vector<16xi32>
      %and3A_526 = arith.andi %get3A_516, %and3A_525 : vector<16xi32>
      tpu.vector_store_idx %arg7[%shift_right_arithmetic3A_523, %and3A_526], %add3A_520 : memref<8x128xi32, #tpu.memory_space<vmem>>[vector<16xi32>, vector<16xi32>], vector<16xi32>,
      %get3A_527 = arith.constant 704 : index
      %get3A_528 = tpu.vector_load %arg5[%get3A_527] {strides = array<i32>} : memref<1024xi32, #tpu.memory_space<vmem>>, vector<16xi32>,
      %iota3A_529 = tpu.iota {dimensions = array<i32: 0>} : vector<16xi32>
      %add3A_530 = arith.constant 704 : i32
      %add3A_531 = vector.broadcast %add3A_530 : i32 to vector<16xi32>
      %add3A_532 = arith.addi %iota3A_529, %add3A_531 : vector<16xi32>
      %shift_right_arithmetic3A_533 = arith.constant 7 : i32
      %shift_right_arithmetic3A_534 = vector.broadcast %shift_right_arithmetic3A_533 : i32 to vector<16xi32>
      %shift_right_arithmetic3A_535 = arith.shrsi %get3A_528, %shift_right_arithmetic3A_534 : vector<16xi32>
      %and3A_536 = arith.constant 127 : i32
      %and3A_537 = vector.broadcast %and3A_536 : i32 to vector<16xi32>
      %and3A_538 = arith.andi %get3A_528, %and3A_537 : vector<16xi32>
      tpu.vector_store_idx %arg7[%shift_right_arithmetic3A_535, %and3A_538], %add3A_532 : memref<8x128xi32, #tpu.memory_space<vmem>>[vector<16xi32>, vector<16xi32>], vector<16xi32>,
      %get3A_539 = arith.constant 720 : index
      %get3A_540 = tpu.vector_load %arg5[%get3A_539] {strides = array<i32>} : memref<1024xi32, #tpu.memory_space<vmem>>, vector<16xi32>,
      %iota3A_541 = tpu.iota {dimensions = array<i32: 0>} : vector<16xi32>
      %add3A_542 = arith.constant 720 : i32
      %add3A_543 = vector.broadcast %add3A_542 : i32 to vector<16xi32>
      %add3A_544 = arith.addi %iota3A_541, %add3A_543 : vector<16xi32>
      %shift_right_arithmetic3A_545 = arith.constant 7 : i32
      %shift_right_arithmetic3A_546 = vector.broadcast %shift_right_arithmetic3A_545 : i32 to vector<16xi32>
      %shift_right_arithmetic3A_547 = arith.shrsi %get3A_540, %shift_right_arithmetic3A_546 : vector<16xi32>
      %and3A_548 = arith.constant 127 : i32
      %and3A_549 = vector.broadcast %and3A_548 : i32 to vector<16xi32>
      %and3A_550 = arith.andi %get3A_540, %and3A_549 : vector<16xi32>
      tpu.vector_store_idx %arg7[%shift_right_arithmetic3A_547, %and3A_550], %add3A_544 : memref<8x128xi32, #tpu.memory_space<vmem>>[vector<16xi32>, vector<16xi32>], vector<16xi32>,
      %get3A_551 = arith.constant 736 : index
      %get3A_552 = tpu.vector_load %arg5[%get3A_551] {strides = array<i32>} : memref<1024xi32, #tpu.memory_space<vmem>>, vector<16xi32>,
      %iota3A_553 = tpu.iota {dimensions = array<i32: 0>} : vector<16xi32>
      %add3A_554 = arith.constant 736 : i32
      %add3A_555 = vector.broadcast %add3A_554 : i32 to vector<16xi32>
      %add3A_556 = arith.addi %iota3A_553, %add3A_555 : vector<16xi32>
      %shift_right_arithmetic3A_557 = arith.constant 7 : i32
      %shift_right_arithmetic3A_558 = vector.broadcast %shift_right_arithmetic3A_557 : i32 to vector<16xi32>
      %shift_right_arithmetic3A_559 = arith.shrsi %get3A_552, %shift_right_arithmetic3A_558 : vector<16xi32>
      %and3A_560 = arith.constant 127 : i32
      %and3A_561 = vector.broadcast %and3A_560 : i32 to vector<16xi32>
      %and3A_562 = arith.andi %get3A_552, %and3A_561 : vector<16xi32>
      tpu.vector_store_idx %arg7[%shift_right_arithmetic3A_559, %and3A_562], %add3A_556 : memref<8x128xi32, #tpu.memory_space<vmem>>[vector<16xi32>, vector<16xi32>], vector<16xi32>,
      %get3A_563 = arith.constant 752 : index
      %get3A_564 = tpu.vector_load %arg5[%get3A_563] {strides = array<i32>} : memref<1024xi32, #tpu.memory_space<vmem>>, vector<16xi32>,
      %iota3A_565 = tpu.iota {dimensions = array<i32: 0>} : vector<16xi32>
      %add3A_566 = arith.constant 752 : i32
      %add3A_567 = vector.broadcast %add3A_566 : i32 to vector<16xi32>
      %add3A_568 = arith.addi %iota3A_565, %add3A_567 : vector<16xi32>
      %shift_right_arithmetic3A_569 = arith.constant 7 : i32
      %shift_right_arithmetic3A_570 = vector.broadcast %shift_right_arithmetic3A_569 : i32 to vector<16xi32>
      %shift_right_arithmetic3A_571 = arith.shrsi %get3A_564, %shift_right_arithmetic3A_570 : vector<16xi32>
      %and3A_572 = arith.constant 127 : i32
      %and3A_573 = vector.broadcast %and3A_572 : i32 to vector<16xi32>
      %and3A_574 = arith.andi %get3A_564, %and3A_573 : vector<16xi32>
      tpu.vector_store_idx %arg7[%shift_right_arithmetic3A_571, %and3A_574], %add3A_568 : memref<8x128xi32, #tpu.memory_space<vmem>>[vector<16xi32>, vector<16xi32>], vector<16xi32>,
      %get3A_575 = arith.constant 768 : index
      %get3A_576 = tpu.vector_load %arg5[%get3A_575] {strides = array<i32>} : memref<1024xi32, #tpu.memory_space<vmem>>, vector<16xi32>,
      %iota3A_577 = tpu.iota {dimensions = array<i32: 0>} : vector<16xi32>
      %add3A_578 = arith.constant 768 : i32
      %add3A_579 = vector.broadcast %add3A_578 : i32 to vector<16xi32>
      %add3A_580 = arith.addi %iota3A_577, %add3A_579 : vector<16xi32>
      %shift_right_arithmetic3A_581 = arith.constant 7 : i32
      %shift_right_arithmetic3A_582 = vector.broadcast %shift_right_arithmetic3A_581 : i32 to vector<16xi32>
      %shift_right_arithmetic3A_583 = arith.shrsi %get3A_576, %shift_right_arithmetic3A_582 : vector<16xi32>
      %and3A_584 = arith.constant 127 : i32
      %and3A_585 = vector.broadcast %and3A_584 : i32 to vector<16xi32>
      %and3A_586 = arith.andi %get3A_576, %and3A_585 : vector<16xi32>
      tpu.vector_store_idx %arg7[%shift_right_arithmetic3A_583, %and3A_586], %add3A_580 : memref<8x128xi32, #tpu.memory_space<vmem>>[vector<16xi32>, vector<16xi32>], vector<16xi32>,
      %get3A_587 = arith.constant 784 : index
      %get3A_588 = tpu.vector_load %arg5[%get3A_587] {strides = array<i32>} : memref<1024xi32, #tpu.memory_space<vmem>>, vector<16xi32>,
      %iota3A_589 = tpu.iota {dimensions = array<i32: 0>} : vector<16xi32>
      %add3A_590 = arith.constant 784 : i32
      %add3A_591 = vector.broadcast %add3A_590 : i32 to vector<16xi32>
      %add3A_592 = arith.addi %iota3A_589, %add3A_591 : vector<16xi32>
      %shift_right_arithmetic3A_593 = arith.constant 7 : i32
      %shift_right_arithmetic3A_594 = vector.broadcast %shift_right_arithmetic3A_593 : i32 to vector<16xi32>
      %shift_right_arithmetic3A_595 = arith.shrsi %get3A_588, %shift_right_arithmetic3A_594 : vector<16xi32>
      %and3A_596 = arith.constant 127 : i32
      %and3A_597 = vector.broadcast %and3A_596 : i32 to vector<16xi32>
      %and3A_598 = arith.andi %get3A_588, %and3A_597 : vector<16xi32>
      tpu.vector_store_idx %arg7[%shift_right_arithmetic3A_595, %and3A_598], %add3A_592 : memref<8x128xi32, #tpu.memory_space<vmem>>[vector<16xi32>, vector<16xi32>], vector<16xi32>,
      %get3A_599 = arith.constant 800 : index
      %get3A_600 = tpu.vector_load %arg5[%get3A_599] {strides = array<i32>} : memref<1024xi32, #tpu.memory_space<vmem>>, vector<16xi32>,
      %iota3A_601 = tpu.iota {dimensions = array<i32: 0>} : vector<16xi32>
      %add3A_602 = arith.constant 800 : i32
      %add3A_603 = vector.broadcast %add3A_602 : i32 to vector<16xi32>
      %add3A_604 = arith.addi %iota3A_601, %add3A_603 : vector<16xi32>
      %shift_right_arithmetic3A_605 = arith.constant 7 : i32
      %shift_right_arithmetic3A_606 = vector.broadcast %shift_right_arithmetic3A_605 : i32 to vector<16xi32>
      %shift_right_arithmetic3A_607 = arith.shrsi %get3A_600, %shift_right_arithmetic3A_606 : vector<16xi32>
      %and3A_608 = arith.constant 127 : i32
      %and3A_609 = vector.broadcast %and3A_608 : i32 to vector<16xi32>
      %and3A_610 = arith.andi %get3A_600, %and3A_609 : vector<16xi32>
      tpu.vector_store_idx %arg7[%shift_right_arithmetic3A_607, %and3A_610], %add3A_604 : memref<8x128xi32, #tpu.memory_space<vmem>>[vector<16xi32>, vector<16xi32>], vector<16xi32>,
      %get3A_611 = arith.constant 816 : index
      %get3A_612 = tpu.vector_load %arg5[%get3A_611] {strides = array<i32>} : memref<1024xi32, #tpu.memory_space<vmem>>, vector<16xi32>,
      %iota3A_613 = tpu.iota {dimensions = array<i32: 0>} : vector<16xi32>
      %add3A_614 = arith.constant 816 : i32
      %add3A_615 = vector.broadcast %add3A_614 : i32 to vector<16xi32>
      %add3A_616 = arith.addi %iota3A_613, %add3A_615 : vector<16xi32>
      %shift_right_arithmetic3A_617 = arith.constant 7 : i32
      %shift_right_arithmetic3A_618 = vector.broadcast %shift_right_arithmetic3A_617 : i32 to vector<16xi32>
      %shift_right_arithmetic3A_619 = arith.shrsi %get3A_612, %shift_right_arithmetic3A_618 : vector<16xi32>
      %and3A_620 = arith.constant 127 : i32
      %and3A_621 = vector.broadcast %and3A_620 : i32 to vector<16xi32>
      %and3A_622 = arith.andi %get3A_612, %and3A_621 : vector<16xi32>
      tpu.vector_store_idx %arg7[%shift_right_arithmetic3A_619, %and3A_622], %add3A_616 : memref<8x128xi32, #tpu.memory_space<vmem>>[vector<16xi32>, vector<16xi32>], vector<16xi32>,
      %get3A_623 = arith.constant 832 : index
      %get3A_624 = tpu.vector_load %arg5[%get3A_623] {strides = array<i32>} : memref<1024xi32, #tpu.memory_space<vmem>>, vector<16xi32>,
      %iota3A_625 = tpu.iota {dimensions = array<i32: 0>} : vector<16xi32>
      %add3A_626 = arith.constant 832 : i32
      %add3A_627 = vector.broadcast %add3A_626 : i32 to vector<16xi32>
      %add3A_628 = arith.addi %iota3A_625, %add3A_627 : vector<16xi32>
      %shift_right_arithmetic3A_629 = arith.constant 7 : i32
      %shift_right_arithmetic3A_630 = vector.broadcast %shift_right_arithmetic3A_629 : i32 to vector<16xi32>
      %shift_right_arithmetic3A_631 = arith.shrsi %get3A_624, %shift_right_arithmetic3A_630 : vector<16xi32>
      %and3A_632 = arith.constant 127 : i32
      %and3A_633 = vector.broadcast %and3A_632 : i32 to vector<16xi32>
      %and3A_634 = arith.andi %get3A_624, %and3A_633 : vector<16xi32>
      tpu.vector_store_idx %arg7[%shift_right_arithmetic3A_631, %and3A_634], %add3A_628 : memref<8x128xi32, #tpu.memory_space<vmem>>[vector<16xi32>, vector<16xi32>], vector<16xi32>,
      %get3A_635 = arith.constant 848 : index
      %get3A_636 = tpu.vector_load %arg5[%get3A_635] {strides = array<i32>} : memref<1024xi32, #tpu.memory_space<vmem>>, vector<16xi32>,
      %iota3A_637 = tpu.iota {dimensions = array<i32: 0>} : vector<16xi32>
      %add3A_638 = arith.constant 848 : i32
      %add3A_639 = vector.broadcast %add3A_638 : i32 to vector<16xi32>
      %add3A_640 = arith.addi %iota3A_637, %add3A_639 : vector<16xi32>
      %shift_right_arithmetic3A_641 = arith.constant 7 : i32
      %shift_right_arithmetic3A_642 = vector.broadcast %shift_right_arithmetic3A_641 : i32 to vector<16xi32>
      %shift_right_arithmetic3A_643 = arith.shrsi %get3A_636, %shift_right_arithmetic3A_642 : vector<16xi32>
      %and3A_644 = arith.constant 127 : i32
      %and3A_645 = vector.broadcast %and3A_644 : i32 to vector<16xi32>
      %and3A_646 = arith.andi %get3A_636, %and3A_645 : vector<16xi32>
      tpu.vector_store_idx %arg7[%shift_right_arithmetic3A_643, %and3A_646], %add3A_640 : memref<8x128xi32, #tpu.memory_space<vmem>>[vector<16xi32>, vector<16xi32>], vector<16xi32>,
      %get3A_647 = arith.constant 864 : index
      %get3A_648 = tpu.vector_load %arg5[%get3A_647] {strides = array<i32>} : memref<1024xi32, #tpu.memory_space<vmem>>, vector<16xi32>,
      %iota3A_649 = tpu.iota {dimensions = array<i32: 0>} : vector<16xi32>
      %add3A_650 = arith.constant 864 : i32
      %add3A_651 = vector.broadcast %add3A_650 : i32 to vector<16xi32>
      %add3A_652 = arith.addi %iota3A_649, %add3A_651 : vector<16xi32>
      %shift_right_arithmetic3A_653 = arith.constant 7 : i32
      %shift_right_arithmetic3A_654 = vector.broadcast %shift_right_arithmetic3A_653 : i32 to vector<16xi32>
      %shift_right_arithmetic3A_655 = arith.shrsi %get3A_648, %shift_right_arithmetic3A_654 : vector<16xi32>
      %and3A_656 = arith.constant 127 : i32
      %and3A_657 = vector.broadcast %and3A_656 : i32 to vector<16xi32>
      %and3A_658 = arith.andi %get3A_648, %and3A_657 : vector<16xi32>
      tpu.vector_store_idx %arg7[%shift_right_arithmetic3A_655, %and3A_658], %add3A_652 : memref<8x128xi32, #tpu.memory_space<vmem>>[vector<16xi32>, vector<16xi32>], vector<16xi32>,
      %get3A_659 = arith.constant 880 : index
      %get3A_660 = tpu.vector_load %arg5[%get3A_659] {strides = array<i32>} : memref<1024xi32, #tpu.memory_space<vmem>>, vector<16xi32>,
      %iota3A_661 = tpu.iota {dimensions = array<i32: 0>} : vector<16xi32>
      %add3A_662 = arith.constant 880 : i32
      %add3A_663 = vector.broadcast %add3A_662 : i32 to vector<16xi32>
      %add3A_664 = arith.addi %iota3A_661, %add3A_663 : vector<16xi32>
      %shift_right_arithmetic3A_665 = arith.constant 7 : i32
      %shift_right_arithmetic3A_666 = vector.broadcast %shift_right_arithmetic3A_665 : i32 to vector<16xi32>
      %shift_right_arithmetic3A_667 = arith.shrsi %get3A_660, %shift_right_arithmetic3A_666 : vector<16xi32>
      %and3A_668 = arith.constant 127 : i32
      %and3A_669 = vector.broadcast %and3A_668 : i32 to vector<16xi32>
      %and3A_670 = arith.andi %get3A_660, %and3A_669 : vector<16xi32>
      tpu.vector_store_idx %arg7[%shift_right_arithmetic3A_667, %and3A_670], %add3A_664 : memref<8x128xi32, #tpu.memory_space<vmem>>[vector<16xi32>, vector<16xi32>], vector<16xi32>,
      %get3A_671 = arith.constant 896 : index
      %get3A_672 = tpu.vector_load %arg5[%get3A_671] {strides = array<i32>} : memref<1024xi32, #tpu.memory_space<vmem>>, vector<16xi32>,
      %iota3A_673 = tpu.iota {dimensions = array<i32: 0>} : vector<16xi32>
      %add3A_674 = arith.constant 896 : i32
      %add3A_675 = vector.broadcast %add3A_674 : i32 to vector<16xi32>
      %add3A_676 = arith.addi %iota3A_673, %add3A_675 : vector<16xi32>
      %shift_right_arithmetic3A_677 = arith.constant 7 : i32
      %shift_right_arithmetic3A_678 = vector.broadcast %shift_right_arithmetic3A_677 : i32 to vector<16xi32>
      %shift_right_arithmetic3A_679 = arith.shrsi %get3A_672, %shift_right_arithmetic3A_678 : vector<16xi32>
      %and3A_680 = arith.constant 127 : i32
      %and3A_681 = vector.broadcast %and3A_680 : i32 to vector<16xi32>
      %and3A_682 = arith.andi %get3A_672, %and3A_681 : vector<16xi32>
      tpu.vector_store_idx %arg7[%shift_right_arithmetic3A_679, %and3A_682], %add3A_676 : memref<8x128xi32, #tpu.memory_space<vmem>>[vector<16xi32>, vector<16xi32>], vector<16xi32>,
      %get3A_683 = arith.constant 912 : index
      %get3A_684 = tpu.vector_load %arg5[%get3A_683] {strides = array<i32>} : memref<1024xi32, #tpu.memory_space<vmem>>, vector<16xi32>,
      %iota3A_685 = tpu.iota {dimensions = array<i32: 0>} : vector<16xi32>
      %add3A_686 = arith.constant 912 : i32
      %add3A_687 = vector.broadcast %add3A_686 : i32 to vector<16xi32>
      %add3A_688 = arith.addi %iota3A_685, %add3A_687 : vector<16xi32>
      %shift_right_arithmetic3A_689 = arith.constant 7 : i32
      %shift_right_arithmetic3A_690 = vector.broadcast %shift_right_arithmetic3A_689 : i32 to vector<16xi32>
      %shift_right_arithmetic3A_691 = arith.shrsi %get3A_684, %shift_right_arithmetic3A_690 : vector<16xi32>
      %and3A_692 = arith.constant 127 : i32
      %and3A_693 = vector.broadcast %and3A_692 : i32 to vector<16xi32>
      %and3A_694 = arith.andi %get3A_684, %and3A_693 : vector<16xi32>
      tpu.vector_store_idx %arg7[%shift_right_arithmetic3A_691, %and3A_694], %add3A_688 : memref<8x128xi32, #tpu.memory_space<vmem>>[vector<16xi32>, vector<16xi32>], vector<16xi32>,
      %get3A_695 = arith.constant 928 : index
      %get3A_696 = tpu.vector_load %arg5[%get3A_695] {strides = array<i32>} : memref<1024xi32, #tpu.memory_space<vmem>>, vector<16xi32>,
      %iota3A_697 = tpu.iota {dimensions = array<i32: 0>} : vector<16xi32>
      %add3A_698 = arith.constant 928 : i32
      %add3A_699 = vector.broadcast %add3A_698 : i32 to vector<16xi32>
      %add3A_700 = arith.addi %iota3A_697, %add3A_699 : vector<16xi32>
      %shift_right_arithmetic3A_701 = arith.constant 7 : i32
      %shift_right_arithmetic3A_702 = vector.broadcast %shift_right_arithmetic3A_701 : i32 to vector<16xi32>
      %shift_right_arithmetic3A_703 = arith.shrsi %get3A_696, %shift_right_arithmetic3A_702 : vector<16xi32>
      %and3A_704 = arith.constant 127 : i32
      %and3A_705 = vector.broadcast %and3A_704 : i32 to vector<16xi32>
      %and3A_706 = arith.andi %get3A_696, %and3A_705 : vector<16xi32>
      tpu.vector_store_idx %arg7[%shift_right_arithmetic3A_703, %and3A_706], %add3A_700 : memref<8x128xi32, #tpu.memory_space<vmem>>[vector<16xi32>, vector<16xi32>], vector<16xi32>,
      %get3A_707 = arith.constant 944 : index
      %get3A_708 = tpu.vector_load %arg5[%get3A_707] {strides = array<i32>} : memref<1024xi32, #tpu.memory_space<vmem>>, vector<16xi32>,
      %iota3A_709 = tpu.iota {dimensions = array<i32: 0>} : vector<16xi32>
      %add3A_710 = arith.constant 944 : i32
      %add3A_711 = vector.broadcast %add3A_710 : i32 to vector<16xi32>
      %add3A_712 = arith.addi %iota3A_709, %add3A_711 : vector<16xi32>
      %shift_right_arithmetic3A_713 = arith.constant 7 : i32
      %shift_right_arithmetic3A_714 = vector.broadcast %shift_right_arithmetic3A_713 : i32 to vector<16xi32>
      %shift_right_arithmetic3A_715 = arith.shrsi %get3A_708, %shift_right_arithmetic3A_714 : vector<16xi32>
      %and3A_716 = arith.constant 127 : i32
      %and3A_717 = vector.broadcast %and3A_716 : i32 to vector<16xi32>
      %and3A_718 = arith.andi %get3A_708, %and3A_717 : vector<16xi32>
      tpu.vector_store_idx %arg7[%shift_right_arithmetic3A_715, %and3A_718], %add3A_712 : memref<8x128xi32, #tpu.memory_space<vmem>>[vector<16xi32>, vector<16xi32>], vector<16xi32>,
      %get3A_719 = arith.constant 960 : index
      %get3A_720 = tpu.vector_load %arg5[%get3A_719] {strides = array<i32>} : memref<1024xi32, #tpu.memory_space<vmem>>, vector<16xi32>,
      %iota3A_721 = tpu.iota {dimensions = array<i32: 0>} : vector<16xi32>
      %add3A_722 = arith.constant 960 : i32
      %add3A_723 = vector.broadcast %add3A_722 : i32 to vector<16xi32>
      %add3A_724 = arith.addi %iota3A_721, %add3A_723 : vector<16xi32>
      %shift_right_arithmetic3A_725 = arith.constant 7 : i32
      %shift_right_arithmetic3A_726 = vector.broadcast %shift_right_arithmetic3A_725 : i32 to vector<16xi32>
      %shift_right_arithmetic3A_727 = arith.shrsi %get3A_720, %shift_right_arithmetic3A_726 : vector<16xi32>
      %and3A_728 = arith.constant 127 : i32
      %and3A_729 = vector.broadcast %and3A_728 : i32 to vector<16xi32>
      %and3A_730 = arith.andi %get3A_720, %and3A_729 : vector<16xi32>
      tpu.vector_store_idx %arg7[%shift_right_arithmetic3A_727, %and3A_730], %add3A_724 : memref<8x128xi32, #tpu.memory_space<vmem>>[vector<16xi32>, vector<16xi32>], vector<16xi32>,
      %get3A_731 = arith.constant 976 : index
      %get3A_732 = tpu.vector_load %arg5[%get3A_731] {strides = array<i32>} : memref<1024xi32, #tpu.memory_space<vmem>>, vector<16xi32>,
      %iota3A_733 = tpu.iota {dimensions = array<i32: 0>} : vector<16xi32>
      %add3A_734 = arith.constant 976 : i32
      %add3A_735 = vector.broadcast %add3A_734 : i32 to vector<16xi32>
      %add3A_736 = arith.addi %iota3A_733, %add3A_735 : vector<16xi32>
      %shift_right_arithmetic3A_737 = arith.constant 7 : i32
      %shift_right_arithmetic3A_738 = vector.broadcast %shift_right_arithmetic3A_737 : i32 to vector<16xi32>
      %shift_right_arithmetic3A_739 = arith.shrsi %get3A_732, %shift_right_arithmetic3A_738 : vector<16xi32>
      %and3A_740 = arith.constant 127 : i32
      %and3A_741 = vector.broadcast %and3A_740 : i32 to vector<16xi32>
      %and3A_742 = arith.andi %get3A_732, %and3A_741 : vector<16xi32>
      tpu.vector_store_idx %arg7[%shift_right_arithmetic3A_739, %and3A_742], %add3A_736 : memref<8x128xi32, #tpu.memory_space<vmem>>[vector<16xi32>, vector<16xi32>], vector<16xi32>,
      %get3A_743 = arith.constant 992 : index
      %get3A_744 = tpu.vector_load %arg5[%get3A_743] {strides = array<i32>} : memref<1024xi32, #tpu.memory_space<vmem>>, vector<16xi32>,
      %iota3A_745 = tpu.iota {dimensions = array<i32: 0>} : vector<16xi32>
      %add3A_746 = arith.constant 992 : i32
      %add3A_747 = vector.broadcast %add3A_746 : i32 to vector<16xi32>
      %add3A_748 = arith.addi %iota3A_745, %add3A_747 : vector<16xi32>
      %shift_right_arithmetic3A_749 = arith.constant 7 : i32
      %shift_right_arithmetic3A_750 = vector.broadcast %shift_right_arithmetic3A_749 : i32 to vector<16xi32>
      %shift_right_arithmetic3A_751 = arith.shrsi %get3A_744, %shift_right_arithmetic3A_750 : vector<16xi32>
      %and3A_752 = arith.constant 127 : i32
      %and3A_753 = vector.broadcast %and3A_752 : i32 to vector<16xi32>
      %and3A_754 = arith.andi %get3A_744, %and3A_753 : vector<16xi32>
      tpu.vector_store_idx %arg7[%shift_right_arithmetic3A_751, %and3A_754], %add3A_748 : memref<8x128xi32, #tpu.memory_space<vmem>>[vector<16xi32>, vector<16xi32>], vector<16xi32>,
      %get3A_755 = arith.constant 1008 : index
      %get3A_756 = tpu.vector_load %arg5[%get3A_755] {strides = array<i32>} : memref<1024xi32, #tpu.memory_space<vmem>>, vector<16xi32>,
      %iota3A_757 = tpu.iota {dimensions = array<i32: 0>} : vector<16xi32>
      %add3A_758 = arith.constant 1008 : i32
      %add3A_759 = vector.broadcast %add3A_758 : i32 to vector<16xi32>
      %add3A_760 = arith.addi %iota3A_757, %add3A_759 : vector<16xi32>
      %shift_right_arithmetic3A_761 = arith.constant 7 : i32
      %shift_right_arithmetic3A_762 = vector.broadcast %shift_right_arithmetic3A_761 : i32 to vector<16xi32>
      %shift_right_arithmetic3A_763 = arith.shrsi %get3A_756, %shift_right_arithmetic3A_762 : vector<16xi32>
      %and3A_764 = arith.constant 127 : i32
      %and3A_765 = vector.broadcast %and3A_764 : i32 to vector<16xi32>
      %and3A_766 = arith.andi %get3A_756, %and3A_765 : vector<16xi32>
      tpu.vector_store_idx %arg7[%shift_right_arithmetic3A_763, %and3A_766], %add3A_760 : memref<8x128xi32, #tpu.memory_space<vmem>>[vector<16xi32>, vector<16xi32>], vector<16xi32>,
      %get3A_767 = arith.constant 0 : i32
      %get3A_768 = arith.index_cast %get3A_767 : i32 to index
      %get3A_769 = arith.constant 0 : index
      %get3A_770 = tpu.vector_load %arg7[%get3A_768, %get3A_769] {strides = array<i32>} : memref<8x128xi32, #tpu.memory_space<vmem>>, vector<16xi32>,
      %shift_right_arithmetic3A_771 = arith.constant 7 : i32
      %shift_right_arithmetic3A_772 = vector.broadcast %shift_right_arithmetic3A_771 : i32 to vector<16xi32>
      %shift_right_arithmetic3A_773 = arith.shrsi %get3A_770, %shift_right_arithmetic3A_772 : vector<16xi32>
      %add3A_774 = arith.constant 0 : i32
      %add3A_775 = vector.broadcast %add3A_774 : i32 to vector<16xi32>
      %add3A_776 = arith.addi %add3A_775, %shift_right_arithmetic3A_773 : vector<16xi32>
      %and3A_777 = arith.constant 127 : i32
      %and3A_778 = vector.broadcast %and3A_777 : i32 to vector<16xi32>
      %and3A_779 = arith.andi %get3A_770, %and3A_778 : vector<16xi32>
      %gather3A = tpu.vector_load_idx %arg6[%add3A_776, %and3A_779] : memref<64x128xf32, #tpu.memory_space<vmem>>[vector<16xi32>, vector<16xi32>], vector<16xf32>,
      %swap3A = arith.constant 0 : i32
      %swap3A_780 = arith.index_cast %swap3A : i32 to index
      %swap3A_781 = arith.constant 0 : index
      %swap3A_782 = tpu.vector_load %arg8[%swap3A_780, %swap3A_781] {strides = array<i32>} : memref<6x304xf32, #tpu.memory_space<vmem>>, vector<16xf32>,
      tpu.vector_store %arg8[%swap3A_780, %swap3A_781], %gather3A {strides = array<i32>} : memref<6x304xf32, #tpu.memory_space<vmem>>, vector<16xf32>,
      %shift_right_arithmetic3A_783 = arith.constant 7 : i32
      %shift_right_arithmetic3A_784 = vector.broadcast %shift_right_arithmetic3A_783 : i32 to vector<16xi32>
      %shift_right_arithmetic3A_785 = arith.shrsi %get3A_770, %shift_right_arithmetic3A_784 : vector<16xi32>
      %add3A_786 = arith.constant 8 : i32
      %add3A_787 = vector.broadcast %add3A_786 : i32 to vector<16xi32>
      %add3A_788 = arith.addi %add3A_787, %shift_right_arithmetic3A_785 : vector<16xi32>
      %and3A_789 = arith.constant 127 : i32
      %and3A_790 = vector.broadcast %and3A_789 : i32 to vector<16xi32>
      %and3A_791 = arith.andi %get3A_770, %and3A_790 : vector<16xi32>
      %gather3A_792 = tpu.vector_load_idx %arg6[%add3A_788, %and3A_791] : memref<64x128xf32, #tpu.memory_space<vmem>>[vector<16xi32>, vector<16xi32>], vector<16xf32>,
      %swap3A_793 = arith.constant 1 : i32
      %swap3A_794 = arith.index_cast %swap3A_793 : i32 to index
      %swap3A_795 = arith.constant 0 : index
      %swap3A_796 = tpu.vector_load %arg8[%swap3A_794, %swap3A_795] {strides = array<i32>} : memref<6x304xf32, #tpu.memory_space<vmem>>, vector<16xf32>,
      tpu.vector_store %arg8[%swap3A_794, %swap3A_795], %gather3A_792 {strides = array<i32>} : memref<6x304xf32, #tpu.memory_space<vmem>>, vector<16xf32>,
      %shift_right_arithmetic3A_797 = arith.constant 7 : i32
      %shift_right_arithmetic3A_798 = vector.broadcast %shift_right_arithmetic3A_797 : i32 to vector<16xi32>
      %shift_right_arithmetic3A_799 = arith.shrsi %get3A_770, %shift_right_arithmetic3A_798 : vector<16xi32>
      %add3A_800 = arith.constant 16 : i32
      %add3A_801 = vector.broadcast %add3A_800 : i32 to vector<16xi32>
      %add3A_802 = arith.addi %add3A_801, %shift_right_arithmetic3A_799 : vector<16xi32>
      %and3A_803 = arith.constant 127 : i32
      %and3A_804 = vector.broadcast %and3A_803 : i32 to vector<16xi32>
      %and3A_805 = arith.andi %get3A_770, %and3A_804 : vector<16xi32>
      %gather3A_806 = tpu.vector_load_idx %arg6[%add3A_802, %and3A_805] : memref<64x128xf32, #tpu.memory_space<vmem>>[vector<16xi32>, vector<16xi32>], vector<16xf32>,
      %swap3A_807 = arith.constant 2 : i32
      %swap3A_808 = arith.index_cast %swap3A_807 : i32 to index
      %swap3A_809 = arith.constant 0 : index
      %swap3A_810 = tpu.vector_load %arg8[%swap3A_808, %swap3A_809] {strides = array<i32>} : memref<6x304xf32, #tpu.memory_space<vmem>>, vector<16xf32>,
      tpu.vector_store %arg8[%swap3A_808, %swap3A_809], %gather3A_806 {strides = array<i32>} : memref<6x304xf32, #tpu.memory_space<vmem>>, vector<16xf32>,
      %shift_right_arithmetic3A_811 = arith.constant 7 : i32
      %shift_right_arithmetic3A_812 = vector.broadcast %shift_right_arithmetic3A_811 : i32 to vector<16xi32>
      %shift_right_arithmetic3A_813 = arith.shrsi %get3A_770, %shift_right_arithmetic3A_812 : vector<16xi32>
      %add3A_814 = arith.constant 24 : i32
      %add3A_815 = vector.broadcast %add3A_814 : i32 to vector<16xi32>
      %add3A_816 = arith.addi %add3A_815, %shift_right_arithmetic3A_813 : vector<16xi32>
      %and3A_817 = arith.constant 127 : i32
      %and3A_818 = vector.broadcast %and3A_817 : i32 to vector<16xi32>
      %and3A_819 = arith.andi %get3A_770, %and3A_818 : vector<16xi32>
      %gather3A_820 = tpu.vector_load_idx %arg6[%add3A_816, %and3A_819] : memref<64x128xf32, #tpu.memory_space<vmem>>[vector<16xi32>, vector<16xi32>], vector<16xf32>,
      %swap3A_821 = arith.constant 3 : i32
      %swap3A_822 = arith.index_cast %swap3A_821 : i32 to index
      %swap3A_823 = arith.constant 0 : index
      %swap3A_824 = tpu.vector_load %arg8[%swap3A_822, %swap3A_823] {strides = array<i32>} : memref<6x304xf32, #tpu.memory_space<vmem>>, vector<16xf32>,
      tpu.vector_store %arg8[%swap3A_822, %swap3A_823], %gather3A_820 {strides = array<i32>} : memref<6x304xf32, #tpu.memory_space<vmem>>, vector<16xf32>,
      %shift_right_arithmetic3A_825 = arith.constant 7 : i32
      %shift_right_arithmetic3A_826 = vector.broadcast %shift_right_arithmetic3A_825 : i32 to vector<16xi32>
      %shift_right_arithmetic3A_827 = arith.shrsi %get3A_770, %shift_right_arithmetic3A_826 : vector<16xi32>
      %add3A_828 = arith.constant 32 : i32
      %add3A_829 = vector.broadcast %add3A_828 : i32 to vector<16xi32>
      %add3A_830 = arith.addi %add3A_829, %shift_right_arithmetic3A_827 : vector<16xi32>
      %and3A_831 = arith.constant 127 : i32
      %and3A_832 = vector.broadcast %and3A_831 : i32 to vector<16xi32>
      %and3A_833 = arith.andi %get3A_770, %and3A_832 : vector<16xi32>
      %gather3A_834 = tpu.vector_load_idx %arg6[%add3A_830, %and3A_833] : memref<64x128xf32, #tpu.memory_space<vmem>>[vector<16xi32>, vector<16xi32>], vector<16xf32>,
      %swap3A_835 = arith.constant 4 : i32
      %swap3A_836 = arith.index_cast %swap3A_835 : i32 to index
      %swap3A_837 = arith.constant 0 : index
      %swap3A_838 = tpu.vector_load %arg8[%swap3A_836, %swap3A_837] {strides = array<i32>} : memref<6x304xf32, #tpu.memory_space<vmem>>, vector<16xf32>,
      tpu.vector_store %arg8[%swap3A_836, %swap3A_837], %gather3A_834 {strides = array<i32>} : memref<6x304xf32, #tpu.memory_space<vmem>>, vector<16xf32>,
      %shift_right_arithmetic3A_839 = arith.constant 7 : i32
      %shift_right_arithmetic3A_840 = vector.broadcast %shift_right_arithmetic3A_839 : i32 to vector<16xi32>
      %shift_right_arithmetic3A_841 = arith.shrsi %get3A_770, %shift_right_arithmetic3A_840 : vector<16xi32>
      %add3A_842 = arith.constant 40 : i32
      %add3A_843 = vector.broadcast %add3A_842 : i32 to vector<16xi32>
      %add3A_844 = arith.addi %add3A_843, %shift_right_arithmetic3A_841 : vector<16xi32>
      %and3A_845 = arith.constant 127 : i32
      %and3A_846 = vector.broadcast %and3A_845 : i32 to vector<16xi32>
      %and3A_847 = arith.andi %get3A_770, %and3A_846 : vector<16xi32>
      %gather3A_848 = tpu.vector_load_idx %arg6[%add3A_844, %and3A_847] : memref<64x128xf32, #tpu.memory_space<vmem>>[vector<16xi32>, vector<16xi32>], vector<16xf32>,
      %swap3A_849 = arith.constant 5 : i32
      %swap3A_850 = arith.index_cast %swap3A_849 : i32 to index
      %swap3A_851 = arith.constant 0 : index
      %swap3A_852 = tpu.vector_load %arg8[%swap3A_850, %swap3A_851] {strides = array<i32>} : memref<6x304xf32, #tpu.memory_space<vmem>>, vector<16xf32>,
      tpu.vector_store %arg8[%swap3A_850, %swap3A_851], %gather3A_848 {strides = array<i32>} : memref<6x304xf32, #tpu.memory_space<vmem>>, vector<16xf32>,
      %get3A_853 = arith.constant 0 : i32
      %get3A_854 = arith.index_cast %get3A_853 : i32 to index
      %get3A_855 = arith.constant 16 : index
      %get3A_856 = tpu.vector_load %arg7[%get3A_854, %get3A_855] {strides = array<i32>} : memref<8x128xi32, #tpu.memory_space<vmem>>, vector<16xi32>,
      %shift_right_arithmetic3A_857 = arith.constant 7 : i32
      %shift_right_arithmetic3A_858 = vector.broadcast %shift_right_arithmetic3A_857 : i32 to vector<16xi32>
      %shift_right_arithmetic3A_859 = arith.shrsi %get3A_856, %shift_right_arithmetic3A_858 : vector<16xi32>
      %add3A_860 = arith.constant 0 : i32
      %add3A_861 = vector.broadcast %add3A_860 : i32 to vector<16xi32>
      %add3A_862 = arith.addi %add3A_861, %shift_right_arithmetic3A_859 : vector<16xi32>
      %and3A_863 = arith.constant 127 : i32
      %and3A_864 = vector.broadcast %and3A_863 : i32 to vector<16xi32>
      %and3A_865 = arith.andi %get3A_856, %and3A_864 : vector<16xi32>
      %gather3A_866 = tpu.vector_load_idx %arg6[%add3A_862, %and3A_865] : memref<64x128xf32, #tpu.memory_space<vmem>>[vector<16xi32>, vector<16xi32>], vector<16xf32>,
      %swap3A_867 = arith.constant 0 : i32
      %swap3A_868 = arith.index_cast %swap3A_867 : i32 to index
      %swap3A_869 = arith.constant 16 : index
      %swap3A_870 = tpu.vector_load %arg8[%swap3A_868, %swap3A_869] {strides = array<i32>} : memref<6x304xf32, #tpu.memory_space<vmem>>, vector<16xf32>,
      tpu.vector_store %arg8[%swap3A_868, %swap3A_869], %gather3A_866 {strides = array<i32>} : memref<6x304xf32, #tpu.memory_space<vmem>>, vector<16xf32>,
      %shift_right_arithmetic3A_871 = arith.constant 7 : i32
      %shift_right_arithmetic3A_872 = vector.broadcast %shift_right_arithmetic3A_871 : i32 to vector<16xi32>
      %shift_right_arithmetic3A_873 = arith.shrsi %get3A_856, %shift_right_arithmetic3A_872 : vector<16xi32>
      %add3A_874 = arith.constant 8 : i32
      %add3A_875 = vector.broadcast %add3A_874 : i32 to vector<16xi32>
      %add3A_876 = arith.addi %add3A_875, %shift_right_arithmetic3A_873 : vector<16xi32>
      %and3A_877 = arith.constant 127 : i32
      %and3A_878 = vector.broadcast %and3A_877 : i32 to vector<16xi32>
      %and3A_879 = arith.andi %get3A_856, %and3A_878 : vector<16xi32>
      %gather3A_880 = tpu.vector_load_idx %arg6[%add3A_876, %and3A_879] : memref<64x128xf32, #tpu.memory_space<vmem>>[vector<16xi32>, vector<16xi32>], vector<16xf32>,
      %swap3A_881 = arith.constant 1 : i32
      %swap3A_882 = arith.index_cast %swap3A_881 : i32 to index
      %swap3A_883 = arith.constant 16 : index
      %swap3A_884 = tpu.vector_load %arg8[%swap3A_882, %swap3A_883] {strides = array<i32>} : memref<6x304xf32, #tpu.memory_space<vmem>>, vector<16xf32>,
      tpu.vector_store %arg8[%swap3A_882, %swap3A_883], %gather3A_880 {strides = array<i32>} : memref<6x304xf32, #tpu.memory_space<vmem>>, vector<16xf32>,
      %shift_right_arithmetic3A_885 = arith.constant 7 : i32
      %shift_right_arithmetic3A_886 = vector.broadcast %shift_right_arithmetic3A_885 : i32 to vector<16xi32>
      %shift_right_arithmetic3A_887 = arith.shrsi %get3A_856, %shift_right_arithmetic3A_886 : vector<16xi32>
      %add3A_888 = arith.constant 16 : i32
      %add3A_889 = vector.broadcast %add3A_888 : i32 to vector<16xi32>
      %add3A_890 = arith.addi %add3A_889, %shift_right_arithmetic3A_887 : vector<16xi32>
      %and3A_891 = arith.constant 127 : i32
      %and3A_892 = vector.broadcast %and3A_891 : i32 to vector<16xi32>
      %and3A_893 = arith.andi %get3A_856, %and3A_892 : vector<16xi32>
      %gather3A_894 = tpu.vector_load_idx %arg6[%add3A_890, %and3A_893] : memref<64x128xf32, #tpu.memory_space<vmem>>[vector<16xi32>, vector<16xi32>], vector<16xf32>,
      %swap3A_895 = arith.constant 2 : i32
      %swap3A_896 = arith.index_cast %swap3A_895 : i32 to index
      %swap3A_897 = arith.constant 16 : index
      %swap3A_898 = tpu.vector_load %arg8[%swap3A_896, %swap3A_897] {strides = array<i32>} : memref<6x304xf32, #tpu.memory_space<vmem>>, vector<16xf32>,
      tpu.vector_store %arg8[%swap3A_896, %swap3A_897], %gather3A_894 {strides = array<i32>} : memref<6x304xf32, #tpu.memory_space<vmem>>, vector<16xf32>,
      %shift_right_arithmetic3A_899 = arith.constant 7 : i32
      %shift_right_arithmetic3A_900 = vector.broadcast %shift_right_arithmetic3A_899 : i32 to vector<16xi32>
      %shift_right_arithmetic3A_901 = arith.shrsi %get3A_856, %shift_right_arithmetic3A_900 : vector<16xi32>
      %add3A_902 = arith.constant 24 : i32
      %add3A_903 = vector.broadcast %add3A_902 : i32 to vector<16xi32>
      %add3A_904 = arith.addi %add3A_903, %shift_right_arithmetic3A_901 : vector<16xi32>
      %and3A_905 = arith.constant 127 : i32
      %and3A_906 = vector.broadcast %and3A_905 : i32 to vector<16xi32>
      %and3A_907 = arith.andi %get3A_856, %and3A_906 : vector<16xi32>
      %gather3A_908 = tpu.vector_load_idx %arg6[%add3A_904, %and3A_907] : memref<64x128xf32, #tpu.memory_space<vmem>>[vector<16xi32>, vector<16xi32>], vector<16xf32>,
      %swap3A_909 = arith.constant 3 : i32
      %swap3A_910 = arith.index_cast %swap3A_909 : i32 to index
      %swap3A_911 = arith.constant 16 : index
      %swap3A_912 = tpu.vector_load %arg8[%swap3A_910, %swap3A_911] {strides = array<i32>} : memref<6x304xf32, #tpu.memory_space<vmem>>, vector<16xf32>,
      tpu.vector_store %arg8[%swap3A_910, %swap3A_911], %gather3A_908 {strides = array<i32>} : memref<6x304xf32, #tpu.memory_space<vmem>>, vector<16xf32>,
      %shift_right_arithmetic3A_913 = arith.constant 7 : i32
      %shift_right_arithmetic3A_914 = vector.broadcast %shift_right_arithmetic3A_913 : i32 to vector<16xi32>
      %shift_right_arithmetic3A_915 = arith.shrsi %get3A_856, %shift_right_arithmetic3A_914 : vector<16xi32>
      %add3A_916 = arith.constant 32 : i32
      %add3A_917 = vector.broadcast %add3A_916 : i32 to vector<16xi32>
      %add3A_918 = arith.addi %add3A_917, %shift_right_arithmetic3A_915 : vector<16xi32>
      %and3A_919 = arith.constant 127 : i32
      %and3A_920 = vector.broadcast %and3A_919 : i32 to vector<16xi32>
      %and3A_921 = arith.andi %get3A_856, %and3A_920 : vector<16xi32>
      %gather3A_922 = tpu.vector_load_idx %arg6[%add3A_918, %and3A_921] : memref<64x128xf32, #tpu.memory_space<vmem>>[vector<16xi32>, vector<16xi32>], vector<16xf32>,
      %swap3A_923 = arith.constant 4 : i32
      %swap3A_924 = arith.index_cast %swap3A_923 : i32 to index
      %swap3A_925 = arith.constant 16 : index
      %swap3A_926 = tpu.vector_load %arg8[%swap3A_924, %swap3A_925] {strides = array<i32>} : memref<6x304xf32, #tpu.memory_space<vmem>>, vector<16xf32>,
      tpu.vector_store %arg8[%swap3A_924, %swap3A_925], %gather3A_922 {strides = array<i32>} : memref<6x304xf32, #tpu.memory_space<vmem>>, vector<16xf32>,
      %shift_right_arithmetic3A_927 = arith.constant 7 : i32
      %shift_right_arithmetic3A_928 = vector.broadcast %shift_right_arithmetic3A_927 : i32 to vector<16xi32>
      %shift_right_arithmetic3A_929 = arith.shrsi %get3A_856, %shift_right_arithmetic3A_928 : vector<16xi32>
      %add3A_930 = arith.constant 40 : i32
      %add3A_931 = vector.broadcast %add3A_930 : i32 to vector<16xi32>
      %add3A_932 = arith.addi %add3A_931, %shift_right_arithmetic3A_929 : vector<16xi32>
      %and3A_933 = arith.constant 127 : i32
      %and3A_934 = vector.broadcast %and3A_933 : i32 to vector<16xi32>
      %and3A_935 = arith.andi %get3A_856, %and3A_934 : vector<16xi32>
      %gather3A_936 = tpu.vector_load_idx %arg6[%add3A_932, %and3A_935] : memref<64x128xf32, #tpu.memory_space<vmem>>[vector<16xi32>, vector<16xi32>], vector<16xf32>,
      %swap3A_937 = arith.constant 5 : i32
      %swap3A_938 = arith.index_cast %swap3A_937 : i32 to index
      %swap3A_939 = arith.constant 16 : index
      %swap3A_940 = tpu.vector_load %arg8[%swap3A_938, %swap3A_939] {strides = array<i32>} : memref<6x304xf32, #tpu.memory_space<vmem>>, vector<16xf32>,
      tpu.vector_store %arg8[%swap3A_938, %swap3A_939], %gather3A_936 {strides = array<i32>} : memref<6x304xf32, #tpu.memory_space<vmem>>, vector<16xf32>,
      %get3A_941 = arith.constant 0 : i32
      %get3A_942 = arith.index_cast %get3A_941 : i32 to index
      %get3A_943 = arith.constant 32 : index
      %get3A_944 = tpu.vector_load %arg7[%get3A_942, %get3A_943] {strides = array<i32>} : memref<8x128xi32, #tpu.memory_space<vmem>>, vector<16xi32>,
      %shift_right_arithmetic3A_945 = arith.constant 7 : i32
      %shift_right_arithmetic3A_946 = vector.broadcast %shift_right_arithmetic3A_945 : i32 to vector<16xi32>
      %shift_right_arithmetic3A_947 = arith.shrsi %get3A_944, %shift_right_arithmetic3A_946 : vector<16xi32>
      %add3A_948 = arith.constant 0 : i32
      %add3A_949 = vector.broadcast %add3A_948 : i32 to vector<16xi32>
      %add3A_950 = arith.addi %add3A_949, %shift_right_arithmetic3A_947 : vector<16xi32>
      %and3A_951 = arith.constant 127 : i32
      %and3A_952 = vector.broadcast %and3A_951 : i32 to vector<16xi32>
      %and3A_953 = arith.andi %get3A_944, %and3A_952 : vector<16xi32>
      %gather3A_954 = tpu.vector_load_idx %arg6[%add3A_950, %and3A_953] : memref<64x128xf32, #tpu.memory_space<vmem>>[vector<16xi32>, vector<16xi32>], vector<16xf32>,
      %swap3A_955 = arith.constant 0 : i32
      %swap3A_956 = arith.index_cast %swap3A_955 : i32 to index
      %swap3A_957 = arith.constant 32 : index
      %swap3A_958 = tpu.vector_load %arg8[%swap3A_956, %swap3A_957] {strides = array<i32>} : memref<6x304xf32, #tpu.memory_space<vmem>>, vector<16xf32>,
      tpu.vector_store %arg8[%swap3A_956, %swap3A_957], %gather3A_954 {strides = array<i32>} : memref<6x304xf32, #tpu.memory_space<vmem>>, vector<16xf32>,
      %shift_right_arithmetic3A_959 = arith.constant 7 : i32
      %shift_right_arithmetic3A_960 = vector.broadcast %shift_right_arithmetic3A_959 : i32 to vector<16xi32>
      %shift_right_arithmetic3A_961 = arith.shrsi %get3A_944, %shift_right_arithmetic3A_960 : vector<16xi32>
      %add3A_962 = arith.constant 8 : i32
      %add3A_963 = vector.broadcast %add3A_962 : i32 to vector<16xi32>
      %add3A_964 = arith.addi %add3A_963, %shift_right_arithmetic3A_961 : vector<16xi32>
      %and3A_965 = arith.constant 127 : i32
      %and3A_966 = vector.broadcast %and3A_965 : i32 to vector<16xi32>
      %and3A_967 = arith.andi %get3A_944, %and3A_966 : vector<16xi32>
      %gather3A_968 = tpu.vector_load_idx %arg6[%add3A_964, %and3A_967] : memref<64x128xf32, #tpu.memory_space<vmem>>[vector<16xi32>, vector<16xi32>], vector<16xf32>,
      %swap3A_969 = arith.constant 1 : i32
      %swap3A_970 = arith.index_cast %swap3A_969 : i32 to index
      %swap3A_971 = arith.constant 32 : index
      %swap3A_972 = tpu.vector_load %arg8[%swap3A_970, %swap3A_971] {strides = array<i32>} : memref<6x304xf32, #tpu.memory_space<vmem>>, vector<16xf32>,
      tpu.vector_store %arg8[%swap3A_970, %swap3A_971], %gather3A_968 {strides = array<i32>} : memref<6x304xf32, #tpu.memory_space<vmem>>, vector<16xf32>,
      %shift_right_arithmetic3A_973 = arith.constant 7 : i32
      %shift_right_arithmetic3A_974 = vector.broadcast %shift_right_arithmetic3A_973 : i32 to vector<16xi32>
      %shift_right_arithmetic3A_975 = arith.shrsi %get3A_944, %shift_right_arithmetic3A_974 : vector<16xi32>
      %add3A_976 = arith.constant 16 : i32
      %add3A_977 = vector.broadcast %add3A_976 : i32 to vector<16xi32>
      %add3A_978 = arith.addi %add3A_977, %shift_right_arithmetic3A_975 : vector<16xi32>
      %and3A_979 = arith.constant 127 : i32
      %and3A_980 = vector.broadcast %and3A_979 : i32 to vector<16xi32>
      %and3A_981 = arith.andi %get3A_944, %and3A_980 : vector<16xi32>
      %gather3A_982 = tpu.vector_load_idx %arg6[%add3A_978, %and3A_981] : memref<64x128xf32, #tpu.memory_space<vmem>>[vector<16xi32>, vector<16xi32>], vector<16xf32>,
      %swap3A_983 = arith.constant 2 : i32
      %swap3A_984 = arith.index_cast %swap3A_983 : i32 to index
      %swap3A_985 = arith.constant 32 : index
      %swap3A_986 = tpu.vector_load %arg8[%swap3A_984, %swap3A_985] {strides = array<i32>} : memref<6x304xf32, #tpu.memory_space<vmem>>, vector<16xf32>,
      tpu.vector_store %arg8[%swap3A_984, %swap3A_985], %gather3A_982 {strides = array<i32>} : memref<6x304xf32, #tpu.memory_space<vmem>>, vector<16xf32>,
      %shift_right_arithmetic3A_987 = arith.constant 7 : i32
      %shift_right_arithmetic3A_988 = vector.broadcast %shift_right_arithmetic3A_987 : i32 to vector<16xi32>
      %shift_right_arithmetic3A_989 = arith.shrsi %get3A_944, %shift_right_arithmetic3A_988 : vector<16xi32>
      %add3A_990 = arith.constant 24 : i32
      %add3A_991 = vector.broadcast %add3A_990 : i32 to vector<16xi32>
      %add3A_992 = arith.addi %add3A_991, %shift_right_arithmetic3A_989 : vector<16xi32>
      %and3A_993 = arith.constant 127 : i32
      %and3A_994 = vector.broadcast %and3A_993 : i32 to vector<16xi32>
      %and3A_995 = arith.andi %get3A_944, %and3A_994 : vector<16xi32>
      %gather3A_996 = tpu.vector_load_idx %arg6[%add3A_992, %and3A_995] : memref<64x128xf32, #tpu.memory_space<vmem>>[vector<16xi32>, vector<16xi32>], vector<16xf32>,
      %swap3A_997 = arith.constant 3 : i32
      %swap3A_998 = arith.index_cast %swap3A_997 : i32 to index
      %swap3A_999 = arith.constant 32 : index
      %swap3A_1000 = tpu.vector_load %arg8[%swap3A_998, %swap3A_999] {strides = array<i32>} : memref<6x304xf32, #tpu.memory_space<vmem>>, vector<16xf32>,
      tpu.vector_store %arg8[%swap3A_998, %swap3A_999], %gather3A_996 {strides = array<i32>} : memref<6x304xf32, #tpu.memory_space<vmem>>, vector<16xf32>,
      %shift_right_arithmetic3A_1001 = arith.constant 7 : i32
      %shift_right_arithmetic3A_1002 = vector.broadcast %shift_right_arithmetic3A_1001 : i32 to vector<16xi32>
      %shift_right_arithmetic3A_1003 = arith.shrsi %get3A_944, %shift_right_arithmetic3A_1002 : vector<16xi32>
      %add3A_1004 = arith.constant 32 : i32
      %add3A_1005 = vector.broadcast %add3A_1004 : i32 to vector<16xi32>
      %add3A_1006 = arith.addi %add3A_1005, %shift_right_arithmetic3A_1003 : vector<16xi32>
      %and3A_1007 = arith.constant 127 : i32
      %and3A_1008 = vector.broadcast %and3A_1007 : i32 to vector<16xi32>
      %and3A_1009 = arith.andi %get3A_944, %and3A_1008 : vector<16xi32>
      %gather3A_1010 = tpu.vector_load_idx %arg6[%add3A_1006, %and3A_1009] : memref<64x128xf32, #tpu.memory_space<vmem>>[vector<16xi32>, vector<16xi32>], vector<16xf32>,
      %swap3A_1011 = arith.constant 4 : i32
      %swap3A_1012 = arith.index_cast %swap3A_1011 : i32 to index
      %swap3A_1013 = arith.constant 32 : index
      %swap3A_1014 = tpu.vector_load %arg8[%swap3A_1012, %swap3A_1013] {strides = array<i32>} : memref<6x304xf32, #tpu.memory_space<vmem>>, vector<16xf32>,
      tpu.vector_store %arg8[%swap3A_1012, %swap3A_1013], %gather3A_1010 {strides = array<i32>} : memref<6x304xf32, #tpu.memory_space<vmem>>, vector<16xf32>,
      %shift_right_arithmetic3A_1015 = arith.constant 7 : i32
      %shift_right_arithmetic3A_1016 = vector.broadcast %shift_right_arithmetic3A_1015 : i32 to vector<16xi32>
      %shift_right_arithmetic3A_1017 = arith.shrsi %get3A_944, %shift_right_arithmetic3A_1016 : vector<16xi32>
      %add3A_1018 = arith.constant 40 : i32
      %add3A_1019 = vector.broadcast %add3A_1018 : i32 to vector<16xi32>
      %add3A_1020 = arith.addi %add3A_1019, %shift_right_arithmetic3A_1017 : vector<16xi32>
      %and3A_1021 = arith.constant 127 : i32
      %and3A_1022 = vector.broadcast %and3A_1021 : i32 to vector<16xi32>
      %and3A_1023 = arith.andi %get3A_944, %and3A_1022 : vector<16xi32>
      %gather3A_1024 = tpu.vector_load_idx %arg6[%add3A_1020, %and3A_1023] : memref<64x128xf32, #tpu.memory_space<vmem>>[vector<16xi32>, vector<16xi32>], vector<16xf32>,
      %swap3A_1025 = arith.constant 5 : i32
      %swap3A_1026 = arith.index_cast %swap3A_1025 : i32 to index
      %swap3A_1027 = arith.constant 32 : index
      %swap3A_1028 = tpu.vector_load %arg8[%swap3A_1026, %swap3A_1027] {strides = array<i32>} : memref<6x304xf32, #tpu.memory_space<vmem>>, vector<16xf32>,
      tpu.vector_store %arg8[%swap3A_1026, %swap3A_1027], %gather3A_1024 {strides = array<i32>} : memref<6x304xf32, #tpu.memory_space<vmem>>, vector<16xf32>,
      %get3A_1029 = arith.constant 0 : i32
      %get3A_1030 = arith.index_cast %get3A_1029 : i32 to index
      %get3A_1031 = arith.constant 48 : index
      %get3A_1032 = tpu.vector_load %arg7[%get3A_1030, %get3A_1031] {strides = array<i32>} : memref<8x128xi32, #tpu.memory_space<vmem>>, vector<16xi32>,
      %shift_right_arithmetic3A_1033 = arith.constant 7 : i32
      %shift_right_arithmetic3A_1034 = vector.broadcast %shift_right_arithmetic3A_1033 : i32 to vector<16xi32>
      %shift_right_arithmetic3A_1035 = arith.shrsi %get3A_1032, %shift_right_arithmetic3A_1034 : vector<16xi32>
      %add3A_1036 = arith.constant 0 : i32
      %add3A_1037 = vector.broadcast %add3A_1036 : i32 to vector<16xi32>
      %add3A_1038 = arith.addi %add3A_1037, %shift_right_arithmetic3A_1035 : vector<16xi32>
      %and3A_1039 = arith.constant 127 : i32
      %and3A_1040 = vector.broadcast %and3A_1039 : i32 to vector<16xi32>
      %and3A_1041 = arith.andi %get3A_1032, %and3A_1040 : vector<16xi32>
      %gather3A_1042 = tpu.vector_load_idx %arg6[%add3A_1038, %and3A_1041] : memref<64x128xf32, #tpu.memory_space<vmem>>[vector<16xi32>, vector<16xi32>], vector<16xf32>,
      %swap3A_1043 = arith.constant 0 : i32
      %swap3A_1044 = arith.index_cast %swap3A_1043 : i32 to index
      %swap3A_1045 = arith.constant 48 : index
      %swap3A_1046 = tpu.vector_load %arg8[%swap3A_1044, %swap3A_1045] {strides = array<i32>} : memref<6x304xf32, #tpu.memory_space<vmem>>, vector<16xf32>,
      tpu.vector_store %arg8[%swap3A_1044, %swap3A_1045], %gather3A_1042 {strides = array<i32>} : memref<6x304xf32, #tpu.memory_space<vmem>>, vector<16xf32>,
      %shift_right_arithmetic3A_1047 = arith.constant 7 : i32
      %shift_right_arithmetic3A_1048 = vector.broadcast %shift_right_arithmetic3A_1047 : i32 to vector<16xi32>
      %shift_right_arithmetic3A_1049 = arith.shrsi %get3A_1032, %shift_right_arithmetic3A_1048 : vector<16xi32>
      %add3A_1050 = arith.constant 8 : i32
      %add3A_1051 = vector.broadcast %add3A_1050 : i32 to vector<16xi32>
      %add3A_1052 = arith.addi %add3A_1051, %shift_right_arithmetic3A_1049 : vector<16xi32>
      %and3A_1053 = arith.constant 127 : i32
      %and3A_1054 = vector.broadcast %and3A_1053 : i32 to vector<16xi32>
      %and3A_1055 = arith.andi %get3A_1032, %and3A_1054 : vector<16xi32>
      %gather3A_1056 = tpu.vector_load_idx %arg6[%add3A_1052, %and3A_1055] : memref<64x128xf32, #tpu.memory_space<vmem>>[vector<16xi32>, vector<16xi32>], vector<16xf32>,
      %swap3A_1057 = arith.constant 1 : i32
      %swap3A_1058 = arith.index_cast %swap3A_1057 : i32 to index
      %swap3A_1059 = arith.constant 48 : index
      %swap3A_1060 = tpu.vector_load %arg8[%swap3A_1058, %swap3A_1059] {strides = array<i32>} : memref<6x304xf32, #tpu.memory_space<vmem>>, vector<16xf32>,
      tpu.vector_store %arg8[%swap3A_1058, %swap3A_1059], %gather3A_1056 {strides = array<i32>} : memref<6x304xf32, #tpu.memory_space<vmem>>, vector<16xf32>,
      %shift_right_arithmetic3A_1061 = arith.constant 7 : i32
      %shift_right_arithmetic3A_1062 = vector.broadcast %shift_right_arithmetic3A_1061 : i32 to vector<16xi32>
      %shift_right_arithmetic3A_1063 = arith.shrsi %get3A_1032, %shift_right_arithmetic3A_1062 : vector<16xi32>
      %add3A_1064 = arith.constant 16 : i32
      %add3A_1065 = vector.broadcast %add3A_1064 : i32 to vector<16xi32>
      %add3A_1066 = arith.addi %add3A_1065, %shift_right_arithmetic3A_1063 : vector<16xi32>
      %and3A_1067 = arith.constant 127 : i32
      %and3A_1068 = vector.broadcast %and3A_1067 : i32 to vector<16xi32>
      %and3A_1069 = arith.andi %get3A_1032, %and3A_1068 : vector<16xi32>
      %gather3A_1070 = tpu.vector_load_idx %arg6[%add3A_1066, %and3A_1069] : memref<64x128xf32, #tpu.memory_space<vmem>>[vector<16xi32>, vector<16xi32>], vector<16xf32>,
      %swap3A_1071 = arith.constant 2 : i32
      %swap3A_1072 = arith.index_cast %swap3A_1071 : i32 to index
      %swap3A_1073 = arith.constant 48 : index
      %swap3A_1074 = tpu.vector_load %arg8[%swap3A_1072, %swap3A_1073] {strides = array<i32>} : memref<6x304xf32, #tpu.memory_space<vmem>>, vector<16xf32>,
      tpu.vector_store %arg8[%swap3A_1072, %swap3A_1073], %gather3A_1070 {strides = array<i32>} : memref<6x304xf32, #tpu.memory_space<vmem>>, vector<16xf32>,
      %shift_right_arithmetic3A_1075 = arith.constant 7 : i32
      %shift_right_arithmetic3A_1076 = vector.broadcast %shift_right_arithmetic3A_1075 : i32 to vector<16xi32>
      %shift_right_arithmetic3A_1077 = arith.shrsi %get3A_1032, %shift_right_arithmetic3A_1076 : vector<16xi32>
      %add3A_1078 = arith.constant 24 : i32
      %add3A_1079 = vector.broadcast %add3A_1078 : i32 to vector<16xi32>
      %add3A_1080 = arith.addi %add3A_1079, %shift_right_arithmetic3A_1077 : vector<16xi32>
      %and3A_1081 = arith.constant 127 : i32
      %and3A_1082 = vector.broadcast %and3A_1081 : i32 to vector<16xi32>
      %and3A_1083 = arith.andi %get3A_1032, %and3A_1082 : vector<16xi32>
      %gather3A_1084 = tpu.vector_load_idx %arg6[%add3A_1080, %and3A_1083] : memref<64x128xf32, #tpu.memory_space<vmem>>[vector<16xi32>, vector<16xi32>], vector<16xf32>,
      %swap3A_1085 = arith.constant 3 : i32
      %swap3A_1086 = arith.index_cast %swap3A_1085 : i32 to index
      %swap3A_1087 = arith.constant 48 : index
      %swap3A_1088 = tpu.vector_load %arg8[%swap3A_1086, %swap3A_1087] {strides = array<i32>} : memref<6x304xf32, #tpu.memory_space<vmem>>, vector<16xf32>,
      tpu.vector_store %arg8[%swap3A_1086, %swap3A_1087], %gather3A_1084 {strides = array<i32>} : memref<6x304xf32, #tpu.memory_space<vmem>>, vector<16xf32>,
      %shift_right_arithmetic3A_1089 = arith.constant 7 : i32
      %shift_right_arithmetic3A_1090 = vector.broadcast %shift_right_arithmetic3A_1089 : i32 to vector<16xi32>
      %shift_right_arithmetic3A_1091 = arith.shrsi %get3A_1032, %shift_right_arithmetic3A_1090 : vector<16xi32>
      %add3A_1092 = arith.constant 32 : i32
      %add3A_1093 = vector.broadcast %add3A_1092 : i32 to vector<16xi32>
      %add3A_1094 = arith.addi %add3A_1093, %shift_right_arithmetic3A_1091 : vector<16xi32>
      %and3A_1095 = arith.constant 127 : i32
      %and3A_1096 = vector.broadcast %and3A_1095 : i32 to vector<16xi32>
      %and3A_1097 = arith.andi %get3A_1032, %and3A_1096 : vector<16xi32>
      %gather3A_1098 = tpu.vector_load_idx %arg6[%add3A_1094, %and3A_1097] : memref<64x128xf32, #tpu.memory_space<vmem>>[vector<16xi32>, vector<16xi32>], vector<16xf32>,
      %swap3A_1099 = arith.constant 4 : i32
      %swap3A_1100 = arith.index_cast %swap3A_1099 : i32 to index
      %swap3A_1101 = arith.constant 48 : index
      %swap3A_1102 = tpu.vector_load %arg8[%swap3A_1100, %swap3A_1101] {strides = array<i32>} : memref<6x304xf32, #tpu.memory_space<vmem>>, vector<16xf32>,
      tpu.vector_store %arg8[%swap3A_1100, %swap3A_1101], %gather3A_1098 {strides = array<i32>} : memref<6x304xf32, #tpu.memory_space<vmem>>, vector<16xf32>,
      %shift_right_arithmetic3A_1103 = arith.constant 7 : i32
      %shift_right_arithmetic3A_1104 = vector.broadcast %shift_right_arithmetic3A_1103 : i32 to vector<16xi32>
      %shift_right_arithmetic3A_1105 = arith.shrsi %get3A_1032, %shift_right_arithmetic3A_1104 : vector<16xi32>
      %add3A_1106 = arith.constant 40 : i32
      %add3A_1107 = vector.broadcast %add3A_1106 : i32 to vector<16xi32>
      %add3A_1108 = arith.addi %add3A_1107, %shift_right_arithmetic3A_1105 : vector<16xi32>
      %and3A_1109 = arith.constant 127 : i32
      %and3A_1110 = vector.broadcast %and3A_1109 : i32 to vector<16xi32>
      %and3A_1111 = arith.andi %get3A_1032, %and3A_1110 : vector<16xi32>
      %gather3A_1112 = tpu.vector_load_idx %arg6[%add3A_1108, %and3A_1111] : memref<64x128xf32, #tpu.memory_space<vmem>>[vector<16xi32>, vector<16xi32>], vector<16xf32>,
      %swap3A_1113 = arith.constant 5 : i32
      %swap3A_1114 = arith.index_cast %swap3A_1113 : i32 to index
      %swap3A_1115 = arith.constant 48 : index
      %swap3A_1116 = tpu.vector_load %arg8[%swap3A_1114, %swap3A_1115] {strides = array<i32>} : memref<6x304xf32, #tpu.memory_space<vmem>>, vector<16xf32>,
      tpu.vector_store %arg8[%swap3A_1114, %swap3A_1115], %gather3A_1112 {strides = array<i32>} : memref<6x304xf32, #tpu.memory_space<vmem>>, vector<16xf32>,
      %get3A_1117 = arith.constant 0 : i32
      %get3A_1118 = arith.index_cast %get3A_1117 : i32 to index
      %get3A_1119 = arith.constant 64 : index
      %get3A_1120 = tpu.vector_load %arg7[%get3A_1118, %get3A_1119] {strides = array<i32>} : memref<8x128xi32, #tpu.memory_space<vmem>>, vector<16xi32>,
      %shift_right_arithmetic3A_1121 = arith.constant 7 : i32
      %shift_right_arithmetic3A_1122 = vector.broadcast %shift_right_arithmetic3A_1121 : i32 to vector<16xi32>
      %shift_right_arithmetic3A_1123 = arith.shrsi %get3A_1120, %shift_right_arithmetic3A_1122 : vector<16xi32>
      %add3A_1124 = arith.constant 0 : i32
      %add3A_1125 = vector.broadcast %add3A_1124 : i32 to vector<16xi32>
      %add3A_1126 = arith.addi %add3A_1125, %shift_right_arithmetic3A_1123 : vector<16xi32>
      %and3A_1127 = arith.constant 127 : i32
      %and3A_1128 = vector.broadcast %and3A_1127 : i32 to vector<16xi32>
      %and3A_1129 = arith.andi %get3A_1120, %and3A_1128 : vector<16xi32>
      %gather3A_1130 = tpu.vector_load_idx %arg6[%add3A_1126, %and3A_1129] : memref<64x128xf32, #tpu.memory_space<vmem>>[vector<16xi32>, vector<16xi32>], vector<16xf32>,
      %swap3A_1131 = arith.constant 0 : i32
      %swap3A_1132 = arith.index_cast %swap3A_1131 : i32 to index
      %swap3A_1133 = arith.constant 64 : index
      %swap3A_1134 = tpu.vector_load %arg8[%swap3A_1132, %swap3A_1133] {strides = array<i32>} : memref<6x304xf32, #tpu.memory_space<vmem>>, vector<16xf32>,
      tpu.vector_store %arg8[%swap3A_1132, %swap3A_1133], %gather3A_1130 {strides = array<i32>} : memref<6x304xf32, #tpu.memory_space<vmem>>, vector<16xf32>,
      %shift_right_arithmetic3A_1135 = arith.constant 7 : i32
      %shift_right_arithmetic3A_1136 = vector.broadcast %shift_right_arithmetic3A_1135 : i32 to vector<16xi32>
      %shift_right_arithmetic3A_1137 = arith.shrsi %get3A_1120, %shift_right_arithmetic3A_1136 : vector<16xi32>
      %add3A_1138 = arith.constant 8 : i32
      %add3A_1139 = vector.broadcast %add3A_1138 : i32 to vector<16xi32>
      %add3A_1140 = arith.addi %add3A_1139, %shift_right_arithmetic3A_1137 : vector<16xi32>
      %and3A_1141 = arith.constant 127 : i32
      %and3A_1142 = vector.broadcast %and3A_1141 : i32 to vector<16xi32>
      %and3A_1143 = arith.andi %get3A_1120, %and3A_1142 : vector<16xi32>
      %gather3A_1144 = tpu.vector_load_idx %arg6[%add3A_1140, %and3A_1143] : memref<64x128xf32, #tpu.memory_space<vmem>>[vector<16xi32>, vector<16xi32>], vector<16xf32>,
      %swap3A_1145 = arith.constant 1 : i32
      %swap3A_1146 = arith.index_cast %swap3A_1145 : i32 to index
      %swap3A_1147 = arith.constant 64 : index
      %swap3A_1148 = tpu.vector_load %arg8[%swap3A_1146, %swap3A_1147] {strides = array<i32>} : memref<6x304xf32, #tpu.memory_space<vmem>>, vector<16xf32>,
      tpu.vector_store %arg8[%swap3A_1146, %swap3A_1147], %gather3A_1144 {strides = array<i32>} : memref<6x304xf32, #tpu.memory_space<vmem>>, vector<16xf32>,
      %shift_right_arithmetic3A_1149 = arith.constant 7 : i32
      %shift_right_arithmetic3A_1150 = vector.broadcast %shift_right_arithmetic3A_1149 : i32 to vector<16xi32>
      %shift_right_arithmetic3A_1151 = arith.shrsi %get3A_1120, %shift_right_arithmetic3A_1150 : vector<16xi32>
      %add3A_1152 = arith.constant 16 : i32
      %add3A_1153 = vector.broadcast %add3A_1152 : i32 to vector<16xi32>
      %add3A_1154 = arith.addi %add3A_1153, %shift_right_arithmetic3A_1151 : vector<16xi32>
      %and3A_1155 = arith.constant 127 : i32
      %and3A_1156 = vector.broadcast %and3A_1155 : i32 to vector<16xi32>
      %and3A_1157 = arith.andi %get3A_1120, %and3A_1156 : vector<16xi32>
      %gather3A_1158 = tpu.vector_load_idx %arg6[%add3A_1154, %and3A_1157] : memref<64x128xf32, #tpu.memory_space<vmem>>[vector<16xi32>, vector<16xi32>], vector<16xf32>,
      %swap3A_1159 = arith.constant 2 : i32
      %swap3A_1160 = arith.index_cast %swap3A_1159 : i32 to index
      %swap3A_1161 = arith.constant 64 : index
      %swap3A_1162 = tpu.vector_load %arg8[%swap3A_1160, %swap3A_1161] {strides = array<i32>} : memref<6x304xf32, #tpu.memory_space<vmem>>, vector<16xf32>,
      tpu.vector_store %arg8[%swap3A_1160, %swap3A_1161], %gather3A_1158 {strides = array<i32>} : memref<6x304xf32, #tpu.memory_space<vmem>>, vector<16xf32>,
      %shift_right_arithmetic3A_1163 = arith.constant 7 : i32
      %shift_right_arithmetic3A_1164 = vector.broadcast %shift_right_arithmetic3A_1163 : i32 to vector<16xi32>
      %shift_right_arithmetic3A_1165 = arith.shrsi %get3A_1120, %shift_right_arithmetic3A_1164 : vector<16xi32>
      %add3A_1166 = arith.constant 24 : i32
      %add3A_1167 = vector.broadcast %add3A_1166 : i32 to vector<16xi32>
      %add3A_1168 = arith.addi %add3A_1167, %shift_right_arithmetic3A_1165 : vector<16xi32>
      %and3A_1169 = arith.constant 127 : i32
      %and3A_1170 = vector.broadcast %and3A_1169 : i32 to vector<16xi32>
      %and3A_1171 = arith.andi %get3A_1120, %and3A_1170 : vector<16xi32>
      %gather3A_1172 = tpu.vector_load_idx %arg6[%add3A_1168, %and3A_1171] : memref<64x128xf32, #tpu.memory_space<vmem>>[vector<16xi32>, vector<16xi32>], vector<16xf32>,
      %swap3A_1173 = arith.constant 3 : i32
      %swap3A_1174 = arith.index_cast %swap3A_1173 : i32 to index
      %swap3A_1175 = arith.constant 64 : index
      %swap3A_1176 = tpu.vector_load %arg8[%swap3A_1174, %swap3A_1175] {strides = array<i32>} : memref<6x304xf32, #tpu.memory_space<vmem>>, vector<16xf32>,
      tpu.vector_store %arg8[%swap3A_1174, %swap3A_1175], %gather3A_1172 {strides = array<i32>} : memref<6x304xf32, #tpu.memory_space<vmem>>, vector<16xf32>,
      %shift_right_arithmetic3A_1177 = arith.constant 7 : i32
      %shift_right_arithmetic3A_1178 = vector.broadcast %shift_right_arithmetic3A_1177 : i32 to vector<16xi32>
      %shift_right_arithmetic3A_1179 = arith.shrsi %get3A_1120, %shift_right_arithmetic3A_1178 : vector<16xi32>
      %add3A_1180 = arith.constant 32 : i32
      %add3A_1181 = vector.broadcast %add3A_1180 : i32 to vector<16xi32>
      %add3A_1182 = arith.addi %add3A_1181, %shift_right_arithmetic3A_1179 : vector<16xi32>
      %and3A_1183 = arith.constant 127 : i32
      %and3A_1184 = vector.broadcast %and3A_1183 : i32 to vector<16xi32>
      %and3A_1185 = arith.andi %get3A_1120, %and3A_1184 : vector<16xi32>
      %gather3A_1186 = tpu.vector_load_idx %arg6[%add3A_1182, %and3A_1185] : memref<64x128xf32, #tpu.memory_space<vmem>>[vector<16xi32>, vector<16xi32>], vector<16xf32>,
      %swap3A_1187 = arith.constant 4 : i32
      %swap3A_1188 = arith.index_cast %swap3A_1187 : i32 to index
      %swap3A_1189 = arith.constant 64 : index
      %swap3A_1190 = tpu.vector_load %arg8[%swap3A_1188, %swap3A_1189] {strides = array<i32>} : memref<6x304xf32, #tpu.memory_space<vmem>>, vector<16xf32>,
      tpu.vector_store %arg8[%swap3A_1188, %swap3A_1189], %gather3A_1186 {strides = array<i32>} : memref<6x304xf32, #tpu.memory_space<vmem>>, vector<16xf32>,
      %shift_right_arithmetic3A_1191 = arith.constant 7 : i32
      %shift_right_arithmetic3A_1192 = vector.broadcast %shift_right_arithmetic3A_1191 : i32 to vector<16xi32>
      %shift_right_arithmetic3A_1193 = arith.shrsi %get3A_1120, %shift_right_arithmetic3A_1192 : vector<16xi32>
      %add3A_1194 = arith.constant 40 : i32
      %add3A_1195 = vector.broadcast %add3A_1194 : i32 to vector<16xi32>
      %add3A_1196 = arith.addi %add3A_1195, %shift_right_arithmetic3A_1193 : vector<16xi32>
      %and3A_1197 = arith.constant 127 : i32
      %and3A_1198 = vector.broadcast %and3A_1197 : i32 to vector<16xi32>
      %and3A_1199 = arith.andi %get3A_1120, %and3A_1198 : vector<16xi32>
      %gather3A_1200 = tpu.vector_load_idx %arg6[%add3A_1196, %and3A_1199] : memref<64x128xf32, #tpu.memory_space<vmem>>[vector<16xi32>, vector<16xi32>], vector<16xf32>,
      %swap3A_1201 = arith.constant 5 : i32
      %swap3A_1202 = arith.index_cast %swap3A_1201 : i32 to index
      %swap3A_1203 = arith.constant 64 : index
      %swap3A_1204 = tpu.vector_load %arg8[%swap3A_1202, %swap3A_1203] {strides = array<i32>} : memref<6x304xf32, #tpu.memory_space<vmem>>, vector<16xf32>,
      tpu.vector_store %arg8[%swap3A_1202, %swap3A_1203], %gather3A_1200 {strides = array<i32>} : memref<6x304xf32, #tpu.memory_space<vmem>>, vector<16xf32>,
      %get3A_1205 = arith.constant 0 : i32
      %get3A_1206 = arith.index_cast %get3A_1205 : i32 to index
      %get3A_1207 = arith.constant 80 : index
      %get3A_1208 = tpu.vector_load %arg7[%get3A_1206, %get3A_1207] {strides = array<i32>} : memref<8x128xi32, #tpu.memory_space<vmem>>, vector<16xi32>,
      %shift_right_arithmetic3A_1209 = arith.constant 7 : i32
      %shift_right_arithmetic3A_1210 = vector.broadcast %shift_right_arithmetic3A_1209 : i32 to vector<16xi32>
      %shift_right_arithmetic3A_1211 = arith.shrsi %get3A_1208, %shift_right_arithmetic3A_1210 : vector<16xi32>
      %add3A_1212 = arith.constant 0 : i32
      %add3A_1213 = vector.broadcast %add3A_1212 : i32 to vector<16xi32>
      %add3A_1214 = arith.addi %add3A_1213, %shift_right_arithmetic3A_1211 : vector<16xi32>
      %and3A_1215 = arith.constant 127 : i32
      %and3A_1216 = vector.broadcast %and3A_1215 : i32 to vector<16xi32>
      %and3A_1217 = arith.andi %get3A_1208, %and3A_1216 : vector<16xi32>
      %gather3A_1218 = tpu.vector_load_idx %arg6[%add3A_1214, %and3A_1217] : memref<64x128xf32, #tpu.memory_space<vmem>>[vector<16xi32>, vector<16xi32>], vector<16xf32>,
      %swap3A_1219 = arith.constant 0 : i32
      %swap3A_1220 = arith.index_cast %swap3A_1219 : i32 to index
      %swap3A_1221 = arith.constant 80 : index
      %swap3A_1222 = tpu.vector_load %arg8[%swap3A_1220, %swap3A_1221] {strides = array<i32>} : memref<6x304xf32, #tpu.memory_space<vmem>>, vector<16xf32>,
      tpu.vector_store %arg8[%swap3A_1220, %swap3A_1221], %gather3A_1218 {strides = array<i32>} : memref<6x304xf32, #tpu.memory_space<vmem>>, vector<16xf32>,
      %shift_right_arithmetic3A_1223 = arith.constant 7 : i32
      %shift_right_arithmetic3A_1224 = vector.broadcast %shift_right_arithmetic3A_1223 : i32 to vector<16xi32>
      %shift_right_arithmetic3A_1225 = arith.shrsi %get3A_1208, %shift_right_arithmetic3A_1224 : vector<16xi32>
      %add3A_1226 = arith.constant 8 : i32
      %add3A_1227 = vector.broadcast %add3A_1226 : i32 to vector<16xi32>
      %add3A_1228 = arith.addi %add3A_1227, %shift_right_arithmetic3A_1225 : vector<16xi32>
      %and3A_1229 = arith.constant 127 : i32
      %and3A_1230 = vector.broadcast %and3A_1229 : i32 to vector<16xi32>
      %and3A_1231 = arith.andi %get3A_1208, %and3A_1230 : vector<16xi32>
      %gather3A_1232 = tpu.vector_load_idx %arg6[%add3A_1228, %and3A_1231] : memref<64x128xf32, #tpu.memory_space<vmem>>[vector<16xi32>, vector<16xi32>], vector<16xf32>,
      %swap3A_1233 = arith.constant 1 : i32
      %swap3A_1234 = arith.index_cast %swap3A_1233 : i32 to index
      %swap3A_1235 = arith.constant 80 : index
      %swap3A_1236 = tpu.vector_load %arg8[%swap3A_1234, %swap3A_1235] {strides = array<i32>} : memref<6x304xf32, #tpu.memory_space<vmem>>, vector<16xf32>,
      tpu.vector_store %arg8[%swap3A_1234, %swap3A_1235], %gather3A_1232 {strides = array<i32>} : memref<6x304xf32, #tpu.memory_space<vmem>>, vector<16xf32>,
      %shift_right_arithmetic3A_1237 = arith.constant 7 : i32
      %shift_right_arithmetic3A_1238 = vector.broadcast %shift_right_arithmetic3A_1237 : i32 to vector<16xi32>
      %shift_right_arithmetic3A_1239 = arith.shrsi %get3A_1208, %shift_right_arithmetic3A_1238 : vector<16xi32>
      %add3A_1240 = arith.constant 16 : i32
      %add3A_1241 = vector.broadcast %add3A_1240 : i32 to vector<16xi32>
      %add3A_1242 = arith.addi %add3A_1241, %shift_right_arithmetic3A_1239 : vector<16xi32>
      %and3A_1243 = arith.constant 127 : i32
      %and3A_1244 = vector.broadcast %and3A_1243 : i32 to vector<16xi32>
      %and3A_1245 = arith.andi %get3A_1208, %and3A_1244 : vector<16xi32>
      %gather3A_1246 = tpu.vector_load_idx %arg6[%add3A_1242, %and3A_1245] : memref<64x128xf32, #tpu.memory_space<vmem>>[vector<16xi32>, vector<16xi32>], vector<16xf32>,
      %swap3A_1247 = arith.constant 2 : i32
      %swap3A_1248 = arith.index_cast %swap3A_1247 : i32 to index
      %swap3A_1249 = arith.constant 80 : index
      %swap3A_1250 = tpu.vector_load %arg8[%swap3A_1248, %swap3A_1249] {strides = array<i32>} : memref<6x304xf32, #tpu.memory_space<vmem>>, vector<16xf32>,
      tpu.vector_store %arg8[%swap3A_1248, %swap3A_1249], %gather3A_1246 {strides = array<i32>} : memref<6x304xf32, #tpu.memory_space<vmem>>, vector<16xf32>,
      %shift_right_arithmetic3A_1251 = arith.constant 7 : i32
      %shift_right_arithmetic3A_1252 = vector.broadcast %shift_right_arithmetic3A_1251 : i32 to vector<16xi32>
      %shift_right_arithmetic3A_1253 = arith.shrsi %get3A_1208, %shift_right_arithmetic3A_1252 : vector<16xi32>
      %add3A_1254 = arith.constant 24 : i32
      %add3A_1255 = vector.broadcast %add3A_1254 : i32 to vector<16xi32>
      %add3A_1256 = arith.addi %add3A_1255, %shift_right_arithmetic3A_1253 : vector<16xi32>
      %and3A_1257 = arith.constant 127 : i32
      %and3A_1258 = vector.broadcast %and3A_1257 : i32 to vector<16xi32>
      %and3A_1259 = arith.andi %get3A_1208, %and3A_1258 : vector<16xi32>
      %gather3A_1260 = tpu.vector_load_idx %arg6[%add3A_1256, %and3A_1259] : memref<64x128xf32, #tpu.memory_space<vmem>>[vector<16xi32>, vector<16xi32>], vector<16xf32>,
      %swap3A_1261 = arith.constant 3 : i32
      %swap3A_1262 = arith.index_cast %swap3A_1261 : i32 to index
      %swap3A_1263 = arith.constant 80 : index
      %swap3A_1264 = tpu.vector_load %arg8[%swap3A_1262, %swap3A_1263] {strides = array<i32>} : memref<6x304xf32, #tpu.memory_space<vmem>>, vector<16xf32>,
      tpu.vector_store %arg8[%swap3A_1262, %swap3A_1263], %gather3A_1260 {strides = array<i32>} : memref<6x304xf32, #tpu.memory_space<vmem>>, vector<16xf32>,
      %shift_right_arithmetic3A_1265 = arith.constant 7 : i32
      %shift_right_arithmetic3A_1266 = vector.broadcast %shift_right_arithmetic3A_1265 : i32 to vector<16xi32>
      %shift_right_arithmetic3A_1267 = arith.shrsi %get3A_1208, %shift_right_arithmetic3A_1266 : vector<16xi32>
      %add3A_1268 = arith.constant 32 : i32
      %add3A_1269 = vector.broadcast %add3A_1268 : i32 to vector<16xi32>
      %add3A_1270 = arith.addi %add3A_1269, %shift_right_arithmetic3A_1267 : vector<16xi32>
      %and3A_1271 = arith.constant 127 : i32
      %and3A_1272 = vector.broadcast %and3A_1271 : i32 to vector<16xi32>
      %and3A_1273 = arith.andi %get3A_1208, %and3A_1272 : vector<16xi32>
      %gather3A_1274 = tpu.vector_load_idx %arg6[%add3A_1270, %and3A_1273] : memref<64x128xf32, #tpu.memory_space<vmem>>[vector<16xi32>, vector<16xi32>], vector<16xf32>,
      %swap3A_1275 = arith.constant 4 : i32
      %swap3A_1276 = arith.index_cast %swap3A_1275 : i32 to index
      %swap3A_1277 = arith.constant 80 : index
      %swap3A_1278 = tpu.vector_load %arg8[%swap3A_1276, %swap3A_1277] {strides = array<i32>} : memref<6x304xf32, #tpu.memory_space<vmem>>, vector<16xf32>,
      tpu.vector_store %arg8[%swap3A_1276, %swap3A_1277], %gather3A_1274 {strides = array<i32>} : memref<6x304xf32, #tpu.memory_space<vmem>>, vector<16xf32>,
      %shift_right_arithmetic3A_1279 = arith.constant 7 : i32
      %shift_right_arithmetic3A_1280 = vector.broadcast %shift_right_arithmetic3A_1279 : i32 to vector<16xi32>
      %shift_right_arithmetic3A_1281 = arith.shrsi %get3A_1208, %shift_right_arithmetic3A_1280 : vector<16xi32>
      %add3A_1282 = arith.constant 40 : i32
      %add3A_1283 = vector.broadcast %add3A_1282 : i32 to vector<16xi32>
      %add3A_1284 = arith.addi %add3A_1283, %shift_right_arithmetic3A_1281 : vector<16xi32>
      %and3A_1285 = arith.constant 127 : i32
      %and3A_1286 = vector.broadcast %and3A_1285 : i32 to vector<16xi32>
      %and3A_1287 = arith.andi %get3A_1208, %and3A_1286 : vector<16xi32>
      %gather3A_1288 = tpu.vector_load_idx %arg6[%add3A_1284, %and3A_1287] : memref<64x128xf32, #tpu.memory_space<vmem>>[vector<16xi32>, vector<16xi32>], vector<16xf32>,
      %swap3A_1289 = arith.constant 5 : i32
      %swap3A_1290 = arith.index_cast %swap3A_1289 : i32 to index
      %swap3A_1291 = arith.constant 80 : index
      %swap3A_1292 = tpu.vector_load %arg8[%swap3A_1290, %swap3A_1291] {strides = array<i32>} : memref<6x304xf32, #tpu.memory_space<vmem>>, vector<16xf32>,
      tpu.vector_store %arg8[%swap3A_1290, %swap3A_1291], %gather3A_1288 {strides = array<i32>} : memref<6x304xf32, #tpu.memory_space<vmem>>, vector<16xf32>,
      %get3A_1293 = arith.constant 0 : i32
      %get3A_1294 = arith.index_cast %get3A_1293 : i32 to index
      %get3A_1295 = arith.constant 96 : index
      %get3A_1296 = tpu.vector_load %arg7[%get3A_1294, %get3A_1295] {strides = array<i32>} : memref<8x128xi32, #tpu.memory_space<vmem>>, vector<16xi32>,
      %shift_right_arithmetic3A_1297 = arith.constant 7 : i32
      %shift_right_arithmetic3A_1298 = vector.broadcast %shift_right_arithmetic3A_1297 : i32 to vector<16xi32>
      %shift_right_arithmetic3A_1299 = arith.shrsi %get3A_1296, %shift_right_arithmetic3A_1298 : vector<16xi32>
      %add3A_1300 = arith.constant 0 : i32
      %add3A_1301 = vector.broadcast %add3A_1300 : i32 to vector<16xi32>
      %add3A_1302 = arith.addi %add3A_1301, %shift_right_arithmetic3A_1299 : vector<16xi32>
      %and3A_1303 = arith.constant 127 : i32
      %and3A_1304 = vector.broadcast %and3A_1303 : i32 to vector<16xi32>
      %and3A_1305 = arith.andi %get3A_1296, %and3A_1304 : vector<16xi32>
      %gather3A_1306 = tpu.vector_load_idx %arg6[%add3A_1302, %and3A_1305] : memref<64x128xf32, #tpu.memory_space<vmem>>[vector<16xi32>, vector<16xi32>], vector<16xf32>,
      %swap3A_1307 = arith.constant 0 : i32
      %swap3A_1308 = arith.index_cast %swap3A_1307 : i32 to index
      %swap3A_1309 = arith.constant 96 : index
      %swap3A_1310 = tpu.vector_load %arg8[%swap3A_1308, %swap3A_1309] {strides = array<i32>} : memref<6x304xf32, #tpu.memory_space<vmem>>, vector<16xf32>,
      tpu.vector_store %arg8[%swap3A_1308, %swap3A_1309], %gather3A_1306 {strides = array<i32>} : memref<6x304xf32, #tpu.memory_space<vmem>>, vector<16xf32>,
      %shift_right_arithmetic3A_1311 = arith.constant 7 : i32
      %shift_right_arithmetic3A_1312 = vector.broadcast %shift_right_arithmetic3A_1311 : i32 to vector<16xi32>
      %shift_right_arithmetic3A_1313 = arith.shrsi %get3A_1296, %shift_right_arithmetic3A_1312 : vector<16xi32>
      %add3A_1314 = arith.constant 8 : i32
      %add3A_1315 = vector.broadcast %add3A_1314 : i32 to vector<16xi32>
      %add3A_1316 = arith.addi %add3A_1315, %shift_right_arithmetic3A_1313 : vector<16xi32>
      %and3A_1317 = arith.constant 127 : i32
      %and3A_1318 = vector.broadcast %and3A_1317 : i32 to vector<16xi32>
      %and3A_1319 = arith.andi %get3A_1296, %and3A_1318 : vector<16xi32>
      %gather3A_1320 = tpu.vector_load_idx %arg6[%add3A_1316, %and3A_1319] : memref<64x128xf32, #tpu.memory_space<vmem>>[vector<16xi32>, vector<16xi32>], vector<16xf32>,
      %swap3A_1321 = arith.constant 1 : i32
      %swap3A_1322 = arith.index_cast %swap3A_1321 : i32 to index
      %swap3A_1323 = arith.constant 96 : index
      %swap3A_1324 = tpu.vector_load %arg8[%swap3A_1322, %swap3A_1323] {strides = array<i32>} : memref<6x304xf32, #tpu.memory_space<vmem>>, vector<16xf32>,
      tpu.vector_store %arg8[%swap3A_1322, %swap3A_1323], %gather3A_1320 {strides = array<i32>} : memref<6x304xf32, #tpu.memory_space<vmem>>, vector<16xf32>,
      %shift_right_arithmetic3A_1325 = arith.constant 7 : i32
      %shift_right_arithmetic3A_1326 = vector.broadcast %shift_right_arithmetic3A_1325 : i32 to vector<16xi32>
      %shift_right_arithmetic3A_1327 = arith.shrsi %get3A_1296, %shift_right_arithmetic3A_1326 : vector<16xi32>
      %add3A_1328 = arith.constant 16 : i32
      %add3A_1329 = vector.broadcast %add3A_1328 : i32 to vector<16xi32>
      %add3A_1330 = arith.addi %add3A_1329, %shift_right_arithmetic3A_1327 : vector<16xi32>
      %and3A_1331 = arith.constant 127 : i32
      %and3A_1332 = vector.broadcast %and3A_1331 : i32 to vector<16xi32>
      %and3A_1333 = arith.andi %get3A_1296, %and3A_1332 : vector<16xi32>
      %gather3A_1334 = tpu.vector_load_idx %arg6[%add3A_1330, %and3A_1333] : memref<64x128xf32, #tpu.memory_space<vmem>>[vector<16xi32>, vector<16xi32>], vector<16xf32>,
      %swap3A_1335 = arith.constant 2 : i32
      %swap3A_1336 = arith.index_cast %swap3A_1335 : i32 to index
      %swap3A_1337 = arith.constant 96 : index
      %swap3A_1338 = tpu.vector_load %arg8[%swap3A_1336, %swap3A_1337] {strides = array<i32>} : memref<6x304xf32, #tpu.memory_space<vmem>>, vector<16xf32>,
      tpu.vector_store %arg8[%swap3A_1336, %swap3A_1337], %gather3A_1334 {strides = array<i32>} : memref<6x304xf32, #tpu.memory_space<vmem>>, vector<16xf32>,
      %shift_right_arithmetic3A_1339 = arith.constant 7 : i32
      %shift_right_arithmetic3A_1340 = vector.broadcast %shift_right_arithmetic3A_1339 : i32 to vector<16xi32>
      %shift_right_arithmetic3A_1341 = arith.shrsi %get3A_1296, %shift_right_arithmetic3A_1340 : vector<16xi32>
      %add3A_1342 = arith.constant 24 : i32
      %add3A_1343 = vector.broadcast %add3A_1342 : i32 to vector<16xi32>
      %add3A_1344 = arith.addi %add3A_1343, %shift_right_arithmetic3A_1341 : vector<16xi32>
      %and3A_1345 = arith.constant 127 : i32
      %and3A_1346 = vector.broadcast %and3A_1345 : i32 to vector<16xi32>
      %and3A_1347 = arith.andi %get3A_1296, %and3A_1346 : vector<16xi32>
      %gather3A_1348 = tpu.vector_load_idx %arg6[%add3A_1344, %and3A_1347] : memref<64x128xf32, #tpu.memory_space<vmem>>[vector<16xi32>, vector<16xi32>], vector<16xf32>,
      %swap3A_1349 = arith.constant 3 : i32
      %swap3A_1350 = arith.index_cast %swap3A_1349 : i32 to index
      %swap3A_1351 = arith.constant 96 : index
      %swap3A_1352 = tpu.vector_load %arg8[%swap3A_1350, %swap3A_1351] {strides = array<i32>} : memref<6x304xf32, #tpu.memory_space<vmem>>, vector<16xf32>,
      tpu.vector_store %arg8[%swap3A_1350, %swap3A_1351], %gather3A_1348 {strides = array<i32>} : memref<6x304xf32, #tpu.memory_space<vmem>>, vector<16xf32>,
      %shift_right_arithmetic3A_1353 = arith.constant 7 : i32
      %shift_right_arithmetic3A_1354 = vector.broadcast %shift_right_arithmetic3A_1353 : i32 to vector<16xi32>
      %shift_right_arithmetic3A_1355 = arith.shrsi %get3A_1296, %shift_right_arithmetic3A_1354 : vector<16xi32>
      %add3A_1356 = arith.constant 32 : i32
      %add3A_1357 = vector.broadcast %add3A_1356 : i32 to vector<16xi32>
      %add3A_1358 = arith.addi %add3A_1357, %shift_right_arithmetic3A_1355 : vector<16xi32>
      %and3A_1359 = arith.constant 127 : i32
      %and3A_1360 = vector.broadcast %and3A_1359 : i32 to vector<16xi32>
      %and3A_1361 = arith.andi %get3A_1296, %and3A_1360 : vector<16xi32>
      %gather3A_1362 = tpu.vector_load_idx %arg6[%add3A_1358, %and3A_1361] : memref<64x128xf32, #tpu.memory_space<vmem>>[vector<16xi32>, vector<16xi32>], vector<16xf32>,
      %swap3A_1363 = arith.constant 4 : i32
      %swap3A_1364 = arith.index_cast %swap3A_1363 : i32 to index
      %swap3A_1365 = arith.constant 96 : index
      %swap3A_1366 = tpu.vector_load %arg8[%swap3A_1364, %swap3A_1365] {strides = array<i32>} : memref<6x304xf32, #tpu.memory_space<vmem>>, vector<16xf32>,
      tpu.vector_store %arg8[%swap3A_1364, %swap3A_1365], %gather3A_1362 {strides = array<i32>} : memref<6x304xf32, #tpu.memory_space<vmem>>, vector<16xf32>,
      %shift_right_arithmetic3A_1367 = arith.constant 7 : i32
      %shift_right_arithmetic3A_1368 = vector.broadcast %shift_right_arithmetic3A_1367 : i32 to vector<16xi32>
      %shift_right_arithmetic3A_1369 = arith.shrsi %get3A_1296, %shift_right_arithmetic3A_1368 : vector<16xi32>
      %add3A_1370 = arith.constant 40 : i32
      %add3A_1371 = vector.broadcast %add3A_1370 : i32 to vector<16xi32>
      %add3A_1372 = arith.addi %add3A_1371, %shift_right_arithmetic3A_1369 : vector<16xi32>
      %and3A_1373 = arith.constant 127 : i32
      %and3A_1374 = vector.broadcast %and3A_1373 : i32 to vector<16xi32>
      %and3A_1375 = arith.andi %get3A_1296, %and3A_1374 : vector<16xi32>
      %gather3A_1376 = tpu.vector_load_idx %arg6[%add3A_1372, %and3A_1375] : memref<64x128xf32, #tpu.memory_space<vmem>>[vector<16xi32>, vector<16xi32>], vector<16xf32>,
      %swap3A_1377 = arith.constant 5 : i32
      %swap3A_1378 = arith.index_cast %swap3A_1377 : i32 to index
      %swap3A_1379 = arith.constant 96 : index
      %swap3A_1380 = tpu.vector_load %arg8[%swap3A_1378, %swap3A_1379] {strides = array<i32>} : memref<6x304xf32, #tpu.memory_space<vmem>>, vector<16xf32>,
      tpu.vector_store %arg8[%swap3A_1378, %swap3A_1379], %gather3A_1376 {strides = array<i32>} : memref<6x304xf32, #tpu.memory_space<vmem>>, vector<16xf32>,
      %get3A_1381 = arith.constant 0 : i32
      %get3A_1382 = arith.index_cast %get3A_1381 : i32 to index
      %get3A_1383 = arith.constant 112 : index
      %get3A_1384 = tpu.vector_load %arg7[%get3A_1382, %get3A_1383] {strides = array<i32>} : memref<8x128xi32, #tpu.memory_space<vmem>>, vector<16xi32>,
      %shift_right_arithmetic3A_1385 = arith.constant 7 : i32
      %shift_right_arithmetic3A_1386 = vector.broadcast %shift_right_arithmetic3A_1385 : i32 to vector<16xi32>
      %shift_right_arithmetic3A_1387 = arith.shrsi %get3A_1384, %shift_right_arithmetic3A_1386 : vector<16xi32>
      %add3A_1388 = arith.constant 0 : i32
      %add3A_1389 = vector.broadcast %add3A_1388 : i32 to vector<16xi32>
      %add3A_1390 = arith.addi %add3A_1389, %shift_right_arithmetic3A_1387 : vector<16xi32>
      %and3A_1391 = arith.constant 127 : i32
      %and3A_1392 = vector.broadcast %and3A_1391 : i32 to vector<16xi32>
      %and3A_1393 = arith.andi %get3A_1384, %and3A_1392 : vector<16xi32>
      %gather3A_1394 = tpu.vector_load_idx %arg6[%add3A_1390, %and3A_1393] : memref<64x128xf32, #tpu.memory_space<vmem>>[vector<16xi32>, vector<16xi32>], vector<16xf32>,
      %swap3A_1395 = arith.constant 0 : i32
      %swap3A_1396 = arith.index_cast %swap3A_1395 : i32 to index
      %swap3A_1397 = arith.constant 112 : index
      %swap3A_1398 = tpu.vector_load %arg8[%swap3A_1396, %swap3A_1397] {strides = array<i32>} : memref<6x304xf32, #tpu.memory_space<vmem>>, vector<16xf32>,
      tpu.vector_store %arg8[%swap3A_1396, %swap3A_1397], %gather3A_1394 {strides = array<i32>} : memref<6x304xf32, #tpu.memory_space<vmem>>, vector<16xf32>,
      %shift_right_arithmetic3A_1399 = arith.constant 7 : i32
      %shift_right_arithmetic3A_1400 = vector.broadcast %shift_right_arithmetic3A_1399 : i32 to vector<16xi32>
      %shift_right_arithmetic3A_1401 = arith.shrsi %get3A_1384, %shift_right_arithmetic3A_1400 : vector<16xi32>
      %add3A_1402 = arith.constant 8 : i32
      %add3A_1403 = vector.broadcast %add3A_1402 : i32 to vector<16xi32>
      %add3A_1404 = arith.addi %add3A_1403, %shift_right_arithmetic3A_1401 : vector<16xi32>
      %and3A_1405 = arith.constant 127 : i32
      %and3A_1406 = vector.broadcast %and3A_1405 : i32 to vector<16xi32>
      %and3A_1407 = arith.andi %get3A_1384, %and3A_1406 : vector<16xi32>
      %gather3A_1408 = tpu.vector_load_idx %arg6[%add3A_1404, %and3A_1407] : memref<64x128xf32, #tpu.memory_space<vmem>>[vector<16xi32>, vector<16xi32>], vector<16xf32>,
      %swap3A_1409 = arith.constant 1 : i32
      %swap3A_1410 = arith.index_cast %swap3A_1409 : i32 to index
      %swap3A_1411 = arith.constant 112 : index
      %swap3A_1412 = tpu.vector_load %arg8[%swap3A_1410, %swap3A_1411] {strides = array<i32>} : memref<6x304xf32, #tpu.memory_space<vmem>>, vector<16xf32>,
      tpu.vector_store %arg8[%swap3A_1410, %swap3A_1411], %gather3A_1408 {strides = array<i32>} : memref<6x304xf32, #tpu.memory_space<vmem>>, vector<16xf32>,
      %shift_right_arithmetic3A_1413 = arith.constant 7 : i32
      %shift_right_arithmetic3A_1414 = vector.broadcast %shift_right_arithmetic3A_1413 : i32 to vector<16xi32>
      %shift_right_arithmetic3A_1415 = arith.shrsi %get3A_1384, %shift_right_arithmetic3A_1414 : vector<16xi32>
      %add3A_1416 = arith.constant 16 : i32
      %add3A_1417 = vector.broadcast %add3A_1416 : i32 to vector<16xi32>
      %add3A_1418 = arith.addi %add3A_1417, %shift_right_arithmetic3A_1415 : vector<16xi32>
      %and3A_1419 = arith.constant 127 : i32
      %and3A_1420 = vector.broadcast %and3A_1419 : i32 to vector<16xi32>
      %and3A_1421 = arith.andi %get3A_1384, %and3A_1420 : vector<16xi32>
      %gather3A_1422 = tpu.vector_load_idx %arg6[%add3A_1418, %and3A_1421] : memref<64x128xf32, #tpu.memory_space<vmem>>[vector<16xi32>, vector<16xi32>], vector<16xf32>,
      %swap3A_1423 = arith.constant 2 : i32
      %swap3A_1424 = arith.index_cast %swap3A_1423 : i32 to index
      %swap3A_1425 = arith.constant 112 : index
      %swap3A_1426 = tpu.vector_load %arg8[%swap3A_1424, %swap3A_1425] {strides = array<i32>} : memref<6x304xf32, #tpu.memory_space<vmem>>, vector<16xf32>,
      tpu.vector_store %arg8[%swap3A_1424, %swap3A_1425], %gather3A_1422 {strides = array<i32>} : memref<6x304xf32, #tpu.memory_space<vmem>>, vector<16xf32>,
      %shift_right_arithmetic3A_1427 = arith.constant 7 : i32
      %shift_right_arithmetic3A_1428 = vector.broadcast %shift_right_arithmetic3A_1427 : i32 to vector<16xi32>
      %shift_right_arithmetic3A_1429 = arith.shrsi %get3A_1384, %shift_right_arithmetic3A_1428 : vector<16xi32>
      %add3A_1430 = arith.constant 24 : i32
      %add3A_1431 = vector.broadcast %add3A_1430 : i32 to vector<16xi32>
      %add3A_1432 = arith.addi %add3A_1431, %shift_right_arithmetic3A_1429 : vector<16xi32>
      %and3A_1433 = arith.constant 127 : i32
      %and3A_1434 = vector.broadcast %and3A_1433 : i32 to vector<16xi32>
      %and3A_1435 = arith.andi %get3A_1384, %and3A_1434 : vector<16xi32>
      %gather3A_1436 = tpu.vector_load_idx %arg6[%add3A_1432, %and3A_1435] : memref<64x128xf32, #tpu.memory_space<vmem>>[vector<16xi32>, vector<16xi32>], vector<16xf32>,
      %swap3A_1437 = arith.constant 3 : i32
      %swap3A_1438 = arith.index_cast %swap3A_1437 : i32 to index
      %swap3A_1439 = arith.constant 112 : index
      %swap3A_1440 = tpu.vector_load %arg8[%swap3A_1438, %swap3A_1439] {strides = array<i32>} : memref<6x304xf32, #tpu.memory_space<vmem>>, vector<16xf32>,
      tpu.vector_store %arg8[%swap3A_1438, %swap3A_1439], %gather3A_1436 {strides = array<i32>} : memref<6x304xf32, #tpu.memory_space<vmem>>, vector<16xf32>,
      %shift_right_arithmetic3A_1441 = arith.constant 7 : i32
      %shift_right_arithmetic3A_1442 = vector.broadcast %shift_right_arithmetic3A_1441 : i32 to vector<16xi32>
      %shift_right_arithmetic3A_1443 = arith.shrsi %get3A_1384, %shift_right_arithmetic3A_1442 : vector<16xi32>
      %add3A_1444 = arith.constant 32 : i32
      %add3A_1445 = vector.broadcast %add3A_1444 : i32 to vector<16xi32>
      %add3A_1446 = arith.addi %add3A_1445, %shift_right_arithmetic3A_1443 : vector<16xi32>
      %and3A_1447 = arith.constant 127 : i32
      %and3A_1448 = vector.broadcast %and3A_1447 : i32 to vector<16xi32>
      %and3A_1449 = arith.andi %get3A_1384, %and3A_1448 : vector<16xi32>
      %gather3A_1450 = tpu.vector_load_idx %arg6[%add3A_1446, %and3A_1449] : memref<64x128xf32, #tpu.memory_space<vmem>>[vector<16xi32>, vector<16xi32>], vector<16xf32>,
      %swap3A_1451 = arith.constant 4 : i32
      %swap3A_1452 = arith.index_cast %swap3A_1451 : i32 to index
      %swap3A_1453 = arith.constant 112 : index
      %swap3A_1454 = tpu.vector_load %arg8[%swap3A_1452, %swap3A_1453] {strides = array<i32>} : memref<6x304xf32, #tpu.memory_space<vmem>>, vector<16xf32>,
      tpu.vector_store %arg8[%swap3A_1452, %swap3A_1453], %gather3A_1450 {strides = array<i32>} : memref<6x304xf32, #tpu.memory_space<vmem>>, vector<16xf32>,
      %shift_right_arithmetic3A_1455 = arith.constant 7 : i32
      %shift_right_arithmetic3A_1456 = vector.broadcast %shift_right_arithmetic3A_1455 : i32 to vector<16xi32>
      %shift_right_arithmetic3A_1457 = arith.shrsi %get3A_1384, %shift_right_arithmetic3A_1456 : vector<16xi32>
      %add3A_1458 = arith.constant 40 : i32
      %add3A_1459 = vector.broadcast %add3A_1458 : i32 to vector<16xi32>
      %add3A_1460 = arith.addi %add3A_1459, %shift_right_arithmetic3A_1457 : vector<16xi32>
      %and3A_1461 = arith.constant 127 : i32
      %and3A_1462 = vector.broadcast %and3A_1461 : i32 to vector<16xi32>
      %and3A_1463 = arith.andi %get3A_1384, %and3A_1462 : vector<16xi32>
      %gather3A_1464 = tpu.vector_load_idx %arg6[%add3A_1460, %and3A_1463] : memref<64x128xf32, #tpu.memory_space<vmem>>[vector<16xi32>, vector<16xi32>], vector<16xf32>,
      %swap3A_1465 = arith.constant 5 : i32
      %swap3A_1466 = arith.index_cast %swap3A_1465 : i32 to index
      %swap3A_1467 = arith.constant 112 : index
      %swap3A_1468 = tpu.vector_load %arg8[%swap3A_1466, %swap3A_1467] {strides = array<i32>} : memref<6x304xf32, #tpu.memory_space<vmem>>, vector<16xf32>,
      tpu.vector_store %arg8[%swap3A_1466, %swap3A_1467], %gather3A_1464 {strides = array<i32>} : memref<6x304xf32, #tpu.memory_space<vmem>>, vector<16xf32>,
      %get3A_1469 = arith.constant 1 : i32
      %get3A_1470 = arith.index_cast %get3A_1469 : i32 to index
      %get3A_1471 = arith.constant 0 : index
      %get3A_1472 = tpu.vector_load %arg7[%get3A_1470, %get3A_1471] {strides = array<i32>} : memref<8x128xi32, #tpu.memory_space<vmem>>, vector<16xi32>,
      %shift_right_arithmetic3A_1473 = arith.constant 7 : i32
      %shift_right_arithmetic3A_1474 = vector.broadcast %shift_right_arithmetic3A_1473 : i32 to vector<16xi32>
      %shift_right_arithmetic3A_1475 = arith.shrsi %get3A_1472, %shift_right_arithmetic3A_1474 : vector<16xi32>
      %add3A_1476 = arith.constant 0 : i32
      %add3A_1477 = vector.broadcast %add3A_1476 : i32 to vector<16xi32>
      %add3A_1478 = arith.addi %add3A_1477, %shift_right_arithmetic3A_1475 : vector<16xi32>
      %and3A_1479 = arith.constant 127 : i32
      %and3A_1480 = vector.broadcast %and3A_1479 : i32 to vector<16xi32>
      %and3A_1481 = arith.andi %get3A_1472, %and3A_1480 : vector<16xi32>
      %gather3A_1482 = tpu.vector_load_idx %arg6[%add3A_1478, %and3A_1481] : memref<64x128xf32, #tpu.memory_space<vmem>>[vector<16xi32>, vector<16xi32>], vector<16xf32>,
      %swap3A_1483 = arith.constant 0 : i32
      %swap3A_1484 = arith.index_cast %swap3A_1483 : i32 to index
      %swap3A_1485 = arith.constant 128 : index
      %swap3A_1486 = tpu.vector_load %arg8[%swap3A_1484, %swap3A_1485] {strides = array<i32>} : memref<6x304xf32, #tpu.memory_space<vmem>>, vector<16xf32>,
      tpu.vector_store %arg8[%swap3A_1484, %swap3A_1485], %gather3A_1482 {strides = array<i32>} : memref<6x304xf32, #tpu.memory_space<vmem>>, vector<16xf32>,
      %shift_right_arithmetic3A_1487 = arith.constant 7 : i32
      %shift_right_arithmetic3A_1488 = vector.broadcast %shift_right_arithmetic3A_1487 : i32 to vector<16xi32>
      %shift_right_arithmetic3A_1489 = arith.shrsi %get3A_1472, %shift_right_arithmetic3A_1488 : vector<16xi32>
      %add3A_1490 = arith.constant 8 : i32
      %add3A_1491 = vector.broadcast %add3A_1490 : i32 to vector<16xi32>
      %add3A_1492 = arith.addi %add3A_1491, %shift_right_arithmetic3A_1489 : vector<16xi32>
      %and3A_1493 = arith.constant 127 : i32
      %and3A_1494 = vector.broadcast %and3A_1493 : i32 to vector<16xi32>
      %and3A_1495 = arith.andi %get3A_1472, %and3A_1494 : vector<16xi32>
      %gather3A_1496 = tpu.vector_load_idx %arg6[%add3A_1492, %and3A_1495] : memref<64x128xf32, #tpu.memory_space<vmem>>[vector<16xi32>, vector<16xi32>], vector<16xf32>,
      %swap3A_1497 = arith.constant 1 : i32
      %swap3A_1498 = arith.index_cast %swap3A_1497 : i32 to index
      %swap3A_1499 = arith.constant 128 : index
      %swap3A_1500 = tpu.vector_load %arg8[%swap3A_1498, %swap3A_1499] {strides = array<i32>} : memref<6x304xf32, #tpu.memory_space<vmem>>, vector<16xf32>,
      tpu.vector_store %arg8[%swap3A_1498, %swap3A_1499], %gather3A_1496 {strides = array<i32>} : memref<6x304xf32, #tpu.memory_space<vmem>>, vector<16xf32>,
      %shift_right_arithmetic3A_1501 = arith.constant 7 : i32
      %shift_right_arithmetic3A_1502 = vector.broadcast %shift_right_arithmetic3A_1501 : i32 to vector<16xi32>
      %shift_right_arithmetic3A_1503 = arith.shrsi %get3A_1472, %shift_right_arithmetic3A_1502 : vector<16xi32>
      %add3A_1504 = arith.constant 16 : i32
      %add3A_1505 = vector.broadcast %add3A_1504 : i32 to vector<16xi32>
      %add3A_1506 = arith.addi %add3A_1505, %shift_right_arithmetic3A_1503 : vector<16xi32>
      %and3A_1507 = arith.constant 127 : i32
      %and3A_1508 = vector.broadcast %and3A_1507 : i32 to vector<16xi32>
      %and3A_1509 = arith.andi %get3A_1472, %and3A_1508 : vector<16xi32>
      %gather3A_1510 = tpu.vector_load_idx %arg6[%add3A_1506, %and3A_1509] : memref<64x128xf32, #tpu.memory_space<vmem>>[vector<16xi32>, vector<16xi32>], vector<16xf32>,
      %swap3A_1511 = arith.constant 2 : i32
      %swap3A_1512 = arith.index_cast %swap3A_1511 : i32 to index
      %swap3A_1513 = arith.constant 128 : index
      %swap3A_1514 = tpu.vector_load %arg8[%swap3A_1512, %swap3A_1513] {strides = array<i32>} : memref<6x304xf32, #tpu.memory_space<vmem>>, vector<16xf32>,
      tpu.vector_store %arg8[%swap3A_1512, %swap3A_1513], %gather3A_1510 {strides = array<i32>} : memref<6x304xf32, #tpu.memory_space<vmem>>, vector<16xf32>,
      %shift_right_arithmetic3A_1515 = arith.constant 7 : i32
      %shift_right_arithmetic3A_1516 = vector.broadcast %shift_right_arithmetic3A_1515 : i32 to vector<16xi32>
      %shift_right_arithmetic3A_1517 = arith.shrsi %get3A_1472, %shift_right_arithmetic3A_1516 : vector<16xi32>
      %add3A_1518 = arith.constant 24 : i32
      %add3A_1519 = vector.broadcast %add3A_1518 : i32 to vector<16xi32>
      %add3A_1520 = arith.addi %add3A_1519, %shift_right_arithmetic3A_1517 : vector<16xi32>
      %and3A_1521 = arith.constant 127 : i32
      %and3A_1522 = vector.broadcast %and3A_1521 : i32 to vector<16xi32>
      %and3A_1523 = arith.andi %get3A_1472, %and3A_1522 : vector<16xi32>
      %gather3A_1524 = tpu.vector_load_idx %arg6[%add3A_1520, %and3A_1523] : memref<64x128xf32, #tpu.memory_space<vmem>>[vector<16xi32>, vector<16xi32>], vector<16xf32>,
      %swap3A_1525 = arith.constant 3 : i32
      %swap3A_1526 = arith.index_cast %swap3A_1525 : i32 to index
      %swap3A_1527 = arith.constant 128 : index
      %swap3A_1528 = tpu.vector_load %arg8[%swap3A_1526, %swap3A_1527] {strides = array<i32>} : memref<6x304xf32, #tpu.memory_space<vmem>>, vector<16xf32>,
      tpu.vector_store %arg8[%swap3A_1526, %swap3A_1527], %gather3A_1524 {strides = array<i32>} : memref<6x304xf32, #tpu.memory_space<vmem>>, vector<16xf32>,
      %shift_right_arithmetic3A_1529 = arith.constant 7 : i32
      %shift_right_arithmetic3A_1530 = vector.broadcast %shift_right_arithmetic3A_1529 : i32 to vector<16xi32>
      %shift_right_arithmetic3A_1531 = arith.shrsi %get3A_1472, %shift_right_arithmetic3A_1530 : vector<16xi32>
      %add3A_1532 = arith.constant 32 : i32
      %add3A_1533 = vector.broadcast %add3A_1532 : i32 to vector<16xi32>
      %add3A_1534 = arith.addi %add3A_1533, %shift_right_arithmetic3A_1531 : vector<16xi32>
      %and3A_1535 = arith.constant 127 : i32
      %and3A_1536 = vector.broadcast %and3A_1535 : i32 to vector<16xi32>
      %and3A_1537 = arith.andi %get3A_1472, %and3A_1536 : vector<16xi32>
      %gather3A_1538 = tpu.vector_load_idx %arg6[%add3A_1534, %and3A_1537] : memref<64x128xf32, #tpu.memory_space<vmem>>[vector<16xi32>, vector<16xi32>], vector<16xf32>,
      %swap3A_1539 = arith.constant 4 : i32
      %swap3A_1540 = arith.index_cast %swap3A_1539 : i32 to index
      %swap3A_1541 = arith.constant 128 : index
      %swap3A_1542 = tpu.vector_load %arg8[%swap3A_1540, %swap3A_1541] {strides = array<i32>} : memref<6x304xf32, #tpu.memory_space<vmem>>, vector<16xf32>,
      tpu.vector_store %arg8[%swap3A_1540, %swap3A_1541], %gather3A_1538 {strides = array<i32>} : memref<6x304xf32, #tpu.memory_space<vmem>>, vector<16xf32>,
      %shift_right_arithmetic3A_1543 = arith.constant 7 : i32
      %shift_right_arithmetic3A_1544 = vector.broadcast %shift_right_arithmetic3A_1543 : i32 to vector<16xi32>
      %shift_right_arithmetic3A_1545 = arith.shrsi %get3A_1472, %shift_right_arithmetic3A_1544 : vector<16xi32>
      %add3A_1546 = arith.constant 40 : i32
      %add3A_1547 = vector.broadcast %add3A_1546 : i32 to vector<16xi32>
      %add3A_1548 = arith.addi %add3A_1547, %shift_right_arithmetic3A_1545 : vector<16xi32>
      %and3A_1549 = arith.constant 127 : i32
      %and3A_1550 = vector.broadcast %and3A_1549 : i32 to vector<16xi32>
      %and3A_1551 = arith.andi %get3A_1472, %and3A_1550 : vector<16xi32>
      %gather3A_1552 = tpu.vector_load_idx %arg6[%add3A_1548, %and3A_1551] : memref<64x128xf32, #tpu.memory_space<vmem>>[vector<16xi32>, vector<16xi32>], vector<16xf32>,
      %swap3A_1553 = arith.constant 5 : i32
      %swap3A_1554 = arith.index_cast %swap3A_1553 : i32 to index
      %swap3A_1555 = arith.constant 128 : index
      %swap3A_1556 = tpu.vector_load %arg8[%swap3A_1554, %swap3A_1555] {strides = array<i32>} : memref<6x304xf32, #tpu.memory_space<vmem>>, vector<16xf32>,
      tpu.vector_store %arg8[%swap3A_1554, %swap3A_1555], %gather3A_1552 {strides = array<i32>} : memref<6x304xf32, #tpu.memory_space<vmem>>, vector<16xf32>,
      %get3A_1557 = arith.constant 1 : i32
      %get3A_1558 = arith.index_cast %get3A_1557 : i32 to index
      %get3A_1559 = arith.constant 16 : index
      %get3A_1560 = tpu.vector_load %arg7[%get3A_1558, %get3A_1559] {strides = array<i32>} : memref<8x128xi32, #tpu.memory_space<vmem>>, vector<16xi32>,
      %shift_right_arithmetic3A_1561 = arith.constant 7 : i32
      %shift_right_arithmetic3A_1562 = vector.broadcast %shift_right_arithmetic3A_1561 : i32 to vector<16xi32>
      %shift_right_arithmetic3A_1563 = arith.shrsi %get3A_1560, %shift_right_arithmetic3A_1562 : vector<16xi32>
      %add3A_1564 = arith.constant 0 : i32
      %add3A_1565 = vector.broadcast %add3A_1564 : i32 to vector<16xi32>
      %add3A_1566 = arith.addi %add3A_1565, %shift_right_arithmetic3A_1563 : vector<16xi32>
      %and3A_1567 = arith.constant 127 : i32
      %and3A_1568 = vector.broadcast %and3A_1567 : i32 to vector<16xi32>
      %and3A_1569 = arith.andi %get3A_1560, %and3A_1568 : vector<16xi32>
      %gather3A_1570 = tpu.vector_load_idx %arg6[%add3A_1566, %and3A_1569] : memref<64x128xf32, #tpu.memory_space<vmem>>[vector<16xi32>, vector<16xi32>], vector<16xf32>,
      %swap3A_1571 = arith.constant 0 : i32
      %swap3A_1572 = arith.index_cast %swap3A_1571 : i32 to index
      %swap3A_1573 = arith.constant 144 : index
      %swap3A_1574 = tpu.vector_load %arg8[%swap3A_1572, %swap3A_1573] {strides = array<i32>} : memref<6x304xf32, #tpu.memory_space<vmem>>, vector<16xf32>,
      tpu.vector_store %arg8[%swap3A_1572, %swap3A_1573], %gather3A_1570 {strides = array<i32>} : memref<6x304xf32, #tpu.memory_space<vmem>>, vector<16xf32>,
      %shift_right_arithmetic3A_1575 = arith.constant 7 : i32
      %shift_right_arithmetic3A_1576 = vector.broadcast %shift_right_arithmetic3A_1575 : i32 to vector<16xi32>
      %shift_right_arithmetic3A_1577 = arith.shrsi %get3A_1560, %shift_right_arithmetic3A_1576 : vector<16xi32>
      %add3A_1578 = arith.constant 8 : i32
      %add3A_1579 = vector.broadcast %add3A_1578 : i32 to vector<16xi32>
      %add3A_1580 = arith.addi %add3A_1579, %shift_right_arithmetic3A_1577 : vector<16xi32>
      %and3A_1581 = arith.constant 127 : i32
      %and3A_1582 = vector.broadcast %and3A_1581 : i32 to vector<16xi32>
      %and3A_1583 = arith.andi %get3A_1560, %and3A_1582 : vector<16xi32>
      %gather3A_1584 = tpu.vector_load_idx %arg6[%add3A_1580, %and3A_1583] : memref<64x128xf32, #tpu.memory_space<vmem>>[vector<16xi32>, vector<16xi32>], vector<16xf32>,
      %swap3A_1585 = arith.constant 1 : i32
      %swap3A_1586 = arith.index_cast %swap3A_1585 : i32 to index
      %swap3A_1587 = arith.constant 144 : index
      %swap3A_1588 = tpu.vector_load %arg8[%swap3A_1586, %swap3A_1587] {strides = array<i32>} : memref<6x304xf32, #tpu.memory_space<vmem>>, vector<16xf32>,
      tpu.vector_store %arg8[%swap3A_1586, %swap3A_1587], %gather3A_1584 {strides = array<i32>} : memref<6x304xf32, #tpu.memory_space<vmem>>, vector<16xf32>,
      %shift_right_arithmetic3A_1589 = arith.constant 7 : i32
      %shift_right_arithmetic3A_1590 = vector.broadcast %shift_right_arithmetic3A_1589 : i32 to vector<16xi32>
      %shift_right_arithmetic3A_1591 = arith.shrsi %get3A_1560, %shift_right_arithmetic3A_1590 : vector<16xi32>
      %add3A_1592 = arith.constant 16 : i32
      %add3A_1593 = vector.broadcast %add3A_1592 : i32 to vector<16xi32>
      %add3A_1594 = arith.addi %add3A_1593, %shift_right_arithmetic3A_1591 : vector<16xi32>
      %and3A_1595 = arith.constant 127 : i32
      %and3A_1596 = vector.broadcast %and3A_1595 : i32 to vector<16xi32>
      %and3A_1597 = arith.andi %get3A_1560, %and3A_1596 : vector<16xi32>
      %gather3A_1598 = tpu.vector_load_idx %arg6[%add3A_1594, %and3A_1597] : memref<64x128xf32, #tpu.memory_space<vmem>>[vector<16xi32>, vector<16xi32>], vector<16xf32>,
      %swap3A_1599 = arith.constant 2 : i32
      %swap3A_1600 = arith.index_cast %swap3A_1599 : i32 to index
      %swap3A_1601 = arith.constant 144 : index
      %swap3A_1602 = tpu.vector_load %arg8[%swap3A_1600, %swap3A_1601] {strides = array<i32>} : memref<6x304xf32, #tpu.memory_space<vmem>>, vector<16xf32>,
      tpu.vector_store %arg8[%swap3A_1600, %swap3A_1601], %gather3A_1598 {strides = array<i32>} : memref<6x304xf32, #tpu.memory_space<vmem>>, vector<16xf32>,
      %shift_right_arithmetic3A_1603 = arith.constant 7 : i32
      %shift_right_arithmetic3A_1604 = vector.broadcast %shift_right_arithmetic3A_1603 : i32 to vector<16xi32>
      %shift_right_arithmetic3A_1605 = arith.shrsi %get3A_1560, %shift_right_arithmetic3A_1604 : vector<16xi32>
      %add3A_1606 = arith.constant 24 : i32
      %add3A_1607 = vector.broadcast %add3A_1606 : i32 to vector<16xi32>
      %add3A_1608 = arith.addi %add3A_1607, %shift_right_arithmetic3A_1605 : vector<16xi32>
      %and3A_1609 = arith.constant 127 : i32
      %and3A_1610 = vector.broadcast %and3A_1609 : i32 to vector<16xi32>
      %and3A_1611 = arith.andi %get3A_1560, %and3A_1610 : vector<16xi32>
      %gather3A_1612 = tpu.vector_load_idx %arg6[%add3A_1608, %and3A_1611] : memref<64x128xf32, #tpu.memory_space<vmem>>[vector<16xi32>, vector<16xi32>], vector<16xf32>,
      %swap3A_1613 = arith.constant 3 : i32
      %swap3A_1614 = arith.index_cast %swap3A_1613 : i32 to index
      %swap3A_1615 = arith.constant 144 : index
      %swap3A_1616 = tpu.vector_load %arg8[%swap3A_1614, %swap3A_1615] {strides = array<i32>} : memref<6x304xf32, #tpu.memory_space<vmem>>, vector<16xf32>,
      tpu.vector_store %arg8[%swap3A_1614, %swap3A_1615], %gather3A_1612 {strides = array<i32>} : memref<6x304xf32, #tpu.memory_space<vmem>>, vector<16xf32>,
      %shift_right_arithmetic3A_1617 = arith.constant 7 : i32
      %shift_right_arithmetic3A_1618 = vector.broadcast %shift_right_arithmetic3A_1617 : i32 to vector<16xi32>
      %shift_right_arithmetic3A_1619 = arith.shrsi %get3A_1560, %shift_right_arithmetic3A_1618 : vector<16xi32>
      %add3A_1620 = arith.constant 32 : i32
      %add3A_1621 = vector.broadcast %add3A_1620 : i32 to vector<16xi32>
      %add3A_1622 = arith.addi %add3A_1621, %shift_right_arithmetic3A_1619 : vector<16xi32>
      %and3A_1623 = arith.constant 127 : i32
      %and3A_1624 = vector.broadcast %and3A_1623 : i32 to vector<16xi32>
      %and3A_1625 = arith.andi %get3A_1560, %and3A_1624 : vector<16xi32>
      %gather3A_1626 = tpu.vector_load_idx %arg6[%add3A_1622, %and3A_1625] : memref<64x128xf32, #tpu.memory_space<vmem>>[vector<16xi32>, vector<16xi32>], vector<16xf32>,
      %swap3A_1627 = arith.constant 4 : i32
      %swap3A_1628 = arith.index_cast %swap3A_1627 : i32 to index
      %swap3A_1629 = arith.constant 144 : index
      %swap3A_1630 = tpu.vector_load %arg8[%swap3A_1628, %swap3A_1629] {strides = array<i32>} : memref<6x304xf32, #tpu.memory_space<vmem>>, vector<16xf32>,
      tpu.vector_store %arg8[%swap3A_1628, %swap3A_1629], %gather3A_1626 {strides = array<i32>} : memref<6x304xf32, #tpu.memory_space<vmem>>, vector<16xf32>,
      %shift_right_arithmetic3A_1631 = arith.constant 7 : i32
      %shift_right_arithmetic3A_1632 = vector.broadcast %shift_right_arithmetic3A_1631 : i32 to vector<16xi32>
      %shift_right_arithmetic3A_1633 = arith.shrsi %get3A_1560, %shift_right_arithmetic3A_1632 : vector<16xi32>
      %add3A_1634 = arith.constant 40 : i32
      %add3A_1635 = vector.broadcast %add3A_1634 : i32 to vector<16xi32>
      %add3A_1636 = arith.addi %add3A_1635, %shift_right_arithmetic3A_1633 : vector<16xi32>
      %and3A_1637 = arith.constant 127 : i32
      %and3A_1638 = vector.broadcast %and3A_1637 : i32 to vector<16xi32>
      %and3A_1639 = arith.andi %get3A_1560, %and3A_1638 : vector<16xi32>
      %gather3A_1640 = tpu.vector_load_idx %arg6[%add3A_1636, %and3A_1639] : memref<64x128xf32, #tpu.memory_space<vmem>>[vector<16xi32>, vector<16xi32>], vector<16xf32>,
      %swap3A_1641 = arith.constant 5 : i32
      %swap3A_1642 = arith.index_cast %swap3A_1641 : i32 to index
      %swap3A_1643 = arith.constant 144 : index
      %swap3A_1644 = tpu.vector_load %arg8[%swap3A_1642, %swap3A_1643] {strides = array<i32>} : memref<6x304xf32, #tpu.memory_space<vmem>>, vector<16xf32>,
      tpu.vector_store %arg8[%swap3A_1642, %swap3A_1643], %gather3A_1640 {strides = array<i32>} : memref<6x304xf32, #tpu.memory_space<vmem>>, vector<16xf32>,
      %get3A_1645 = arith.constant 1 : i32
      %get3A_1646 = arith.index_cast %get3A_1645 : i32 to index
      %get3A_1647 = arith.constant 32 : index
      %get3A_1648 = tpu.vector_load %arg7[%get3A_1646, %get3A_1647] {strides = array<i32>} : memref<8x128xi32, #tpu.memory_space<vmem>>, vector<16xi32>,
      %shift_right_arithmetic3A_1649 = arith.constant 7 : i32
      %shift_right_arithmetic3A_1650 = vector.broadcast %shift_right_arithmetic3A_1649 : i32 to vector<16xi32>
      %shift_right_arithmetic3A_1651 = arith.shrsi %get3A_1648, %shift_right_arithmetic3A_1650 : vector<16xi32>
      %add3A_1652 = arith.constant 0 : i32
      %add3A_1653 = vector.broadcast %add3A_1652 : i32 to vector<16xi32>
      %add3A_1654 = arith.addi %add3A_1653, %shift_right_arithmetic3A_1651 : vector<16xi32>
      %and3A_1655 = arith.constant 127 : i32
      %and3A_1656 = vector.broadcast %and3A_1655 : i32 to vector<16xi32>
      %and3A_1657 = arith.andi %get3A_1648, %and3A_1656 : vector<16xi32>
      %gather3A_1658 = tpu.vector_load_idx %arg6[%add3A_1654, %and3A_1657] : memref<64x128xf32, #tpu.memory_space<vmem>>[vector<16xi32>, vector<16xi32>], vector<16xf32>,
      %swap3A_1659 = arith.constant 0 : i32
      %swap3A_1660 = arith.index_cast %swap3A_1659 : i32 to index
      %swap3A_1661 = arith.constant 160 : index
      %swap3A_1662 = tpu.vector_load %arg8[%swap3A_1660, %swap3A_1661] {strides = array<i32>} : memref<6x304xf32, #tpu.memory_space<vmem>>, vector<16xf32>,
      tpu.vector_store %arg8[%swap3A_1660, %swap3A_1661], %gather3A_1658 {strides = array<i32>} : memref<6x304xf32, #tpu.memory_space<vmem>>, vector<16xf32>,
      %shift_right_arithmetic3A_1663 = arith.constant 7 : i32
      %shift_right_arithmetic3A_1664 = vector.broadcast %shift_right_arithmetic3A_1663 : i32 to vector<16xi32>
      %shift_right_arithmetic3A_1665 = arith.shrsi %get3A_1648, %shift_right_arithmetic3A_1664 : vector<16xi32>
      %add3A_1666 = arith.constant 8 : i32
      %add3A_1667 = vector.broadcast %add3A_1666 : i32 to vector<16xi32>
      %add3A_1668 = arith.addi %add3A_1667, %shift_right_arithmetic3A_1665 : vector<16xi32>
      %and3A_1669 = arith.constant 127 : i32
      %and3A_1670 = vector.broadcast %and3A_1669 : i32 to vector<16xi32>
      %and3A_1671 = arith.andi %get3A_1648, %and3A_1670 : vector<16xi32>
      %gather3A_1672 = tpu.vector_load_idx %arg6[%add3A_1668, %and3A_1671] : memref<64x128xf32, #tpu.memory_space<vmem>>[vector<16xi32>, vector<16xi32>], vector<16xf32>,
      %swap3A_1673 = arith.constant 1 : i32
      %swap3A_1674 = arith.index_cast %swap3A_1673 : i32 to index
      %swap3A_1675 = arith.constant 160 : index
      %swap3A_1676 = tpu.vector_load %arg8[%swap3A_1674, %swap3A_1675] {strides = array<i32>} : memref<6x304xf32, #tpu.memory_space<vmem>>, vector<16xf32>,
      tpu.vector_store %arg8[%swap3A_1674, %swap3A_1675], %gather3A_1672 {strides = array<i32>} : memref<6x304xf32, #tpu.memory_space<vmem>>, vector<16xf32>,
      %shift_right_arithmetic3A_1677 = arith.constant 7 : i32
      %shift_right_arithmetic3A_1678 = vector.broadcast %shift_right_arithmetic3A_1677 : i32 to vector<16xi32>
      %shift_right_arithmetic3A_1679 = arith.shrsi %get3A_1648, %shift_right_arithmetic3A_1678 : vector<16xi32>
      %add3A_1680 = arith.constant 16 : i32
      %add3A_1681 = vector.broadcast %add3A_1680 : i32 to vector<16xi32>
      %add3A_1682 = arith.addi %add3A_1681, %shift_right_arithmetic3A_1679 : vector<16xi32>
      %and3A_1683 = arith.constant 127 : i32
      %and3A_1684 = vector.broadcast %and3A_1683 : i32 to vector<16xi32>
      %and3A_1685 = arith.andi %get3A_1648, %and3A_1684 : vector<16xi32>
      %gather3A_1686 = tpu.vector_load_idx %arg6[%add3A_1682, %and3A_1685] : memref<64x128xf32, #tpu.memory_space<vmem>>[vector<16xi32>, vector<16xi32>], vector<16xf32>,
      %swap3A_1687 = arith.constant 2 : i32
      %swap3A_1688 = arith.index_cast %swap3A_1687 : i32 to index
      %swap3A_1689 = arith.constant 160 : index
      %swap3A_1690 = tpu.vector_load %arg8[%swap3A_1688, %swap3A_1689] {strides = array<i32>} : memref<6x304xf32, #tpu.memory_space<vmem>>, vector<16xf32>,
      tpu.vector_store %arg8[%swap3A_1688, %swap3A_1689], %gather3A_1686 {strides = array<i32>} : memref<6x304xf32, #tpu.memory_space<vmem>>, vector<16xf32>,
      %shift_right_arithmetic3A_1691 = arith.constant 7 : i32
      %shift_right_arithmetic3A_1692 = vector.broadcast %shift_right_arithmetic3A_1691 : i32 to vector<16xi32>
      %shift_right_arithmetic3A_1693 = arith.shrsi %get3A_1648, %shift_right_arithmetic3A_1692 : vector<16xi32>
      %add3A_1694 = arith.constant 24 : i32
      %add3A_1695 = vector.broadcast %add3A_1694 : i32 to vector<16xi32>
      %add3A_1696 = arith.addi %add3A_1695, %shift_right_arithmetic3A_1693 : vector<16xi32>
      %and3A_1697 = arith.constant 127 : i32
      %and3A_1698 = vector.broadcast %and3A_1697 : i32 to vector<16xi32>
      %and3A_1699 = arith.andi %get3A_1648, %and3A_1698 : vector<16xi32>
      %gather3A_1700 = tpu.vector_load_idx %arg6[%add3A_1696, %and3A_1699] : memref<64x128xf32, #tpu.memory_space<vmem>>[vector<16xi32>, vector<16xi32>], vector<16xf32>,
      %swap3A_1701 = arith.constant 3 : i32
      %swap3A_1702 = arith.index_cast %swap3A_1701 : i32 to index
      %swap3A_1703 = arith.constant 160 : index
      %swap3A_1704 = tpu.vector_load %arg8[%swap3A_1702, %swap3A_1703] {strides = array<i32>} : memref<6x304xf32, #tpu.memory_space<vmem>>, vector<16xf32>,
      tpu.vector_store %arg8[%swap3A_1702, %swap3A_1703], %gather3A_1700 {strides = array<i32>} : memref<6x304xf32, #tpu.memory_space<vmem>>, vector<16xf32>,
      %shift_right_arithmetic3A_1705 = arith.constant 7 : i32
      %shift_right_arithmetic3A_1706 = vector.broadcast %shift_right_arithmetic3A_1705 : i32 to vector<16xi32>
      %shift_right_arithmetic3A_1707 = arith.shrsi %get3A_1648, %shift_right_arithmetic3A_1706 : vector<16xi32>
      %add3A_1708 = arith.constant 32 : i32
      %add3A_1709 = vector.broadcast %add3A_1708 : i32 to vector<16xi32>
      %add3A_1710 = arith.addi %add3A_1709, %shift_right_arithmetic3A_1707 : vector<16xi32>
      %and3A_1711 = arith.constant 127 : i32
      %and3A_1712 = vector.broadcast %and3A_1711 : i32 to vector<16xi32>
      %and3A_1713 = arith.andi %get3A_1648, %and3A_1712 : vector<16xi32>
      %gather3A_1714 = tpu.vector_load_idx %arg6[%add3A_1710, %and3A_1713] : memref<64x128xf32, #tpu.memory_space<vmem>>[vector<16xi32>, vector<16xi32>], vector<16xf32>,
      %swap3A_1715 = arith.constant 4 : i32
      %swap3A_1716 = arith.index_cast %swap3A_1715 : i32 to index
      %swap3A_1717 = arith.constant 160 : index
      %swap3A_1718 = tpu.vector_load %arg8[%swap3A_1716, %swap3A_1717] {strides = array<i32>} : memref<6x304xf32, #tpu.memory_space<vmem>>, vector<16xf32>,
      tpu.vector_store %arg8[%swap3A_1716, %swap3A_1717], %gather3A_1714 {strides = array<i32>} : memref<6x304xf32, #tpu.memory_space<vmem>>, vector<16xf32>,
      %shift_right_arithmetic3A_1719 = arith.constant 7 : i32
      %shift_right_arithmetic3A_1720 = vector.broadcast %shift_right_arithmetic3A_1719 : i32 to vector<16xi32>
      %shift_right_arithmetic3A_1721 = arith.shrsi %get3A_1648, %shift_right_arithmetic3A_1720 : vector<16xi32>
      %add3A_1722 = arith.constant 40 : i32
      %add3A_1723 = vector.broadcast %add3A_1722 : i32 to vector<16xi32>
      %add3A_1724 = arith.addi %add3A_1723, %shift_right_arithmetic3A_1721 : vector<16xi32>
      %and3A_1725 = arith.constant 127 : i32
      %and3A_1726 = vector.broadcast %and3A_1725 : i32 to vector<16xi32>
      %and3A_1727 = arith.andi %get3A_1648, %and3A_1726 : vector<16xi32>
      %gather3A_1728 = tpu.vector_load_idx %arg6[%add3A_1724, %and3A_1727] : memref<64x128xf32, #tpu.memory_space<vmem>>[vector<16xi32>, vector<16xi32>], vector<16xf32>,
      %swap3A_1729 = arith.constant 5 : i32
      %swap3A_1730 = arith.index_cast %swap3A_1729 : i32 to index
      %swap3A_1731 = arith.constant 160 : index
      %swap3A_1732 = tpu.vector_load %arg8[%swap3A_1730, %swap3A_1731] {strides = array<i32>} : memref<6x304xf32, #tpu.memory_space<vmem>>, vector<16xf32>,
      tpu.vector_store %arg8[%swap3A_1730, %swap3A_1731], %gather3A_1728 {strides = array<i32>} : memref<6x304xf32, #tpu.memory_space<vmem>>, vector<16xf32>,
      %get3A_1733 = arith.constant 1 : i32
      %get3A_1734 = arith.index_cast %get3A_1733 : i32 to index
      %get3A_1735 = arith.constant 48 : index
      %get3A_1736 = tpu.vector_load %arg7[%get3A_1734, %get3A_1735] {strides = array<i32>} : memref<8x128xi32, #tpu.memory_space<vmem>>, vector<16xi32>,
      %shift_right_arithmetic3A_1737 = arith.constant 7 : i32
      %shift_right_arithmetic3A_1738 = vector.broadcast %shift_right_arithmetic3A_1737 : i32 to vector<16xi32>
      %shift_right_arithmetic3A_1739 = arith.shrsi %get3A_1736, %shift_right_arithmetic3A_1738 : vector<16xi32>
      %add3A_1740 = arith.constant 0 : i32
      %add3A_1741 = vector.broadcast %add3A_1740 : i32 to vector<16xi32>
      %add3A_1742 = arith.addi %add3A_1741, %shift_right_arithmetic3A_1739 : vector<16xi32>
      %and3A_1743 = arith.constant 127 : i32
      %and3A_1744 = vector.broadcast %and3A_1743 : i32 to vector<16xi32>
      %and3A_1745 = arith.andi %get3A_1736, %and3A_1744 : vector<16xi32>
      %gather3A_1746 = tpu.vector_load_idx %arg6[%add3A_1742, %and3A_1745] : memref<64x128xf32, #tpu.memory_space<vmem>>[vector<16xi32>, vector<16xi32>], vector<16xf32>,
      %swap3A_1747 = arith.constant 0 : i32
      %swap3A_1748 = arith.index_cast %swap3A_1747 : i32 to index
      %swap3A_1749 = arith.constant 176 : index
      %swap3A_1750 = tpu.vector_load %arg8[%swap3A_1748, %swap3A_1749] {strides = array<i32>} : memref<6x304xf32, #tpu.memory_space<vmem>>, vector<16xf32>,
      tpu.vector_store %arg8[%swap3A_1748, %swap3A_1749], %gather3A_1746 {strides = array<i32>} : memref<6x304xf32, #tpu.memory_space<vmem>>, vector<16xf32>,
      %shift_right_arithmetic3A_1751 = arith.constant 7 : i32
      %shift_right_arithmetic3A_1752 = vector.broadcast %shift_right_arithmetic3A_1751 : i32 to vector<16xi32>
      %shift_right_arithmetic3A_1753 = arith.shrsi %get3A_1736, %shift_right_arithmetic3A_1752 : vector<16xi32>
      %add3A_1754 = arith.constant 8 : i32
      %add3A_1755 = vector.broadcast %add3A_1754 : i32 to vector<16xi32>
      %add3A_1756 = arith.addi %add3A_1755, %shift_right_arithmetic3A_1753 : vector<16xi32>
      %and3A_1757 = arith.constant 127 : i32
      %and3A_1758 = vector.broadcast %and3A_1757 : i32 to vector<16xi32>
      %and3A_1759 = arith.andi %get3A_1736, %and3A_1758 : vector<16xi32>
      %gather3A_1760 = tpu.vector_load_idx %arg6[%add3A_1756, %and3A_1759] : memref<64x128xf32, #tpu.memory_space<vmem>>[vector<16xi32>, vector<16xi32>], vector<16xf32>,
      %swap3A_1761 = arith.constant 1 : i32
      %swap3A_1762 = arith.index_cast %swap3A_1761 : i32 to index
      %swap3A_1763 = arith.constant 176 : index
      %swap3A_1764 = tpu.vector_load %arg8[%swap3A_1762, %swap3A_1763] {strides = array<i32>} : memref<6x304xf32, #tpu.memory_space<vmem>>, vector<16xf32>,
      tpu.vector_store %arg8[%swap3A_1762, %swap3A_1763], %gather3A_1760 {strides = array<i32>} : memref<6x304xf32, #tpu.memory_space<vmem>>, vector<16xf32>,
      %shift_right_arithmetic3A_1765 = arith.constant 7 : i32
      %shift_right_arithmetic3A_1766 = vector.broadcast %shift_right_arithmetic3A_1765 : i32 to vector<16xi32>
      %shift_right_arithmetic3A_1767 = arith.shrsi %get3A_1736, %shift_right_arithmetic3A_1766 : vector<16xi32>
      %add3A_1768 = arith.constant 16 : i32
      %add3A_1769 = vector.broadcast %add3A_1768 : i32 to vector<16xi32>
      %add3A_1770 = arith.addi %add3A_1769, %shift_right_arithmetic3A_1767 : vector<16xi32>
      %and3A_1771 = arith.constant 127 : i32
      %and3A_1772 = vector.broadcast %and3A_1771 : i32 to vector<16xi32>
      %and3A_1773 = arith.andi %get3A_1736, %and3A_1772 : vector<16xi32>
      %gather3A_1774 = tpu.vector_load_idx %arg6[%add3A_1770, %and3A_1773] : memref<64x128xf32, #tpu.memory_space<vmem>>[vector<16xi32>, vector<16xi32>], vector<16xf32>,
      %swap3A_1775 = arith.constant 2 : i32
      %swap3A_1776 = arith.index_cast %swap3A_1775 : i32 to index
      %swap3A_1777 = arith.constant 176 : index
      %swap3A_1778 = tpu.vector_load %arg8[%swap3A_1776, %swap3A_1777] {strides = array<i32>} : memref<6x304xf32, #tpu.memory_space<vmem>>, vector<16xf32>,
      tpu.vector_store %arg8[%swap3A_1776, %swap3A_1777], %gather3A_1774 {strides = array<i32>} : memref<6x304xf32, #tpu.memory_space<vmem>>, vector<16xf32>,
      %shift_right_arithmetic3A_1779 = arith.constant 7 : i32
      %shift_right_arithmetic3A_1780 = vector.broadcast %shift_right_arithmetic3A_1779 : i32 to vector<16xi32>
      %shift_right_arithmetic3A_1781 = arith.shrsi %get3A_1736, %shift_right_arithmetic3A_1780 : vector<16xi32>
      %add3A_1782 = arith.constant 24 : i32
      %add3A_1783 = vector.broadcast %add3A_1782 : i32 to vector<16xi32>
      %add3A_1784 = arith.addi %add3A_1783, %shift_right_arithmetic3A_1781 : vector<16xi32>
      %and3A_1785 = arith.constant 127 : i32
      %and3A_1786 = vector.broadcast %and3A_1785 : i32 to vector<16xi32>
      %and3A_1787 = arith.andi %get3A_1736, %and3A_1786 : vector<16xi32>
      %gather3A_1788 = tpu.vector_load_idx %arg6[%add3A_1784, %and3A_1787] : memref<64x128xf32, #tpu.memory_space<vmem>>[vector<16xi32>, vector<16xi32>], vector<16xf32>,
      %swap3A_1789 = arith.constant 3 : i32
      %swap3A_1790 = arith.index_cast %swap3A_1789 : i32 to index
      %swap3A_1791 = arith.constant 176 : index
      %swap3A_1792 = tpu.vector_load %arg8[%swap3A_1790, %swap3A_1791] {strides = array<i32>} : memref<6x304xf32, #tpu.memory_space<vmem>>, vector<16xf32>,
      tpu.vector_store %arg8[%swap3A_1790, %swap3A_1791], %gather3A_1788 {strides = array<i32>} : memref<6x304xf32, #tpu.memory_space<vmem>>, vector<16xf32>,
      %shift_right_arithmetic3A_1793 = arith.constant 7 : i32
      %shift_right_arithmetic3A_1794 = vector.broadcast %shift_right_arithmetic3A_1793 : i32 to vector<16xi32>
      %shift_right_arithmetic3A_1795 = arith.shrsi %get3A_1736, %shift_right_arithmetic3A_1794 : vector<16xi32>
      %add3A_1796 = arith.constant 32 : i32
      %add3A_1797 = vector.broadcast %add3A_1796 : i32 to vector<16xi32>
      %add3A_1798 = arith.addi %add3A_1797, %shift_right_arithmetic3A_1795 : vector<16xi32>
      %and3A_1799 = arith.constant 127 : i32
      %and3A_1800 = vector.broadcast %and3A_1799 : i32 to vector<16xi32>
      %and3A_1801 = arith.andi %get3A_1736, %and3A_1800 : vector<16xi32>
      %gather3A_1802 = tpu.vector_load_idx %arg6[%add3A_1798, %and3A_1801] : memref<64x128xf32, #tpu.memory_space<vmem>>[vector<16xi32>, vector<16xi32>], vector<16xf32>,
      %swap3A_1803 = arith.constant 4 : i32
      %swap3A_1804 = arith.index_cast %swap3A_1803 : i32 to index
      %swap3A_1805 = arith.constant 176 : index
      %swap3A_1806 = tpu.vector_load %arg8[%swap3A_1804, %swap3A_1805] {strides = array<i32>} : memref<6x304xf32, #tpu.memory_space<vmem>>, vector<16xf32>,
      tpu.vector_store %arg8[%swap3A_1804, %swap3A_1805], %gather3A_1802 {strides = array<i32>} : memref<6x304xf32, #tpu.memory_space<vmem>>, vector<16xf32>,
      %shift_right_arithmetic3A_1807 = arith.constant 7 : i32
      %shift_right_arithmetic3A_1808 = vector.broadcast %shift_right_arithmetic3A_1807 : i32 to vector<16xi32>
      %shift_right_arithmetic3A_1809 = arith.shrsi %get3A_1736, %shift_right_arithmetic3A_1808 : vector<16xi32>
      %add3A_1810 = arith.constant 40 : i32
      %add3A_1811 = vector.broadcast %add3A_1810 : i32 to vector<16xi32>
      %add3A_1812 = arith.addi %add3A_1811, %shift_right_arithmetic3A_1809 : vector<16xi32>
      %and3A_1813 = arith.constant 127 : i32
      %and3A_1814 = vector.broadcast %and3A_1813 : i32 to vector<16xi32>
      %and3A_1815 = arith.andi %get3A_1736, %and3A_1814 : vector<16xi32>
      %gather3A_1816 = tpu.vector_load_idx %arg6[%add3A_1812, %and3A_1815] : memref<64x128xf32, #tpu.memory_space<vmem>>[vector<16xi32>, vector<16xi32>], vector<16xf32>,
      %swap3A_1817 = arith.constant 5 : i32
      %swap3A_1818 = arith.index_cast %swap3A_1817 : i32 to index
      %swap3A_1819 = arith.constant 176 : index
      %swap3A_1820 = tpu.vector_load %arg8[%swap3A_1818, %swap3A_1819] {strides = array<i32>} : memref<6x304xf32, #tpu.memory_space<vmem>>, vector<16xf32>,
      tpu.vector_store %arg8[%swap3A_1818, %swap3A_1819], %gather3A_1816 {strides = array<i32>} : memref<6x304xf32, #tpu.memory_space<vmem>>, vector<16xf32>,
      %get3A_1821 = arith.constant 1 : i32
      %get3A_1822 = arith.index_cast %get3A_1821 : i32 to index
      %get3A_1823 = arith.constant 64 : index
      %get3A_1824 = tpu.vector_load %arg7[%get3A_1822, %get3A_1823] {strides = array<i32>} : memref<8x128xi32, #tpu.memory_space<vmem>>, vector<16xi32>,
      %shift_right_arithmetic3A_1825 = arith.constant 7 : i32
      %shift_right_arithmetic3A_1826 = vector.broadcast %shift_right_arithmetic3A_1825 : i32 to vector<16xi32>
      %shift_right_arithmetic3A_1827 = arith.shrsi %get3A_1824, %shift_right_arithmetic3A_1826 : vector<16xi32>
      %add3A_1828 = arith.constant 0 : i32
      %add3A_1829 = vector.broadcast %add3A_1828 : i32 to vector<16xi32>
      %add3A_1830 = arith.addi %add3A_1829, %shift_right_arithmetic3A_1827 : vector<16xi32>
      %and3A_1831 = arith.constant 127 : i32
      %and3A_1832 = vector.broadcast %and3A_1831 : i32 to vector<16xi32>
      %and3A_1833 = arith.andi %get3A_1824, %and3A_1832 : vector<16xi32>
      %gather3A_1834 = tpu.vector_load_idx %arg6[%add3A_1830, %and3A_1833] : memref<64x128xf32, #tpu.memory_space<vmem>>[vector<16xi32>, vector<16xi32>], vector<16xf32>,
      %swap3A_1835 = arith.constant 0 : i32
      %swap3A_1836 = arith.index_cast %swap3A_1835 : i32 to index
      %swap3A_1837 = arith.constant 192 : index
      %swap3A_1838 = tpu.vector_load %arg8[%swap3A_1836, %swap3A_1837] {strides = array<i32>} : memref<6x304xf32, #tpu.memory_space<vmem>>, vector<16xf32>,
      tpu.vector_store %arg8[%swap3A_1836, %swap3A_1837], %gather3A_1834 {strides = array<i32>} : memref<6x304xf32, #tpu.memory_space<vmem>>, vector<16xf32>,
      %shift_right_arithmetic3A_1839 = arith.constant 7 : i32
      %shift_right_arithmetic3A_1840 = vector.broadcast %shift_right_arithmetic3A_1839 : i32 to vector<16xi32>
      %shift_right_arithmetic3A_1841 = arith.shrsi %get3A_1824, %shift_right_arithmetic3A_1840 : vector<16xi32>
      %add3A_1842 = arith.constant 8 : i32
      %add3A_1843 = vector.broadcast %add3A_1842 : i32 to vector<16xi32>
      %add3A_1844 = arith.addi %add3A_1843, %shift_right_arithmetic3A_1841 : vector<16xi32>
      %and3A_1845 = arith.constant 127 : i32
      %and3A_1846 = vector.broadcast %and3A_1845 : i32 to vector<16xi32>
      %and3A_1847 = arith.andi %get3A_1824, %and3A_1846 : vector<16xi32>
      %gather3A_1848 = tpu.vector_load_idx %arg6[%add3A_1844, %and3A_1847] : memref<64x128xf32, #tpu.memory_space<vmem>>[vector<16xi32>, vector<16xi32>], vector<16xf32>,
      %swap3A_1849 = arith.constant 1 : i32
      %swap3A_1850 = arith.index_cast %swap3A_1849 : i32 to index
      %swap3A_1851 = arith.constant 192 : index
      %swap3A_1852 = tpu.vector_load %arg8[%swap3A_1850, %swap3A_1851] {strides = array<i32>} : memref<6x304xf32, #tpu.memory_space<vmem>>, vector<16xf32>,
      tpu.vector_store %arg8[%swap3A_1850, %swap3A_1851], %gather3A_1848 {strides = array<i32>} : memref<6x304xf32, #tpu.memory_space<vmem>>, vector<16xf32>,
      %shift_right_arithmetic3A_1853 = arith.constant 7 : i32
      %shift_right_arithmetic3A_1854 = vector.broadcast %shift_right_arithmetic3A_1853 : i32 to vector<16xi32>
      %shift_right_arithmetic3A_1855 = arith.shrsi %get3A_1824, %shift_right_arithmetic3A_1854 : vector<16xi32>
      %add3A_1856 = arith.constant 16 : i32
      %add3A_1857 = vector.broadcast %add3A_1856 : i32 to vector<16xi32>
      %add3A_1858 = arith.addi %add3A_1857, %shift_right_arithmetic3A_1855 : vector<16xi32>
      %and3A_1859 = arith.constant 127 : i32
      %and3A_1860 = vector.broadcast %and3A_1859 : i32 to vector<16xi32>
      %and3A_1861 = arith.andi %get3A_1824, %and3A_1860 : vector<16xi32>
      %gather3A_1862 = tpu.vector_load_idx %arg6[%add3A_1858, %and3A_1861] : memref<64x128xf32, #tpu.memory_space<vmem>>[vector<16xi32>, vector<16xi32>], vector<16xf32>,
      %swap3A_1863 = arith.constant 2 : i32
      %swap3A_1864 = arith.index_cast %swap3A_1863 : i32 to index
      %swap3A_1865 = arith.constant 192 : index
      %swap3A_1866 = tpu.vector_load %arg8[%swap3A_1864, %swap3A_1865] {strides = array<i32>} : memref<6x304xf32, #tpu.memory_space<vmem>>, vector<16xf32>,
      tpu.vector_store %arg8[%swap3A_1864, %swap3A_1865], %gather3A_1862 {strides = array<i32>} : memref<6x304xf32, #tpu.memory_space<vmem>>, vector<16xf32>,
      %shift_right_arithmetic3A_1867 = arith.constant 7 : i32
      %shift_right_arithmetic3A_1868 = vector.broadcast %shift_right_arithmetic3A_1867 : i32 to vector<16xi32>
      %shift_right_arithmetic3A_1869 = arith.shrsi %get3A_1824, %shift_right_arithmetic3A_1868 : vector<16xi32>
      %add3A_1870 = arith.constant 24 : i32
      %add3A_1871 = vector.broadcast %add3A_1870 : i32 to vector<16xi32>
      %add3A_1872 = arith.addi %add3A_1871, %shift_right_arithmetic3A_1869 : vector<16xi32>
      %and3A_1873 = arith.constant 127 : i32
      %and3A_1874 = vector.broadcast %and3A_1873 : i32 to vector<16xi32>
      %and3A_1875 = arith.andi %get3A_1824, %and3A_1874 : vector<16xi32>
      %gather3A_1876 = tpu.vector_load_idx %arg6[%add3A_1872, %and3A_1875] : memref<64x128xf32, #tpu.memory_space<vmem>>[vector<16xi32>, vector<16xi32>], vector<16xf32>,
      %swap3A_1877 = arith.constant 3 : i32
      %swap3A_1878 = arith.index_cast %swap3A_1877 : i32 to index
      %swap3A_1879 = arith.constant 192 : index
      %swap3A_1880 = tpu.vector_load %arg8[%swap3A_1878, %swap3A_1879] {strides = array<i32>} : memref<6x304xf32, #tpu.memory_space<vmem>>, vector<16xf32>,
      tpu.vector_store %arg8[%swap3A_1878, %swap3A_1879], %gather3A_1876 {strides = array<i32>} : memref<6x304xf32, #tpu.memory_space<vmem>>, vector<16xf32>,
      %shift_right_arithmetic3A_1881 = arith.constant 7 : i32
      %shift_right_arithmetic3A_1882 = vector.broadcast %shift_right_arithmetic3A_1881 : i32 to vector<16xi32>
      %shift_right_arithmetic3A_1883 = arith.shrsi %get3A_1824, %shift_right_arithmetic3A_1882 : vector<16xi32>
      %add3A_1884 = arith.constant 32 : i32
      %add3A_1885 = vector.broadcast %add3A_1884 : i32 to vector<16xi32>
      %add3A_1886 = arith.addi %add3A_1885, %shift_right_arithmetic3A_1883 : vector<16xi32>
      %and3A_1887 = arith.constant 127 : i32
      %and3A_1888 = vector.broadcast %and3A_1887 : i32 to vector<16xi32>
      %and3A_1889 = arith.andi %get3A_1824, %and3A_1888 : vector<16xi32>
      %gather3A_1890 = tpu.vector_load_idx %arg6[%add3A_1886, %and3A_1889] : memref<64x128xf32, #tpu.memory_space<vmem>>[vector<16xi32>, vector<16xi32>], vector<16xf32>,
      %swap3A_1891 = arith.constant 4 : i32
      %swap3A_1892 = arith.index_cast %swap3A_1891 : i32 to index
      %swap3A_1893 = arith.constant 192 : index
      %swap3A_1894 = tpu.vector_load %arg8[%swap3A_1892, %swap3A_1893] {strides = array<i32>} : memref<6x304xf32, #tpu.memory_space<vmem>>, vector<16xf32>,
      tpu.vector_store %arg8[%swap3A_1892, %swap3A_1893], %gather3A_1890 {strides = array<i32>} : memref<6x304xf32, #tpu.memory_space<vmem>>, vector<16xf32>,
      %shift_right_arithmetic3A_1895 = arith.constant 7 : i32
      %shift_right_arithmetic3A_1896 = vector.broadcast %shift_right_arithmetic3A_1895 : i32 to vector<16xi32>
      %shift_right_arithmetic3A_1897 = arith.shrsi %get3A_1824, %shift_right_arithmetic3A_1896 : vector<16xi32>
      %add3A_1898 = arith.constant 40 : i32
      %add3A_1899 = vector.broadcast %add3A_1898 : i32 to vector<16xi32>
      %add3A_1900 = arith.addi %add3A_1899, %shift_right_arithmetic3A_1897 : vector<16xi32>
      %and3A_1901 = arith.constant 127 : i32
      %and3A_1902 = vector.broadcast %and3A_1901 : i32 to vector<16xi32>
      %and3A_1903 = arith.andi %get3A_1824, %and3A_1902 : vector<16xi32>
      %gather3A_1904 = tpu.vector_load_idx %arg6[%add3A_1900, %and3A_1903] : memref<64x128xf32, #tpu.memory_space<vmem>>[vector<16xi32>, vector<16xi32>], vector<16xf32>,
      %swap3A_1905 = arith.constant 5 : i32
      %swap3A_1906 = arith.index_cast %swap3A_1905 : i32 to index
      %swap3A_1907 = arith.constant 192 : index
      %swap3A_1908 = tpu.vector_load %arg8[%swap3A_1906, %swap3A_1907] {strides = array<i32>} : memref<6x304xf32, #tpu.memory_space<vmem>>, vector<16xf32>,
      tpu.vector_store %arg8[%swap3A_1906, %swap3A_1907], %gather3A_1904 {strides = array<i32>} : memref<6x304xf32, #tpu.memory_space<vmem>>, vector<16xf32>,
      %get3A_1909 = arith.constant 1 : i32
      %get3A_1910 = arith.index_cast %get3A_1909 : i32 to index
      %get3A_1911 = arith.constant 80 : index
      %get3A_1912 = tpu.vector_load %arg7[%get3A_1910, %get3A_1911] {strides = array<i32>} : memref<8x128xi32, #tpu.memory_space<vmem>>, vector<16xi32>,
      %shift_right_arithmetic3A_1913 = arith.constant 7 : i32
      %shift_right_arithmetic3A_1914 = vector.broadcast %shift_right_arithmetic3A_1913 : i32 to vector<16xi32>
      %shift_right_arithmetic3A_1915 = arith.shrsi %get3A_1912, %shift_right_arithmetic3A_1914 : vector<16xi32>
      %add3A_1916 = arith.constant 0 : i32
      %add3A_1917 = vector.broadcast %add3A_1916 : i32 to vector<16xi32>
      %add3A_1918 = arith.addi %add3A_1917, %shift_right_arithmetic3A_1915 : vector<16xi32>
      %and3A_1919 = arith.constant 127 : i32
      %and3A_1920 = vector.broadcast %and3A_1919 : i32 to vector<16xi32>
      %and3A_1921 = arith.andi %get3A_1912, %and3A_1920 : vector<16xi32>
      %gather3A_1922 = tpu.vector_load_idx %arg6[%add3A_1918, %and3A_1921] : memref<64x128xf32, #tpu.memory_space<vmem>>[vector<16xi32>, vector<16xi32>], vector<16xf32>,
      %swap3A_1923 = arith.constant 0 : i32
      %swap3A_1924 = arith.index_cast %swap3A_1923 : i32 to index
      %swap3A_1925 = arith.constant 208 : index
      %swap3A_1926 = tpu.vector_load %arg8[%swap3A_1924, %swap3A_1925] {strides = array<i32>} : memref<6x304xf32, #tpu.memory_space<vmem>>, vector<16xf32>,
      tpu.vector_store %arg8[%swap3A_1924, %swap3A_1925], %gather3A_1922 {strides = array<i32>} : memref<6x304xf32, #tpu.memory_space<vmem>>, vector<16xf32>,
      %shift_right_arithmetic3A_1927 = arith.constant 7 : i32
      %shift_right_arithmetic3A_1928 = vector.broadcast %shift_right_arithmetic3A_1927 : i32 to vector<16xi32>
      %shift_right_arithmetic3A_1929 = arith.shrsi %get3A_1912, %shift_right_arithmetic3A_1928 : vector<16xi32>
      %add3A_1930 = arith.constant 8 : i32
      %add3A_1931 = vector.broadcast %add3A_1930 : i32 to vector<16xi32>
      %add3A_1932 = arith.addi %add3A_1931, %shift_right_arithmetic3A_1929 : vector<16xi32>
      %and3A_1933 = arith.constant 127 : i32
      %and3A_1934 = vector.broadcast %and3A_1933 : i32 to vector<16xi32>
      %and3A_1935 = arith.andi %get3A_1912, %and3A_1934 : vector<16xi32>
      %gather3A_1936 = tpu.vector_load_idx %arg6[%add3A_1932, %and3A_1935] : memref<64x128xf32, #tpu.memory_space<vmem>>[vector<16xi32>, vector<16xi32>], vector<16xf32>,
      %swap3A_1937 = arith.constant 1 : i32
      %swap3A_1938 = arith.index_cast %swap3A_1937 : i32 to index
      %swap3A_1939 = arith.constant 208 : index
      %swap3A_1940 = tpu.vector_load %arg8[%swap3A_1938, %swap3A_1939] {strides = array<i32>} : memref<6x304xf32, #tpu.memory_space<vmem>>, vector<16xf32>,
      tpu.vector_store %arg8[%swap3A_1938, %swap3A_1939], %gather3A_1936 {strides = array<i32>} : memref<6x304xf32, #tpu.memory_space<vmem>>, vector<16xf32>,
      %shift_right_arithmetic3A_1941 = arith.constant 7 : i32
      %shift_right_arithmetic3A_1942 = vector.broadcast %shift_right_arithmetic3A_1941 : i32 to vector<16xi32>
      %shift_right_arithmetic3A_1943 = arith.shrsi %get3A_1912, %shift_right_arithmetic3A_1942 : vector<16xi32>
      %add3A_1944 = arith.constant 16 : i32
      %add3A_1945 = vector.broadcast %add3A_1944 : i32 to vector<16xi32>
      %add3A_1946 = arith.addi %add3A_1945, %shift_right_arithmetic3A_1943 : vector<16xi32>
      %and3A_1947 = arith.constant 127 : i32
      %and3A_1948 = vector.broadcast %and3A_1947 : i32 to vector<16xi32>
      %and3A_1949 = arith.andi %get3A_1912, %and3A_1948 : vector<16xi32>
      %gather3A_1950 = tpu.vector_load_idx %arg6[%add3A_1946, %and3A_1949] : memref<64x128xf32, #tpu.memory_space<vmem>>[vector<16xi32>, vector<16xi32>], vector<16xf32>,
      %swap3A_1951 = arith.constant 2 : i32
      %swap3A_1952 = arith.index_cast %swap3A_1951 : i32 to index
      %swap3A_1953 = arith.constant 208 : index
      %swap3A_1954 = tpu.vector_load %arg8[%swap3A_1952, %swap3A_1953] {strides = array<i32>} : memref<6x304xf32, #tpu.memory_space<vmem>>, vector<16xf32>,
      tpu.vector_store %arg8[%swap3A_1952, %swap3A_1953], %gather3A_1950 {strides = array<i32>} : memref<6x304xf32, #tpu.memory_space<vmem>>, vector<16xf32>,
      %shift_right_arithmetic3A_1955 = arith.constant 7 : i32
      %shift_right_arithmetic3A_1956 = vector.broadcast %shift_right_arithmetic3A_1955 : i32 to vector<16xi32>
      %shift_right_arithmetic3A_1957 = arith.shrsi %get3A_1912, %shift_right_arithmetic3A_1956 : vector<16xi32>
      %add3A_1958 = arith.constant 24 : i32
      %add3A_1959 = vector.broadcast %add3A_1958 : i32 to vector<16xi32>
      %add3A_1960 = arith.addi %add3A_1959, %shift_right_arithmetic3A_1957 : vector<16xi32>
      %and3A_1961 = arith.constant 127 : i32
      %and3A_1962 = vector.broadcast %and3A_1961 : i32 to vector<16xi32>
      %and3A_1963 = arith.andi %get3A_1912, %and3A_1962 : vector<16xi32>
      %gather3A_1964 = tpu.vector_load_idx %arg6[%add3A_1960, %and3A_1963] : memref<64x128xf32, #tpu.memory_space<vmem>>[vector<16xi32>, vector<16xi32>], vector<16xf32>,
      %swap3A_1965 = arith.constant 3 : i32
      %swap3A_1966 = arith.index_cast %swap3A_1965 : i32 to index
      %swap3A_1967 = arith.constant 208 : index
      %swap3A_1968 = tpu.vector_load %arg8[%swap3A_1966, %swap3A_1967] {strides = array<i32>} : memref<6x304xf32, #tpu.memory_space<vmem>>, vector<16xf32>,
      tpu.vector_store %arg8[%swap3A_1966, %swap3A_1967], %gather3A_1964 {strides = array<i32>} : memref<6x304xf32, #tpu.memory_space<vmem>>, vector<16xf32>,
      %shift_right_arithmetic3A_1969 = arith.constant 7 : i32
      %shift_right_arithmetic3A_1970 = vector.broadcast %shift_right_arithmetic3A_1969 : i32 to vector<16xi32>
      %shift_right_arithmetic3A_1971 = arith.shrsi %get3A_1912, %shift_right_arithmetic3A_1970 : vector<16xi32>
      %add3A_1972 = arith.constant 32 : i32
      %add3A_1973 = vector.broadcast %add3A_1972 : i32 to vector<16xi32>
      %add3A_1974 = arith.addi %add3A_1973, %shift_right_arithmetic3A_1971 : vector<16xi32>
      %and3A_1975 = arith.constant 127 : i32
      %and3A_1976 = vector.broadcast %and3A_1975 : i32 to vector<16xi32>
      %and3A_1977 = arith.andi %get3A_1912, %and3A_1976 : vector<16xi32>
      %gather3A_1978 = tpu.vector_load_idx %arg6[%add3A_1974, %and3A_1977] : memref<64x128xf32, #tpu.memory_space<vmem>>[vector<16xi32>, vector<16xi32>], vector<16xf32>,
      %swap3A_1979 = arith.constant 4 : i32
      %swap3A_1980 = arith.index_cast %swap3A_1979 : i32 to index
      %swap3A_1981 = arith.constant 208 : index
      %swap3A_1982 = tpu.vector_load %arg8[%swap3A_1980, %swap3A_1981] {strides = array<i32>} : memref<6x304xf32, #tpu.memory_space<vmem>>, vector<16xf32>,
      tpu.vector_store %arg8[%swap3A_1980, %swap3A_1981], %gather3A_1978 {strides = array<i32>} : memref<6x304xf32, #tpu.memory_space<vmem>>, vector<16xf32>,
      %shift_right_arithmetic3A_1983 = arith.constant 7 : i32
      %shift_right_arithmetic3A_1984 = vector.broadcast %shift_right_arithmetic3A_1983 : i32 to vector<16xi32>
      %shift_right_arithmetic3A_1985 = arith.shrsi %get3A_1912, %shift_right_arithmetic3A_1984 : vector<16xi32>
      %add3A_1986 = arith.constant 40 : i32
      %add3A_1987 = vector.broadcast %add3A_1986 : i32 to vector<16xi32>
      %add3A_1988 = arith.addi %add3A_1987, %shift_right_arithmetic3A_1985 : vector<16xi32>
      %and3A_1989 = arith.constant 127 : i32
      %and3A_1990 = vector.broadcast %and3A_1989 : i32 to vector<16xi32>
      %and3A_1991 = arith.andi %get3A_1912, %and3A_1990 : vector<16xi32>
      %gather3A_1992 = tpu.vector_load_idx %arg6[%add3A_1988, %and3A_1991] : memref<64x128xf32, #tpu.memory_space<vmem>>[vector<16xi32>, vector<16xi32>], vector<16xf32>,
      %swap3A_1993 = arith.constant 5 : i32
      %swap3A_1994 = arith.index_cast %swap3A_1993 : i32 to index
      %swap3A_1995 = arith.constant 208 : index
      %swap3A_1996 = tpu.vector_load %arg8[%swap3A_1994, %swap3A_1995] {strides = array<i32>} : memref<6x304xf32, #tpu.memory_space<vmem>>, vector<16xf32>,
      tpu.vector_store %arg8[%swap3A_1994, %swap3A_1995], %gather3A_1992 {strides = array<i32>} : memref<6x304xf32, #tpu.memory_space<vmem>>, vector<16xf32>,
      %get3A_1997 = arith.constant 1 : i32
      %get3A_1998 = arith.index_cast %get3A_1997 : i32 to index
      %get3A_1999 = arith.constant 96 : index
      %get3A_2000 = tpu.vector_load %arg7[%get3A_1998, %get3A_1999] {strides = array<i32>} : memref<8x128xi32, #tpu.memory_space<vmem>>, vector<16xi32>,
      %shift_right_arithmetic3A_2001 = arith.constant 7 : i32
      %shift_right_arithmetic3A_2002 = vector.broadcast %shift_right_arithmetic3A_2001 : i32 to vector<16xi32>
      %shift_right_arithmetic3A_2003 = arith.shrsi %get3A_2000, %shift_right_arithmetic3A_2002 : vector<16xi32>
      %add3A_2004 = arith.constant 0 : i32
      %add3A_2005 = vector.broadcast %add3A_2004 : i32 to vector<16xi32>
      %add3A_2006 = arith.addi %add3A_2005, %shift_right_arithmetic3A_2003 : vector<16xi32>
      %and3A_2007 = arith.constant 127 : i32
      %and3A_2008 = vector.broadcast %and3A_2007 : i32 to vector<16xi32>
      %and3A_2009 = arith.andi %get3A_2000, %and3A_2008 : vector<16xi32>
      %gather3A_2010 = tpu.vector_load_idx %arg6[%add3A_2006, %and3A_2009] : memref<64x128xf32, #tpu.memory_space<vmem>>[vector<16xi32>, vector<16xi32>], vector<16xf32>,
      %swap3A_2011 = arith.constant 0 : i32
      %swap3A_2012 = arith.index_cast %swap3A_2011 : i32 to index
      %swap3A_2013 = arith.constant 224 : index
      %swap3A_2014 = tpu.vector_load %arg8[%swap3A_2012, %swap3A_2013] {strides = array<i32>} : memref<6x304xf32, #tpu.memory_space<vmem>>, vector<16xf32>,
      tpu.vector_store %arg8[%swap3A_2012, %swap3A_2013], %gather3A_2010 {strides = array<i32>} : memref<6x304xf32, #tpu.memory_space<vmem>>, vector<16xf32>,
      %shift_right_arithmetic3A_2015 = arith.constant 7 : i32
      %shift_right_arithmetic3A_2016 = vector.broadcast %shift_right_arithmetic3A_2015 : i32 to vector<16xi32>
      %shift_right_arithmetic3A_2017 = arith.shrsi %get3A_2000, %shift_right_arithmetic3A_2016 : vector<16xi32>
      %add3A_2018 = arith.constant 8 : i32
      %add3A_2019 = vector.broadcast %add3A_2018 : i32 to vector<16xi32>
      %add3A_2020 = arith.addi %add3A_2019, %shift_right_arithmetic3A_2017 : vector<16xi32>
      %and3A_2021 = arith.constant 127 : i32
      %and3A_2022 = vector.broadcast %and3A_2021 : i32 to vector<16xi32>
      %and3A_2023 = arith.andi %get3A_2000, %and3A_2022 : vector<16xi32>
      %gather3A_2024 = tpu.vector_load_idx %arg6[%add3A_2020, %and3A_2023] : memref<64x128xf32, #tpu.memory_space<vmem>>[vector<16xi32>, vector<16xi32>], vector<16xf32>,
      %swap3A_2025 = arith.constant 1 : i32
      %swap3A_2026 = arith.index_cast %swap3A_2025 : i32 to index
      %swap3A_2027 = arith.constant 224 : index
      %swap3A_2028 = tpu.vector_load %arg8[%swap3A_2026, %swap3A_2027] {strides = array<i32>} : memref<6x304xf32, #tpu.memory_space<vmem>>, vector<16xf32>,
      tpu.vector_store %arg8[%swap3A_2026, %swap3A_2027], %gather3A_2024 {strides = array<i32>} : memref<6x304xf32, #tpu.memory_space<vmem>>, vector<16xf32>,
      %shift_right_arithmetic3A_2029 = arith.constant 7 : i32
      %shift_right_arithmetic3A_2030 = vector.broadcast %shift_right_arithmetic3A_2029 : i32 to vector<16xi32>
      %shift_right_arithmetic3A_2031 = arith.shrsi %get3A_2000, %shift_right_arithmetic3A_2030 : vector<16xi32>
      %add3A_2032 = arith.constant 16 : i32
      %add3A_2033 = vector.broadcast %add3A_2032 : i32 to vector<16xi32>
      %add3A_2034 = arith.addi %add3A_2033, %shift_right_arithmetic3A_2031 : vector<16xi32>
      %and3A_2035 = arith.constant 127 : i32
      %and3A_2036 = vector.broadcast %and3A_2035 : i32 to vector<16xi32>
      %and3A_2037 = arith.andi %get3A_2000, %and3A_2036 : vector<16xi32>
      %gather3A_2038 = tpu.vector_load_idx %arg6[%add3A_2034, %and3A_2037] : memref<64x128xf32, #tpu.memory_space<vmem>>[vector<16xi32>, vector<16xi32>], vector<16xf32>,
      %swap3A_2039 = arith.constant 2 : i32
      %swap3A_2040 = arith.index_cast %swap3A_2039 : i32 to index
      %swap3A_2041 = arith.constant 224 : index
      %swap3A_2042 = tpu.vector_load %arg8[%swap3A_2040, %swap3A_2041] {strides = array<i32>} : memref<6x304xf32, #tpu.memory_space<vmem>>, vector<16xf32>,
      tpu.vector_store %arg8[%swap3A_2040, %swap3A_2041], %gather3A_2038 {strides = array<i32>} : memref<6x304xf32, #tpu.memory_space<vmem>>, vector<16xf32>,
      %shift_right_arithmetic3A_2043 = arith.constant 7 : i32
      %shift_right_arithmetic3A_2044 = vector.broadcast %shift_right_arithmetic3A_2043 : i32 to vector<16xi32>
      %shift_right_arithmetic3A_2045 = arith.shrsi %get3A_2000, %shift_right_arithmetic3A_2044 : vector<16xi32>
      %add3A_2046 = arith.constant 24 : i32
      %add3A_2047 = vector.broadcast %add3A_2046 : i32 to vector<16xi32>
      %add3A_2048 = arith.addi %add3A_2047, %shift_right_arithmetic3A_2045 : vector<16xi32>
      %and3A_2049 = arith.constant 127 : i32
      %and3A_2050 = vector.broadcast %and3A_2049 : i32 to vector<16xi32>
      %and3A_2051 = arith.andi %get3A_2000, %and3A_2050 : vector<16xi32>
      %gather3A_2052 = tpu.vector_load_idx %arg6[%add3A_2048, %and3A_2051] : memref<64x128xf32, #tpu.memory_space<vmem>>[vector<16xi32>, vector<16xi32>], vector<16xf32>,
      %swap3A_2053 = arith.constant 3 : i32
      %swap3A_2054 = arith.index_cast %swap3A_2053 : i32 to index
      %swap3A_2055 = arith.constant 224 : index
      %swap3A_2056 = tpu.vector_load %arg8[%swap3A_2054, %swap3A_2055] {strides = array<i32>} : memref<6x304xf32, #tpu.memory_space<vmem>>, vector<16xf32>,
      tpu.vector_store %arg8[%swap3A_2054, %swap3A_2055], %gather3A_2052 {strides = array<i32>} : memref<6x304xf32, #tpu.memory_space<vmem>>, vector<16xf32>,
      %shift_right_arithmetic3A_2057 = arith.constant 7 : i32
      %shift_right_arithmetic3A_2058 = vector.broadcast %shift_right_arithmetic3A_2057 : i32 to vector<16xi32>
      %shift_right_arithmetic3A_2059 = arith.shrsi %get3A_2000, %shift_right_arithmetic3A_2058 : vector<16xi32>
      %add3A_2060 = arith.constant 32 : i32
      %add3A_2061 = vector.broadcast %add3A_2060 : i32 to vector<16xi32>
      %add3A_2062 = arith.addi %add3A_2061, %shift_right_arithmetic3A_2059 : vector<16xi32>
      %and3A_2063 = arith.constant 127 : i32
      %and3A_2064 = vector.broadcast %and3A_2063 : i32 to vector<16xi32>
      %and3A_2065 = arith.andi %get3A_2000, %and3A_2064 : vector<16xi32>
      %gather3A_2066 = tpu.vector_load_idx %arg6[%add3A_2062, %and3A_2065] : memref<64x128xf32, #tpu.memory_space<vmem>>[vector<16xi32>, vector<16xi32>], vector<16xf32>,
      %swap3A_2067 = arith.constant 4 : i32
      %swap3A_2068 = arith.index_cast %swap3A_2067 : i32 to index
      %swap3A_2069 = arith.constant 224 : index
      %swap3A_2070 = tpu.vector_load %arg8[%swap3A_2068, %swap3A_2069] {strides = array<i32>} : memref<6x304xf32, #tpu.memory_space<vmem>>, vector<16xf32>,
      tpu.vector_store %arg8[%swap3A_2068, %swap3A_2069], %gather3A_2066 {strides = array<i32>} : memref<6x304xf32, #tpu.memory_space<vmem>>, vector<16xf32>,
      %shift_right_arithmetic3A_2071 = arith.constant 7 : i32
      %shift_right_arithmetic3A_2072 = vector.broadcast %shift_right_arithmetic3A_2071 : i32 to vector<16xi32>
      %shift_right_arithmetic3A_2073 = arith.shrsi %get3A_2000, %shift_right_arithmetic3A_2072 : vector<16xi32>
      %add3A_2074 = arith.constant 40 : i32
      %add3A_2075 = vector.broadcast %add3A_2074 : i32 to vector<16xi32>
      %add3A_2076 = arith.addi %add3A_2075, %shift_right_arithmetic3A_2073 : vector<16xi32>
      %and3A_2077 = arith.constant 127 : i32
      %and3A_2078 = vector.broadcast %and3A_2077 : i32 to vector<16xi32>
      %and3A_2079 = arith.andi %get3A_2000, %and3A_2078 : vector<16xi32>
      %gather3A_2080 = tpu.vector_load_idx %arg6[%add3A_2076, %and3A_2079] : memref<64x128xf32, #tpu.memory_space<vmem>>[vector<16xi32>, vector<16xi32>], vector<16xf32>,
      %swap3A_2081 = arith.constant 5 : i32
      %swap3A_2082 = arith.index_cast %swap3A_2081 : i32 to index
      %swap3A_2083 = arith.constant 224 : index
      %swap3A_2084 = tpu.vector_load %arg8[%swap3A_2082, %swap3A_2083] {strides = array<i32>} : memref<6x304xf32, #tpu.memory_space<vmem>>, vector<16xf32>,
      tpu.vector_store %arg8[%swap3A_2082, %swap3A_2083], %gather3A_2080 {strides = array<i32>} : memref<6x304xf32, #tpu.memory_space<vmem>>, vector<16xf32>,
      %get3A_2085 = arith.constant 1 : i32
      %get3A_2086 = arith.index_cast %get3A_2085 : i32 to index
      %get3A_2087 = arith.constant 112 : index
      %get3A_2088 = tpu.vector_load %arg7[%get3A_2086, %get3A_2087] {strides = array<i32>} : memref<8x128xi32, #tpu.memory_space<vmem>>, vector<16xi32>,
      %shift_right_arithmetic3A_2089 = arith.constant 7 : i32
      %shift_right_arithmetic3A_2090 = vector.broadcast %shift_right_arithmetic3A_2089 : i32 to vector<16xi32>
      %shift_right_arithmetic3A_2091 = arith.shrsi %get3A_2088, %shift_right_arithmetic3A_2090 : vector<16xi32>
      %add3A_2092 = arith.constant 0 : i32
      %add3A_2093 = vector.broadcast %add3A_2092 : i32 to vector<16xi32>
      %add3A_2094 = arith.addi %add3A_2093, %shift_right_arithmetic3A_2091 : vector<16xi32>
      %and3A_2095 = arith.constant 127 : i32
      %and3A_2096 = vector.broadcast %and3A_2095 : i32 to vector<16xi32>
      %and3A_2097 = arith.andi %get3A_2088, %and3A_2096 : vector<16xi32>
      %gather3A_2098 = tpu.vector_load_idx %arg6[%add3A_2094, %and3A_2097] : memref<64x128xf32, #tpu.memory_space<vmem>>[vector<16xi32>, vector<16xi32>], vector<16xf32>,
      %swap3A_2099 = arith.constant 0 : i32
      %swap3A_2100 = arith.index_cast %swap3A_2099 : i32 to index
      %swap3A_2101 = arith.constant 240 : index
      %swap3A_2102 = tpu.vector_load %arg8[%swap3A_2100, %swap3A_2101] {strides = array<i32>} : memref<6x304xf32, #tpu.memory_space<vmem>>, vector<16xf32>,
      tpu.vector_store %arg8[%swap3A_2100, %swap3A_2101], %gather3A_2098 {strides = array<i32>} : memref<6x304xf32, #tpu.memory_space<vmem>>, vector<16xf32>,
      %shift_right_arithmetic3A_2103 = arith.constant 7 : i32
      %shift_right_arithmetic3A_2104 = vector.broadcast %shift_right_arithmetic3A_2103 : i32 to vector<16xi32>
      %shift_right_arithmetic3A_2105 = arith.shrsi %get3A_2088, %shift_right_arithmetic3A_2104 : vector<16xi32>
      %add3A_2106 = arith.constant 8 : i32
      %add3A_2107 = vector.broadcast %add3A_2106 : i32 to vector<16xi32>
      %add3A_2108 = arith.addi %add3A_2107, %shift_right_arithmetic3A_2105 : vector<16xi32>
      %and3A_2109 = arith.constant 127 : i32
      %and3A_2110 = vector.broadcast %and3A_2109 : i32 to vector<16xi32>
      %and3A_2111 = arith.andi %get3A_2088, %and3A_2110 : vector<16xi32>
      %gather3A_2112 = tpu.vector_load_idx %arg6[%add3A_2108, %and3A_2111] : memref<64x128xf32, #tpu.memory_space<vmem>>[vector<16xi32>, vector<16xi32>], vector<16xf32>,
      %swap3A_2113 = arith.constant 1 : i32
      %swap3A_2114 = arith.index_cast %swap3A_2113 : i32 to index
      %swap3A_2115 = arith.constant 240 : index
      %swap3A_2116 = tpu.vector_load %arg8[%swap3A_2114, %swap3A_2115] {strides = array<i32>} : memref<6x304xf32, #tpu.memory_space<vmem>>, vector<16xf32>,
      tpu.vector_store %arg8[%swap3A_2114, %swap3A_2115], %gather3A_2112 {strides = array<i32>} : memref<6x304xf32, #tpu.memory_space<vmem>>, vector<16xf32>,
      %shift_right_arithmetic3A_2117 = arith.constant 7 : i32
      %shift_right_arithmetic3A_2118 = vector.broadcast %shift_right_arithmetic3A_2117 : i32 to vector<16xi32>
      %shift_right_arithmetic3A_2119 = arith.shrsi %get3A_2088, %shift_right_arithmetic3A_2118 : vector<16xi32>
      %add3A_2120 = arith.constant 16 : i32
      %add3A_2121 = vector.broadcast %add3A_2120 : i32 to vector<16xi32>
      %add3A_2122 = arith.addi %add3A_2121, %shift_right_arithmetic3A_2119 : vector<16xi32>
      %and3A_2123 = arith.constant 127 : i32
      %and3A_2124 = vector.broadcast %and3A_2123 : i32 to vector<16xi32>
      %and3A_2125 = arith.andi %get3A_2088, %and3A_2124 : vector<16xi32>
      %gather3A_2126 = tpu.vector_load_idx %arg6[%add3A_2122, %and3A_2125] : memref<64x128xf32, #tpu.memory_space<vmem>>[vector<16xi32>, vector<16xi32>], vector<16xf32>,
      %swap3A_2127 = arith.constant 2 : i32
      %swap3A_2128 = arith.index_cast %swap3A_2127 : i32 to index
      %swap3A_2129 = arith.constant 240 : index
      %swap3A_2130 = tpu.vector_load %arg8[%swap3A_2128, %swap3A_2129] {strides = array<i32>} : memref<6x304xf32, #tpu.memory_space<vmem>>, vector<16xf32>,
      tpu.vector_store %arg8[%swap3A_2128, %swap3A_2129], %gather3A_2126 {strides = array<i32>} : memref<6x304xf32, #tpu.memory_space<vmem>>, vector<16xf32>,
      %shift_right_arithmetic3A_2131 = arith.constant 7 : i32
      %shift_right_arithmetic3A_2132 = vector.broadcast %shift_right_arithmetic3A_2131 : i32 to vector<16xi32>
      %shift_right_arithmetic3A_2133 = arith.shrsi %get3A_2088, %shift_right_arithmetic3A_2132 : vector<16xi32>
      %add3A_2134 = arith.constant 24 : i32
      %add3A_2135 = vector.broadcast %add3A_2134 : i32 to vector<16xi32>
      %add3A_2136 = arith.addi %add3A_2135, %shift_right_arithmetic3A_2133 : vector<16xi32>
      %and3A_2137 = arith.constant 127 : i32
      %and3A_2138 = vector.broadcast %and3A_2137 : i32 to vector<16xi32>
      %and3A_2139 = arith.andi %get3A_2088, %and3A_2138 : vector<16xi32>
      %gather3A_2140 = tpu.vector_load_idx %arg6[%add3A_2136, %and3A_2139] : memref<64x128xf32, #tpu.memory_space<vmem>>[vector<16xi32>, vector<16xi32>], vector<16xf32>,
      %swap3A_2141 = arith.constant 3 : i32
      %swap3A_2142 = arith.index_cast %swap3A_2141 : i32 to index
      %swap3A_2143 = arith.constant 240 : index
      %swap3A_2144 = tpu.vector_load %arg8[%swap3A_2142, %swap3A_2143] {strides = array<i32>} : memref<6x304xf32, #tpu.memory_space<vmem>>, vector<16xf32>,
      tpu.vector_store %arg8[%swap3A_2142, %swap3A_2143], %gather3A_2140 {strides = array<i32>} : memref<6x304xf32, #tpu.memory_space<vmem>>, vector<16xf32>,
      %shift_right_arithmetic3A_2145 = arith.constant 7 : i32
      %shift_right_arithmetic3A_2146 = vector.broadcast %shift_right_arithmetic3A_2145 : i32 to vector<16xi32>
      %shift_right_arithmetic3A_2147 = arith.shrsi %get3A_2088, %shift_right_arithmetic3A_2146 : vector<16xi32>
      %add3A_2148 = arith.constant 32 : i32
      %add3A_2149 = vector.broadcast %add3A_2148 : i32 to vector<16xi32>
      %add3A_2150 = arith.addi %add3A_2149, %shift_right_arithmetic3A_2147 : vector<16xi32>
      %and3A_2151 = arith.constant 127 : i32
      %and3A_2152 = vector.broadcast %and3A_2151 : i32 to vector<16xi32>
      %and3A_2153 = arith.andi %get3A_2088, %and3A_2152 : vector<16xi32>
      %gather3A_2154 = tpu.vector_load_idx %arg6[%add3A_2150, %and3A_2153] : memref<64x128xf32, #tpu.memory_space<vmem>>[vector<16xi32>, vector<16xi32>], vector<16xf32>,
      %swap3A_2155 = arith.constant 4 : i32
      %swap3A_2156 = arith.index_cast %swap3A_2155 : i32 to index
      %swap3A_2157 = arith.constant 240 : index
      %swap3A_2158 = tpu.vector_load %arg8[%swap3A_2156, %swap3A_2157] {strides = array<i32>} : memref<6x304xf32, #tpu.memory_space<vmem>>, vector<16xf32>,
      tpu.vector_store %arg8[%swap3A_2156, %swap3A_2157], %gather3A_2154 {strides = array<i32>} : memref<6x304xf32, #tpu.memory_space<vmem>>, vector<16xf32>,
      %shift_right_arithmetic3A_2159 = arith.constant 7 : i32
      %shift_right_arithmetic3A_2160 = vector.broadcast %shift_right_arithmetic3A_2159 : i32 to vector<16xi32>
      %shift_right_arithmetic3A_2161 = arith.shrsi %get3A_2088, %shift_right_arithmetic3A_2160 : vector<16xi32>
      %add3A_2162 = arith.constant 40 : i32
      %add3A_2163 = vector.broadcast %add3A_2162 : i32 to vector<16xi32>
      %add3A_2164 = arith.addi %add3A_2163, %shift_right_arithmetic3A_2161 : vector<16xi32>
      %and3A_2165 = arith.constant 127 : i32
      %and3A_2166 = vector.broadcast %and3A_2165 : i32 to vector<16xi32>
      %and3A_2167 = arith.andi %get3A_2088, %and3A_2166 : vector<16xi32>
      %gather3A_2168 = tpu.vector_load_idx %arg6[%add3A_2164, %and3A_2167] : memref<64x128xf32, #tpu.memory_space<vmem>>[vector<16xi32>, vector<16xi32>], vector<16xf32>,
      %swap3A_2169 = arith.constant 5 : i32
      %swap3A_2170 = arith.index_cast %swap3A_2169 : i32 to index
      %swap3A_2171 = arith.constant 240 : index
      %swap3A_2172 = tpu.vector_load %arg8[%swap3A_2170, %swap3A_2171] {strides = array<i32>} : memref<6x304xf32, #tpu.memory_space<vmem>>, vector<16xf32>,
      tpu.vector_store %arg8[%swap3A_2170, %swap3A_2171], %gather3A_2168 {strides = array<i32>} : memref<6x304xf32, #tpu.memory_space<vmem>>, vector<16xf32>,
      %get3A_2173 = arith.constant 2 : i32
      %get3A_2174 = arith.index_cast %get3A_2173 : i32 to index
      %get3A_2175 = arith.constant 0 : index
      %get3A_2176 = tpu.vector_load %arg7[%get3A_2174, %get3A_2175] {strides = array<i32>} : memref<8x128xi32, #tpu.memory_space<vmem>>, vector<16xi32>,
      %shift_right_arithmetic3A_2177 = arith.constant 7 : i32
      %shift_right_arithmetic3A_2178 = vector.broadcast %shift_right_arithmetic3A_2177 : i32 to vector<16xi32>
      %shift_right_arithmetic3A_2179 = arith.shrsi %get3A_2176, %shift_right_arithmetic3A_2178 : vector<16xi32>
      %add3A_2180 = arith.constant 0 : i32
      %add3A_2181 = vector.broadcast %add3A_2180 : i32 to vector<16xi32>
      %add3A_2182 = arith.addi %add3A_2181, %shift_right_arithmetic3A_2179 : vector<16xi32>
      %and3A_2183 = arith.constant 127 : i32
      %and3A_2184 = vector.broadcast %and3A_2183 : i32 to vector<16xi32>
      %and3A_2185 = arith.andi %get3A_2176, %and3A_2184 : vector<16xi32>
      %gather3A_2186 = tpu.vector_load_idx %arg6[%add3A_2182, %and3A_2185] : memref<64x128xf32, #tpu.memory_space<vmem>>[vector<16xi32>, vector<16xi32>], vector<16xf32>,
      %swap3A_2187 = arith.constant 0 : i32
      %swap3A_2188 = arith.index_cast %swap3A_2187 : i32 to index
      %swap3A_2189 = arith.constant 256 : index
      %swap3A_2190 = tpu.vector_load %arg8[%swap3A_2188, %swap3A_2189] {strides = array<i32>} : memref<6x304xf32, #tpu.memory_space<vmem>>, vector<16xf32>,
      tpu.vector_store %arg8[%swap3A_2188, %swap3A_2189], %gather3A_2186 {strides = array<i32>} : memref<6x304xf32, #tpu.memory_space<vmem>>, vector<16xf32>,
      %shift_right_arithmetic3A_2191 = arith.constant 7 : i32
      %shift_right_arithmetic3A_2192 = vector.broadcast %shift_right_arithmetic3A_2191 : i32 to vector<16xi32>
      %shift_right_arithmetic3A_2193 = arith.shrsi %get3A_2176, %shift_right_arithmetic3A_2192 : vector<16xi32>
      %add3A_2194 = arith.constant 8 : i32
      %add3A_2195 = vector.broadcast %add3A_2194 : i32 to vector<16xi32>
      %add3A_2196 = arith.addi %add3A_2195, %shift_right_arithmetic3A_2193 : vector<16xi32>
      %and3A_2197 = arith.constant 127 : i32
      %and3A_2198 = vector.broadcast %and3A_2197 : i32 to vector<16xi32>
      %and3A_2199 = arith.andi %get3A_2176, %and3A_2198 : vector<16xi32>
      %gather3A_2200 = tpu.vector_load_idx %arg6[%add3A_2196, %and3A_2199] : memref<64x128xf32, #tpu.memory_space<vmem>>[vector<16xi32>, vector<16xi32>], vector<16xf32>,
      %swap3A_2201 = arith.constant 1 : i32
      %swap3A_2202 = arith.index_cast %swap3A_2201 : i32 to index
      %swap3A_2203 = arith.constant 256 : index
      %swap3A_2204 = tpu.vector_load %arg8[%swap3A_2202, %swap3A_2203] {strides = array<i32>} : memref<6x304xf32, #tpu.memory_space<vmem>>, vector<16xf32>,
      tpu.vector_store %arg8[%swap3A_2202, %swap3A_2203], %gather3A_2200 {strides = array<i32>} : memref<6x304xf32, #tpu.memory_space<vmem>>, vector<16xf32>,
      %shift_right_arithmetic3A_2205 = arith.constant 7 : i32
      %shift_right_arithmetic3A_2206 = vector.broadcast %shift_right_arithmetic3A_2205 : i32 to vector<16xi32>
      %shift_right_arithmetic3A_2207 = arith.shrsi %get3A_2176, %shift_right_arithmetic3A_2206 : vector<16xi32>
      %add3A_2208 = arith.constant 16 : i32
      %add3A_2209 = vector.broadcast %add3A_2208 : i32 to vector<16xi32>
      %add3A_2210 = arith.addi %add3A_2209, %shift_right_arithmetic3A_2207 : vector<16xi32>
      %and3A_2211 = arith.constant 127 : i32
      %and3A_2212 = vector.broadcast %and3A_2211 : i32 to vector<16xi32>
      %and3A_2213 = arith.andi %get3A_2176, %and3A_2212 : vector<16xi32>
      %gather3A_2214 = tpu.vector_load_idx %arg6[%add3A_2210, %and3A_2213] : memref<64x128xf32, #tpu.memory_space<vmem>>[vector<16xi32>, vector<16xi32>], vector<16xf32>,
      %swap3A_2215 = arith.constant 2 : i32
      %swap3A_2216 = arith.index_cast %swap3A_2215 : i32 to index
      %swap3A_2217 = arith.constant 256 : index
      %swap3A_2218 = tpu.vector_load %arg8[%swap3A_2216, %swap3A_2217] {strides = array<i32>} : memref<6x304xf32, #tpu.memory_space<vmem>>, vector<16xf32>,
      tpu.vector_store %arg8[%swap3A_2216, %swap3A_2217], %gather3A_2214 {strides = array<i32>} : memref<6x304xf32, #tpu.memory_space<vmem>>, vector<16xf32>,
      %shift_right_arithmetic3A_2219 = arith.constant 7 : i32
      %shift_right_arithmetic3A_2220 = vector.broadcast %shift_right_arithmetic3A_2219 : i32 to vector<16xi32>
      %shift_right_arithmetic3A_2221 = arith.shrsi %get3A_2176, %shift_right_arithmetic3A_2220 : vector<16xi32>
      %add3A_2222 = arith.constant 24 : i32
      %add3A_2223 = vector.broadcast %add3A_2222 : i32 to vector<16xi32>
      %add3A_2224 = arith.addi %add3A_2223, %shift_right_arithmetic3A_2221 : vector<16xi32>
      %and3A_2225 = arith.constant 127 : i32
      %and3A_2226 = vector.broadcast %and3A_2225 : i32 to vector<16xi32>
      %and3A_2227 = arith.andi %get3A_2176, %and3A_2226 : vector<16xi32>
      %gather3A_2228 = tpu.vector_load_idx %arg6[%add3A_2224, %and3A_2227] : memref<64x128xf32, #tpu.memory_space<vmem>>[vector<16xi32>, vector<16xi32>], vector<16xf32>,
      %swap3A_2229 = arith.constant 3 : i32
      %swap3A_2230 = arith.index_cast %swap3A_2229 : i32 to index
      %swap3A_2231 = arith.constant 256 : index
      %swap3A_2232 = tpu.vector_load %arg8[%swap3A_2230, %swap3A_2231] {strides = array<i32>} : memref<6x304xf32, #tpu.memory_space<vmem>>, vector<16xf32>,
      tpu.vector_store %arg8[%swap3A_2230, %swap3A_2231], %gather3A_2228 {strides = array<i32>} : memref<6x304xf32, #tpu.memory_space<vmem>>, vector<16xf32>,
      %shift_right_arithmetic3A_2233 = arith.constant 7 : i32
      %shift_right_arithmetic3A_2234 = vector.broadcast %shift_right_arithmetic3A_2233 : i32 to vector<16xi32>
      %shift_right_arithmetic3A_2235 = arith.shrsi %get3A_2176, %shift_right_arithmetic3A_2234 : vector<16xi32>
      %add3A_2236 = arith.constant 32 : i32
      %add3A_2237 = vector.broadcast %add3A_2236 : i32 to vector<16xi32>
      %add3A_2238 = arith.addi %add3A_2237, %shift_right_arithmetic3A_2235 : vector<16xi32>
      %and3A_2239 = arith.constant 127 : i32
      %and3A_2240 = vector.broadcast %and3A_2239 : i32 to vector<16xi32>
      %and3A_2241 = arith.andi %get3A_2176, %and3A_2240 : vector<16xi32>
      %gather3A_2242 = tpu.vector_load_idx %arg6[%add3A_2238, %and3A_2241] : memref<64x128xf32, #tpu.memory_space<vmem>>[vector<16xi32>, vector<16xi32>], vector<16xf32>,
      %swap3A_2243 = arith.constant 4 : i32
      %swap3A_2244 = arith.index_cast %swap3A_2243 : i32 to index
      %swap3A_2245 = arith.constant 256 : index
      %swap3A_2246 = tpu.vector_load %arg8[%swap3A_2244, %swap3A_2245] {strides = array<i32>} : memref<6x304xf32, #tpu.memory_space<vmem>>, vector<16xf32>,
      tpu.vector_store %arg8[%swap3A_2244, %swap3A_2245], %gather3A_2242 {strides = array<i32>} : memref<6x304xf32, #tpu.memory_space<vmem>>, vector<16xf32>,
      %shift_right_arithmetic3A_2247 = arith.constant 7 : i32
      %shift_right_arithmetic3A_2248 = vector.broadcast %shift_right_arithmetic3A_2247 : i32 to vector<16xi32>
      %shift_right_arithmetic3A_2249 = arith.shrsi %get3A_2176, %shift_right_arithmetic3A_2248 : vector<16xi32>
      %add3A_2250 = arith.constant 40 : i32
      %add3A_2251 = vector.broadcast %add3A_2250 : i32 to vector<16xi32>
      %add3A_2252 = arith.addi %add3A_2251, %shift_right_arithmetic3A_2249 : vector<16xi32>
      %and3A_2253 = arith.constant 127 : i32
      %and3A_2254 = vector.broadcast %and3A_2253 : i32 to vector<16xi32>
      %and3A_2255 = arith.andi %get3A_2176, %and3A_2254 : vector<16xi32>
      %gather3A_2256 = tpu.vector_load_idx %arg6[%add3A_2252, %and3A_2255] : memref<64x128xf32, #tpu.memory_space<vmem>>[vector<16xi32>, vector<16xi32>], vector<16xf32>,
      %swap3A_2257 = arith.constant 5 : i32
      %swap3A_2258 = arith.index_cast %swap3A_2257 : i32 to index
      %swap3A_2259 = arith.constant 256 : index
      %swap3A_2260 = tpu.vector_load %arg8[%swap3A_2258, %swap3A_2259] {strides = array<i32>} : memref<6x304xf32, #tpu.memory_space<vmem>>, vector<16xf32>,
      tpu.vector_store %arg8[%swap3A_2258, %swap3A_2259], %gather3A_2256 {strides = array<i32>} : memref<6x304xf32, #tpu.memory_space<vmem>>, vector<16xf32>,
      %get3A_2261 = arith.constant 2 : i32
      %get3A_2262 = arith.index_cast %get3A_2261 : i32 to index
      %get3A_2263 = arith.constant 16 : index
      %get3A_2264 = tpu.vector_load %arg7[%get3A_2262, %get3A_2263] {strides = array<i32>} : memref<8x128xi32, #tpu.memory_space<vmem>>, vector<16xi32>,
      %shift_right_arithmetic3A_2265 = arith.constant 7 : i32
      %shift_right_arithmetic3A_2266 = vector.broadcast %shift_right_arithmetic3A_2265 : i32 to vector<16xi32>
      %shift_right_arithmetic3A_2267 = arith.shrsi %get3A_2264, %shift_right_arithmetic3A_2266 : vector<16xi32>
      %add3A_2268 = arith.constant 0 : i32
      %add3A_2269 = vector.broadcast %add3A_2268 : i32 to vector<16xi32>
      %add3A_2270 = arith.addi %add3A_2269, %shift_right_arithmetic3A_2267 : vector<16xi32>
      %and3A_2271 = arith.constant 127 : i32
      %and3A_2272 = vector.broadcast %and3A_2271 : i32 to vector<16xi32>
      %and3A_2273 = arith.andi %get3A_2264, %and3A_2272 : vector<16xi32>
      %gather3A_2274 = tpu.vector_load_idx %arg6[%add3A_2270, %and3A_2273] : memref<64x128xf32, #tpu.memory_space<vmem>>[vector<16xi32>, vector<16xi32>], vector<16xf32>,
      %swap3A_2275 = arith.constant 0 : i32
      %swap3A_2276 = arith.index_cast %swap3A_2275 : i32 to index
      %swap3A_2277 = arith.constant 272 : index
      %swap3A_2278 = tpu.vector_load %arg8[%swap3A_2276, %swap3A_2277] {strides = array<i32>} : memref<6x304xf32, #tpu.memory_space<vmem>>, vector<16xf32>,
      tpu.vector_store %arg8[%swap3A_2276, %swap3A_2277], %gather3A_2274 {strides = array<i32>} : memref<6x304xf32, #tpu.memory_space<vmem>>, vector<16xf32>,
      %shift_right_arithmetic3A_2279 = arith.constant 7 : i32
      %shift_right_arithmetic3A_2280 = vector.broadcast %shift_right_arithmetic3A_2279 : i32 to vector<16xi32>
      %shift_right_arithmetic3A_2281 = arith.shrsi %get3A_2264, %shift_right_arithmetic3A_2280 : vector<16xi32>
      %add3A_2282 = arith.constant 8 : i32
      %add3A_2283 = vector.broadcast %add3A_2282 : i32 to vector<16xi32>
      %add3A_2284 = arith.addi %add3A_2283, %shift_right_arithmetic3A_2281 : vector<16xi32>
      %and3A_2285 = arith.constant 127 : i32
      %and3A_2286 = vector.broadcast %and3A_2285 : i32 to vector<16xi32>
      %and3A_2287 = arith.andi %get3A_2264, %and3A_2286 : vector<16xi32>
      %gather3A_2288 = tpu.vector_load_idx %arg6[%add3A_2284, %and3A_2287] : memref<64x128xf32, #tpu.memory_space<vmem>>[vector<16xi32>, vector<16xi32>], vector<16xf32>,
      %swap3A_2289 = arith.constant 1 : i32
      %swap3A_2290 = arith.index_cast %swap3A_2289 : i32 to index
      %swap3A_2291 = arith.constant 272 : index
      %swap3A_2292 = tpu.vector_load %arg8[%swap3A_2290, %swap3A_2291] {strides = array<i32>} : memref<6x304xf32, #tpu.memory_space<vmem>>, vector<16xf32>,
      tpu.vector_store %arg8[%swap3A_2290, %swap3A_2291], %gather3A_2288 {strides = array<i32>} : memref<6x304xf32, #tpu.memory_space<vmem>>, vector<16xf32>,
      %shift_right_arithmetic3A_2293 = arith.constant 7 : i32
      %shift_right_arithmetic3A_2294 = vector.broadcast %shift_right_arithmetic3A_2293 : i32 to vector<16xi32>
      %shift_right_arithmetic3A_2295 = arith.shrsi %get3A_2264, %shift_right_arithmetic3A_2294 : vector<16xi32>
      %add3A_2296 = arith.constant 16 : i32
      %add3A_2297 = vector.broadcast %add3A_2296 : i32 to vector<16xi32>
      %add3A_2298 = arith.addi %add3A_2297, %shift_right_arithmetic3A_2295 : vector<16xi32>
      %and3A_2299 = arith.constant 127 : i32
      %and3A_2300 = vector.broadcast %and3A_2299 : i32 to vector<16xi32>
      %and3A_2301 = arith.andi %get3A_2264, %and3A_2300 : vector<16xi32>
      %gather3A_2302 = tpu.vector_load_idx %arg6[%add3A_2298, %and3A_2301] : memref<64x128xf32, #tpu.memory_space<vmem>>[vector<16xi32>, vector<16xi32>], vector<16xf32>,
      %swap3A_2303 = arith.constant 2 : i32
      %swap3A_2304 = arith.index_cast %swap3A_2303 : i32 to index
      %swap3A_2305 = arith.constant 272 : index
      %swap3A_2306 = tpu.vector_load %arg8[%swap3A_2304, %swap3A_2305] {strides = array<i32>} : memref<6x304xf32, #tpu.memory_space<vmem>>, vector<16xf32>,
      tpu.vector_store %arg8[%swap3A_2304, %swap3A_2305], %gather3A_2302 {strides = array<i32>} : memref<6x304xf32, #tpu.memory_space<vmem>>, vector<16xf32>,
      %shift_right_arithmetic3A_2307 = arith.constant 7 : i32
      %shift_right_arithmetic3A_2308 = vector.broadcast %shift_right_arithmetic3A_2307 : i32 to vector<16xi32>
      %shift_right_arithmetic3A_2309 = arith.shrsi %get3A_2264, %shift_right_arithmetic3A_2308 : vector<16xi32>
      %add3A_2310 = arith.constant 24 : i32
      %add3A_2311 = vector.broadcast %add3A_2310 : i32 to vector<16xi32>
      %add3A_2312 = arith.addi %add3A_2311, %shift_right_arithmetic3A_2309 : vector<16xi32>
      %and3A_2313 = arith.constant 127 : i32
      %and3A_2314 = vector.broadcast %and3A_2313 : i32 to vector<16xi32>
      %and3A_2315 = arith.andi %get3A_2264, %and3A_2314 : vector<16xi32>
      %gather3A_2316 = tpu.vector_load_idx %arg6[%add3A_2312, %and3A_2315] : memref<64x128xf32, #tpu.memory_space<vmem>>[vector<16xi32>, vector<16xi32>], vector<16xf32>,
      %swap3A_2317 = arith.constant 3 : i32
      %swap3A_2318 = arith.index_cast %swap3A_2317 : i32 to index
      %swap3A_2319 = arith.constant 272 : index
      %swap3A_2320 = tpu.vector_load %arg8[%swap3A_2318, %swap3A_2319] {strides = array<i32>} : memref<6x304xf32, #tpu.memory_space<vmem>>, vector<16xf32>,
      tpu.vector_store %arg8[%swap3A_2318, %swap3A_2319], %gather3A_2316 {strides = array<i32>} : memref<6x304xf32, #tpu.memory_space<vmem>>, vector<16xf32>,
      %shift_right_arithmetic3A_2321 = arith.constant 7 : i32
      %shift_right_arithmetic3A_2322 = vector.broadcast %shift_right_arithmetic3A_2321 : i32 to vector<16xi32>
      %shift_right_arithmetic3A_2323 = arith.shrsi %get3A_2264, %shift_right_arithmetic3A_2322 : vector<16xi32>
      %add3A_2324 = arith.constant 32 : i32
      %add3A_2325 = vector.broadcast %add3A_2324 : i32 to vector<16xi32>
      %add3A_2326 = arith.addi %add3A_2325, %shift_right_arithmetic3A_2323 : vector<16xi32>
      %and3A_2327 = arith.constant 127 : i32
      %and3A_2328 = vector.broadcast %and3A_2327 : i32 to vector<16xi32>
      %and3A_2329 = arith.andi %get3A_2264, %and3A_2328 : vector<16xi32>
      %gather3A_2330 = tpu.vector_load_idx %arg6[%add3A_2326, %and3A_2329] : memref<64x128xf32, #tpu.memory_space<vmem>>[vector<16xi32>, vector<16xi32>], vector<16xf32>,
      %swap3A_2331 = arith.constant 4 : i32
      %swap3A_2332 = arith.index_cast %swap3A_2331 : i32 to index
      %swap3A_2333 = arith.constant 272 : index
      %swap3A_2334 = tpu.vector_load %arg8[%swap3A_2332, %swap3A_2333] {strides = array<i32>} : memref<6x304xf32, #tpu.memory_space<vmem>>, vector<16xf32>,
      tpu.vector_store %arg8[%swap3A_2332, %swap3A_2333], %gather3A_2330 {strides = array<i32>} : memref<6x304xf32, #tpu.memory_space<vmem>>, vector<16xf32>,
      %shift_right_arithmetic3A_2335 = arith.constant 7 : i32
      %shift_right_arithmetic3A_2336 = vector.broadcast %shift_right_arithmetic3A_2335 : i32 to vector<16xi32>
      %shift_right_arithmetic3A_2337 = arith.shrsi %get3A_2264, %shift_right_arithmetic3A_2336 : vector<16xi32>
      %add3A_2338 = arith.constant 40 : i32
      %add3A_2339 = vector.broadcast %add3A_2338 : i32 to vector<16xi32>
      %add3A_2340 = arith.addi %add3A_2339, %shift_right_arithmetic3A_2337 : vector<16xi32>
      %and3A_2341 = arith.constant 127 : i32
      %and3A_2342 = vector.broadcast %and3A_2341 : i32 to vector<16xi32>
      %and3A_2343 = arith.andi %get3A_2264, %and3A_2342 : vector<16xi32>
      %gather3A_2344 = tpu.vector_load_idx %arg6[%add3A_2340, %and3A_2343] : memref<64x128xf32, #tpu.memory_space<vmem>>[vector<16xi32>, vector<16xi32>], vector<16xf32>,
      %swap3A_2345 = arith.constant 5 : i32
      %swap3A_2346 = arith.index_cast %swap3A_2345 : i32 to index
      %swap3A_2347 = arith.constant 272 : index
      %swap3A_2348 = tpu.vector_load %arg8[%swap3A_2346, %swap3A_2347] {strides = array<i32>} : memref<6x304xf32, #tpu.memory_space<vmem>>, vector<16xf32>,
      tpu.vector_store %arg8[%swap3A_2346, %swap3A_2347], %gather3A_2344 {strides = array<i32>} : memref<6x304xf32, #tpu.memory_space<vmem>>, vector<16xf32>,
      %get3A_2349 = arith.constant 2 : i32
      %get3A_2350 = arith.index_cast %get3A_2349 : i32 to index
      %get3A_2351 = arith.constant 32 : index
      %get3A_2352 = tpu.vector_load %arg7[%get3A_2350, %get3A_2351] {strides = array<i32>} : memref<8x128xi32, #tpu.memory_space<vmem>>, vector<16xi32>,
      %shift_right_arithmetic3A_2353 = arith.constant 7 : i32
      %shift_right_arithmetic3A_2354 = vector.broadcast %shift_right_arithmetic3A_2353 : i32 to vector<16xi32>
      %shift_right_arithmetic3A_2355 = arith.shrsi %get3A_2352, %shift_right_arithmetic3A_2354 : vector<16xi32>
      %add3A_2356 = arith.constant 0 : i32
      %add3A_2357 = vector.broadcast %add3A_2356 : i32 to vector<16xi32>
      %add3A_2358 = arith.addi %add3A_2357, %shift_right_arithmetic3A_2355 : vector<16xi32>
      %and3A_2359 = arith.constant 127 : i32
      %and3A_2360 = vector.broadcast %and3A_2359 : i32 to vector<16xi32>
      %and3A_2361 = arith.andi %get3A_2352, %and3A_2360 : vector<16xi32>
      %gather3A_2362 = tpu.vector_load_idx %arg6[%add3A_2358, %and3A_2361] : memref<64x128xf32, #tpu.memory_space<vmem>>[vector<16xi32>, vector<16xi32>], vector<16xf32>,
      %swap3A_2363 = arith.constant 0 : i32
      %swap3A_2364 = arith.index_cast %swap3A_2363 : i32 to index
      %swap3A_2365 = arith.constant 288 : index
      %swap3A_2366 = tpu.vector_load %arg8[%swap3A_2364, %swap3A_2365] {strides = array<i32>} : memref<6x304xf32, #tpu.memory_space<vmem>>, vector<16xf32>,
      tpu.vector_store %arg8[%swap3A_2364, %swap3A_2365], %gather3A_2362 {strides = array<i32>} : memref<6x304xf32, #tpu.memory_space<vmem>>, vector<16xf32>,
      %shift_right_arithmetic3A_2367 = arith.constant 7 : i32
      %shift_right_arithmetic3A_2368 = vector.broadcast %shift_right_arithmetic3A_2367 : i32 to vector<16xi32>
      %shift_right_arithmetic3A_2369 = arith.shrsi %get3A_2352, %shift_right_arithmetic3A_2368 : vector<16xi32>
      %add3A_2370 = arith.constant 8 : i32
      %add3A_2371 = vector.broadcast %add3A_2370 : i32 to vector<16xi32>
      %add3A_2372 = arith.addi %add3A_2371, %shift_right_arithmetic3A_2369 : vector<16xi32>
      %and3A_2373 = arith.constant 127 : i32
      %and3A_2374 = vector.broadcast %and3A_2373 : i32 to vector<16xi32>
      %and3A_2375 = arith.andi %get3A_2352, %and3A_2374 : vector<16xi32>
      %gather3A_2376 = tpu.vector_load_idx %arg6[%add3A_2372, %and3A_2375] : memref<64x128xf32, #tpu.memory_space<vmem>>[vector<16xi32>, vector<16xi32>], vector<16xf32>,
      %swap3A_2377 = arith.constant 1 : i32
      %swap3A_2378 = arith.index_cast %swap3A_2377 : i32 to index
      %swap3A_2379 = arith.constant 288 : index
      %swap3A_2380 = tpu.vector_load %arg8[%swap3A_2378, %swap3A_2379] {strides = array<i32>} : memref<6x304xf32, #tpu.memory_space<vmem>>, vector<16xf32>,
      tpu.vector_store %arg8[%swap3A_2378, %swap3A_2379], %gather3A_2376 {strides = array<i32>} : memref<6x304xf32, #tpu.memory_space<vmem>>, vector<16xf32>,
      %shift_right_arithmetic3A_2381 = arith.constant 7 : i32
      %shift_right_arithmetic3A_2382 = vector.broadcast %shift_right_arithmetic3A_2381 : i32 to vector<16xi32>
      %shift_right_arithmetic3A_2383 = arith.shrsi %get3A_2352, %shift_right_arithmetic3A_2382 : vector<16xi32>
      %add3A_2384 = arith.constant 16 : i32
      %add3A_2385 = vector.broadcast %add3A_2384 : i32 to vector<16xi32>
      %add3A_2386 = arith.addi %add3A_2385, %shift_right_arithmetic3A_2383 : vector<16xi32>
      %and3A_2387 = arith.constant 127 : i32
      %and3A_2388 = vector.broadcast %and3A_2387 : i32 to vector<16xi32>
      %and3A_2389 = arith.andi %get3A_2352, %and3A_2388 : vector<16xi32>
      %gather3A_2390 = tpu.vector_load_idx %arg6[%add3A_2386, %and3A_2389] : memref<64x128xf32, #tpu.memory_space<vmem>>[vector<16xi32>, vector<16xi32>], vector<16xf32>,
      %swap3A_2391 = arith.constant 2 : i32
      %swap3A_2392 = arith.index_cast %swap3A_2391 : i32 to index
      %swap3A_2393 = arith.constant 288 : index
      %swap3A_2394 = tpu.vector_load %arg8[%swap3A_2392, %swap3A_2393] {strides = array<i32>} : memref<6x304xf32, #tpu.memory_space<vmem>>, vector<16xf32>,
      tpu.vector_store %arg8[%swap3A_2392, %swap3A_2393], %gather3A_2390 {strides = array<i32>} : memref<6x304xf32, #tpu.memory_space<vmem>>, vector<16xf32>,
      %shift_right_arithmetic3A_2395 = arith.constant 7 : i32
      %shift_right_arithmetic3A_2396 = vector.broadcast %shift_right_arithmetic3A_2395 : i32 to vector<16xi32>
      %shift_right_arithmetic3A_2397 = arith.shrsi %get3A_2352, %shift_right_arithmetic3A_2396 : vector<16xi32>
      %add3A_2398 = arith.constant 24 : i32
      %add3A_2399 = vector.broadcast %add3A_2398 : i32 to vector<16xi32>
      %add3A_2400 = arith.addi %add3A_2399, %shift_right_arithmetic3A_2397 : vector<16xi32>
      %and3A_2401 = arith.constant 127 : i32
      %and3A_2402 = vector.broadcast %and3A_2401 : i32 to vector<16xi32>
      %and3A_2403 = arith.andi %get3A_2352, %and3A_2402 : vector<16xi32>
      %gather3A_2404 = tpu.vector_load_idx %arg6[%add3A_2400, %and3A_2403] : memref<64x128xf32, #tpu.memory_space<vmem>>[vector<16xi32>, vector<16xi32>], vector<16xf32>,
      %swap3A_2405 = arith.constant 3 : i32
      %swap3A_2406 = arith.index_cast %swap3A_2405 : i32 to index
      %swap3A_2407 = arith.constant 288 : index
      %swap3A_2408 = tpu.vector_load %arg8[%swap3A_2406, %swap3A_2407] {strides = array<i32>} : memref<6x304xf32, #tpu.memory_space<vmem>>, vector<16xf32>,
      tpu.vector_store %arg8[%swap3A_2406, %swap3A_2407], %gather3A_2404 {strides = array<i32>} : memref<6x304xf32, #tpu.memory_space<vmem>>, vector<16xf32>,
      %shift_right_arithmetic3A_2409 = arith.constant 7 : i32
      %shift_right_arithmetic3A_2410 = vector.broadcast %shift_right_arithmetic3A_2409 : i32 to vector<16xi32>
      %shift_right_arithmetic3A_2411 = arith.shrsi %get3A_2352, %shift_right_arithmetic3A_2410 : vector<16xi32>
      %add3A_2412 = arith.constant 32 : i32
      %add3A_2413 = vector.broadcast %add3A_2412 : i32 to vector<16xi32>
      %add3A_2414 = arith.addi %add3A_2413, %shift_right_arithmetic3A_2411 : vector<16xi32>
      %and3A_2415 = arith.constant 127 : i32
      %and3A_2416 = vector.broadcast %and3A_2415 : i32 to vector<16xi32>
      %and3A_2417 = arith.andi %get3A_2352, %and3A_2416 : vector<16xi32>
      %gather3A_2418 = tpu.vector_load_idx %arg6[%add3A_2414, %and3A_2417] : memref<64x128xf32, #tpu.memory_space<vmem>>[vector<16xi32>, vector<16xi32>], vector<16xf32>,
      %swap3A_2419 = arith.constant 4 : i32
      %swap3A_2420 = arith.index_cast %swap3A_2419 : i32 to index
      %swap3A_2421 = arith.constant 288 : index
      %swap3A_2422 = tpu.vector_load %arg8[%swap3A_2420, %swap3A_2421] {strides = array<i32>} : memref<6x304xf32, #tpu.memory_space<vmem>>, vector<16xf32>,
      tpu.vector_store %arg8[%swap3A_2420, %swap3A_2421], %gather3A_2418 {strides = array<i32>} : memref<6x304xf32, #tpu.memory_space<vmem>>, vector<16xf32>,
      %shift_right_arithmetic3A_2423 = arith.constant 7 : i32
      %shift_right_arithmetic3A_2424 = vector.broadcast %shift_right_arithmetic3A_2423 : i32 to vector<16xi32>
      %shift_right_arithmetic3A_2425 = arith.shrsi %get3A_2352, %shift_right_arithmetic3A_2424 : vector<16xi32>
      %add3A_2426 = arith.constant 40 : i32
      %add3A_2427 = vector.broadcast %add3A_2426 : i32 to vector<16xi32>
      %add3A_2428 = arith.addi %add3A_2427, %shift_right_arithmetic3A_2425 : vector<16xi32>
      %and3A_2429 = arith.constant 127 : i32
      %and3A_2430 = vector.broadcast %and3A_2429 : i32 to vector<16xi32>
      %and3A_2431 = arith.andi %get3A_2352, %and3A_2430 : vector<16xi32>
      %gather3A_2432 = tpu.vector_load_idx %arg6[%add3A_2428, %and3A_2431] : memref<64x128xf32, #tpu.memory_space<vmem>>[vector<16xi32>, vector<16xi32>], vector<16xf32>,
      %swap3A_2433 = arith.constant 5 : i32
      %swap3A_2434 = arith.index_cast %swap3A_2433 : i32 to index
      %swap3A_2435 = arith.constant 288 : index
      %swap3A_2436 = tpu.vector_load %arg8[%swap3A_2434, %swap3A_2435] {strides = array<i32>} : memref<6x304xf32, #tpu.memory_space<vmem>>, vector<16xf32>,
      tpu.vector_store %arg8[%swap3A_2434, %swap3A_2435], %gather3A_2432 {strides = array<i32>} : memref<6x304xf32, #tpu.memory_space<vmem>>, vector<16xf32>,
      "tpu.region"() ({
        %run_scoped3A = tpu.sem_alloc : memref<!tpu.dma_semaphore, #tpu.memory_space<semaphore_mem>>
        %dma_start3A = arith.constant 0 : i32
        %dma_start3A_2437 = arith.constant 0 : i32
        %dma_start3A_2438 = tpu.memref_slice %arg4[%add3A, %dma_start3A, %dma_start3A_2437] : memref<8x6x304xf32, #tpu.memory_space<hbm>> -> memref<1x6x304xf32, #tpu.memory_space<hbm>>
        %dma_start3A_2439 = tpu.memref_squeeze %dma_start3A_2438 : memref<1x6x304xf32, #tpu.memory_space<hbm>> -> memref<6x304xf32, #tpu.memory_space<hbm>>
        %dma_start3A_2440 = arith.constant 0 : i32
        %dma_start3A_2441 = arith.constant 0 : i32
        %dma_start3A_2442 = tpu.memref_slice %arg4[%add3A, %dma_start3A_2440, %dma_start3A_2441] : memref<8x6x304xf32, #tpu.memory_space<hbm>> -> memref<1x6x304xf32, #tpu.memory_space<hbm>>
        %dma_start3A_2443 = tpu.memref_squeeze %dma_start3A_2442 : memref<1x6x304xf32, #tpu.memory_space<hbm>> -> memref<6x304xf32, #tpu.memory_space<hbm>>
        tpu.enqueue_dma source(%arg8 : memref<6x304xf32, #tpu.memory_space<vmem>>) target(%dma_start3A_2443 : memref<6x304xf32, #tpu.memory_space<hbm>>) target_semaphore(%run_scoped3A : memref<!tpu.dma_semaphore, #tpu.memory_space<semaphore_mem>>)
        %dma_wait3A = arith.constant 0 : i32
        %dma_wait3A_2444 = arith.constant 0 : i32
        %dma_wait3A_2445 = tpu.memref_slice %arg4[%add3A, %dma_wait3A, %dma_wait3A_2444] : memref<8x6x304xf32, #tpu.memory_space<hbm>> -> memref<1x6x304xf32, #tpu.memory_space<hbm>>
        %dma_wait3A_2446 = tpu.memref_squeeze %dma_wait3A_2445 : memref<1x6x304xf32, #tpu.memory_space<hbm>> -> memref<6x304xf32, #tpu.memory_space<hbm>>
        %dma_wait3A_2447 = arith.constant 0 : i32
        %dma_wait3A_2448 = arith.constant 0 : i32
        %dma_wait3A_2449 = tpu.memref_slice %arg4[%add3A, %dma_wait3A_2447, %dma_wait3A_2448] : memref<8x6x304xf32, #tpu.memory_space<hbm>> -> memref<1x6x304xf32, #tpu.memory_space<hbm>>
        %dma_wait3A_2450 = tpu.memref_squeeze %dma_wait3A_2449 : memref<1x6x304xf32, #tpu.memory_space<hbm>> -> memref<6x304xf32, #tpu.memory_space<hbm>>
        tpu.wait_dma2 semaphore(%run_scoped3A : memref<!tpu.dma_semaphore, #tpu.memory_space<semaphore_mem>>) src(%arg8 : memref<6x304xf32, #tpu.memory_space<vmem>>) dst(%dma_wait3A_2450 : memref<6x304xf32, #tpu.memory_space<hbm>>)
        tpu.yield
      }) : () -> ()
    } else {
    }
    return
  }
}

module attributes {stable_mosaic.version = 14 : i64} {
  func.func @_tc_body(%arg0: i32, %arg1: memref<1x3x512x512xf32, #tpu.memory_space<vmem>>, %arg2: memref<1x768xf32, #tpu.memory_space<vmem>>, %arg3: memref<1x768xf32, #tpu.memory_space<vmem>>, %arg4: memref<768x256xf32, #tpu.memory_space<vmem>>, %arg5: memref<1x256xf32, #tpu.memory_space<vmem>>, %arg6: memref<256x4xf32, #tpu.memory_space<vmem>>, %arg7: memref<1x4xf32, #tpu.memory_space<vmem>>, %arg8: memref<256x80xf32, #tpu.memory_space<vmem>>, %arg9: memref<1x80xf32, #tpu.memory_space<vmem>>, %arg10: memref<1x8x1024xf32, #tpu.memory_space<vmem>>, %arg11: memref<1x1x1024xi32, #tpu.memory_space<vmem>>) attributes {dimension_semantics = [#tpu.dimension_semantics<arbitrary>], iteration_bounds = array<i64: 8>, scalar_prefetch = 0 : i64, scratch_operands = 0 : i64, tpu.core_type = #tpu.core_type<tc>, window_params = [{transform_indices = @transform_0, window_bounds = array<i64: 1, 3, 512, 512>}, {pipeline_mode = #tpu.pipeline_mode<synchronous>, transform_indices = @transform_1, window_bounds = array<i64: 1, 768>}, {pipeline_mode = #tpu.pipeline_mode<synchronous>, transform_indices = @transform_2, window_bounds = array<i64: 1, 768>}, {pipeline_mode = #tpu.pipeline_mode<synchronous>, transform_indices = @transform_3, window_bounds = array<i64: 768, 256>}, {pipeline_mode = #tpu.pipeline_mode<synchronous>, transform_indices = @transform_4, window_bounds = array<i64: 1, 256>}, {pipeline_mode = #tpu.pipeline_mode<synchronous>, transform_indices = @transform_5, window_bounds = array<i64: 256, 4>}, {pipeline_mode = #tpu.pipeline_mode<synchronous>, transform_indices = @transform_6, window_bounds = array<i64: 1, 4>}, {pipeline_mode = #tpu.pipeline_mode<synchronous>, transform_indices = @transform_7, window_bounds = array<i64: 256, 80>}, {pipeline_mode = #tpu.pipeline_mode<synchronous>, transform_indices = @transform_8, window_bounds = array<i64: 1, 80>}, {transform_indices = @transform_9, window_bounds = array<i64: 1, 8, 1024>}, {transform_indices = @transform_10, window_bounds = array<i64: 1, 1, 1024>}]} {
    %get3A = arith.constant 0 : index
    %get3A_0 = arith.constant 0 : index
    %get3A_1 = arith.constant 0 : index
    %get3A_2 = arith.constant 0 : index
    %get3A_3 = vector.load %arg1[%get3A, %get3A_0, %get3A_1, %get3A_2] : memref<1x3x512x512xf32, #tpu.memory_space<vmem>>, vector<1x3x512x512xf32>
    %get3A_4 = vector.shape_cast %get3A_3 : vector<1x3x512x512xf32> to vector<3x512x512xf32>
    %slice3A = vector.extract_strided_slice %get3A_4 {offsets = [2, 0, 0], sizes = [1, 512, 512], strides = [1, 1, 1]} : vector<3x512x512xf32> to vector<1x512x512xf32>
    %slice3A_5 = vector.extract_strided_slice %get3A_4 {offsets = [1, 0, 0], sizes = [1, 512, 512], strides = [1, 1, 1]} : vector<3x512x512xf32> to vector<1x512x512xf32>
    %slice3A_6 = vector.extract_strided_slice %get3A_4 {offsets = [0, 0, 0], sizes = [1, 512, 512], strides = [1, 1, 1]} : vector<3x512x512xf32> to vector<1x512x512xf32>
    %concatenate3A = tpu.concatenate %slice3A, %slice3A_5, %slice3A_6 in 0 : vector<1x512x512xf32>, vector<1x512x512xf32>, vector<1x512x512xf32> -> vector<3x512x512xf32>
    %reshape3A = vector.shape_cast %concatenate3A : vector<3x512x512xf32> to vector<3x32x16x32x16xf32>
    %transpose3A = tpu.transpose %reshape3A, [1, 3, 0, 2, 4] : vector<3x32x16x32x16xf32> -> vector<32x32x3x16x16xf32>
    %reshape3A_7 = vector.shape_cast %transpose3A : vector<32x32x3x16x16xf32> to vector<1024x768xf32>
    %get3A_8 = arith.constant 0 : index
    %get3A_9 = arith.constant 0 : index
    %get3A_10 = vector.load %arg2[%get3A_8, %get3A_9] : memref<1x768xf32, #tpu.memory_space<vmem>>, vector<1x768xf32>
    %sub3A = vector.broadcast %get3A_10 : vector<1x768xf32> to vector<1024x768xf32>
    %sub3A_11 = arith.subf %reshape3A_7, %sub3A : vector<1024x768xf32>
    %get3A_12 = arith.constant 0 : index
    %get3A_13 = arith.constant 0 : index
    %get3A_14 = vector.load %arg3[%get3A_12, %get3A_13] : memref<1x768xf32, #tpu.memory_space<vmem>>, vector<1x768xf32>
    %div3A = vector.broadcast %get3A_14 : vector<1x768xf32> to vector<1024x768xf32>
    %div3A_15 = arith.divf %sub3A_11, %div3A : vector<1024x768xf32>
    %get3A_16 = arith.constant 0 : index
    %get3A_17 = arith.constant 0 : index
    %get3A_18 = vector.load %arg4[%get3A_16, %get3A_17] : memref<768x256xf32, #tpu.memory_space<vmem>>, vector<768x256xf32>
    %dot_general3A = arith.constant dense<0.000000e+00> : vector<1024x256xf32>
    %dot_general3A_19 = tpu.matmul %div3A_15, %get3A_18, %dot_general3A {dimension_numbers = #tpu.dot_dimension_numbers<[1], [0], [0], [1], [0, 0, 1, 1], [], []>, transpose_lhs_hint = false} : vector<1024x768xf32>, vector<768x256xf32>, vector<1024x256xf32> -> vector<1024x256xf32>
    %get3A_20 = arith.constant 0 : index
    %get3A_21 = arith.constant 0 : index
    %get3A_22 = vector.load %arg5[%get3A_20, %get3A_21] : memref<1x256xf32, #tpu.memory_space<vmem>>, vector<1x256xf32>
    %add3A = vector.broadcast %get3A_22 : vector<1x256xf32> to vector<1024x256xf32>
    %add3A_23 = arith.addf %dot_general3A_19, %add3A : vector<1024x256xf32>
    %tanh3A = math.tanh %add3A_23 : vector<1024x256xf32>
    %get3A_24 = arith.constant 0 : index
    %get3A_25 = arith.constant 0 : index
    %get3A_26 = vector.load %arg8[%get3A_24, %get3A_25] : memref<256x80xf32, #tpu.memory_space<vmem>>, vector<256x80xf32>
    %dot_general3A_27 = arith.constant dense<0.000000e+00> : vector<1024x80xf32>
    %dot_general3A_28 = tpu.matmul %tanh3A, %get3A_26, %dot_general3A_27 {dimension_numbers = #tpu.dot_dimension_numbers<[1], [0], [0], [1], [0, 0, 1, 1], [], []>, transpose_lhs_hint = false} : vector<1024x256xf32>, vector<256x80xf32>, vector<1024x80xf32> -> vector<1024x80xf32>
    %get3A_29 = arith.constant 0 : index
    %get3A_30 = arith.constant 0 : index
    %get3A_31 = vector.load %arg9[%get3A_29, %get3A_30] : memref<1x80xf32, #tpu.memory_space<vmem>>, vector<1x80xf32>
    %add3A_32 = vector.broadcast %get3A_31 : vector<1x80xf32> to vector<1024x80xf32>
    %add3A_33 = arith.addf %dot_general3A_28, %add3A_32 : vector<1024x80xf32>
    %logistic3A = arith.negf %add3A_33 : vector<1024x80xf32>
    %logistic3A_34 = math.exp %logistic3A : vector<1024x80xf32>
    %logistic3A_35 = arith.constant 1.000000e+00 : f32
    %logistic3A_36 = vector.broadcast %logistic3A_35 : f32 to vector<1024x80xf32>
    %logistic3A_37 = arith.addf %logistic3A_36, %logistic3A_34 : vector<1024x80xf32>
    %logistic3A_38 = arith.divf %logistic3A_36, %logistic3A_37 : vector<1024x80xf32>
    %reduce_max3A = arith.constant dense<0xFF800000> : vector<1024xf32>
    %reduce_max3A_39 = vector.multi_reduction <maximumf>, %logistic3A_38, %reduce_max3A [1] : vector<1024x80xf32> to vector<1024xf32>
    %broadcast_in_dim3A = vector.shape_cast %reduce_max3A_39 : vector<1024xf32> to vector<1024x1xf32>
    %iota3A = tpu.iota {dimensions = array<i32: 1>} : vector<1x80xi32>
    %eq3A = vector.broadcast %broadcast_in_dim3A : vector<1024x1xf32> to vector<1024x80xf32>
    %eq3A_40 = arith.cmpf oeq, %logistic3A_38, %eq3A : vector<1024x80xf32>
    %jit3A = arith.constant 80 : i32
    %broadcast_in_dim3A_41 = vector.shape_cast %iota3A : vector<1x80xi32> to vector<1x80xi32>
    %broadcast_in_dim3A_42 = vector.broadcast %broadcast_in_dim3A_41 : vector<1x80xi32> to vector<1024x80xi32>
    %broadcast_in_dim3A_43 = vector.broadcast %jit3A : i32 to vector<1024x80xi32>
    %select_n3A = arith.select %eq3A_40, %broadcast_in_dim3A_42, %broadcast_in_dim3A_43 : vector<1024x80xi1>, vector<1024x80xi32>
    %reduce_min3A = arith.constant dense<2147483647> : vector<1024xi32>
    %reduce_min3A_44 = vector.multi_reduction <minsi>, %select_n3A, %reduce_min3A [1] : vector<1024x80xi32> to vector<1024xi32>
    %broadcast_in_dim3A_45 = vector.shape_cast %reduce_min3A_44 : vector<1024xi32> to vector<1024x1xi32>
    %get3A_46 = arith.constant 0 : index
    %get3A_47 = arith.constant 0 : index
    %get3A_48 = vector.load %arg6[%get3A_46, %get3A_47] : memref<256x4xf32, #tpu.memory_space<vmem>>, vector<256x4xf32>
    %dot_general3A_49 = arith.constant dense<0.000000e+00> : vector<1024x4xf32>
    %dot_general3A_50 = tpu.matmul %tanh3A, %get3A_48, %dot_general3A_49 {dimension_numbers = #tpu.dot_dimension_numbers<[1], [0], [0], [1], [0, 0, 1, 1], [], []>, transpose_lhs_hint = false} : vector<1024x256xf32>, vector<256x4xf32>, vector<1024x4xf32> -> vector<1024x4xf32>
    %get3A_51 = arith.constant 0 : index
    %get3A_52 = arith.constant 0 : index
    %get3A_53 = vector.load %arg7[%get3A_51, %get3A_52] : memref<1x4xf32, #tpu.memory_space<vmem>>, vector<1x4xf32>
    %add3A_54 = vector.broadcast %get3A_53 : vector<1x4xf32> to vector<1024x4xf32>
    %add3A_55 = arith.addf %dot_general3A_50, %add3A_54 : vector<1024x4xf32>
    %logistic3A_56 = arith.negf %add3A_55 : vector<1024x4xf32>
    %logistic3A_57 = math.exp %logistic3A_56 : vector<1024x4xf32>
    %logistic3A_58 = arith.constant 1.000000e+00 : f32
    %logistic3A_59 = vector.broadcast %logistic3A_58 : f32 to vector<1024x4xf32>
    %logistic3A_60 = arith.addf %logistic3A_59, %logistic3A_57 : vector<1024x4xf32>
    %logistic3A_61 = arith.divf %logistic3A_59, %logistic3A_60 : vector<1024x4xf32>
    %convert_element_type3A = arith.sitofp %broadcast_in_dim3A_45 : vector<1024x1xi32> to vector<1024x1xf32>
    %broadcast_in_dim3A_62 = arith.constant 0.000000e+00 : f32
    %broadcast_in_dim3A_63 = vector.broadcast %broadcast_in_dim3A_62 : f32 to vector<1024x2xf32>
    %concatenate3A_64 = tpu.concatenate %logistic3A_61, %broadcast_in_dim3A, %convert_element_type3A, %broadcast_in_dim3A_63 in 1 : vector<1024x4xf32>, vector<1024x1xf32>, vector<1024x1xf32>, vector<1024x2xf32> -> vector<1024x8xf32>
    %transpose3A_65 = tpu.transpose %concatenate3A_64, [1, 0] : vector<1024x8xf32> -> vector<8x1024xf32>
    %swap3A = arith.constant 0 : index
    %swap3A_66 = arith.constant 0 : index
    %swap3A_67 = arith.constant 0 : index
    %swap3A_68 = vector.load %arg10[%swap3A, %swap3A_66, %swap3A_67] : memref<1x8x1024xf32, #tpu.memory_space<vmem>>, vector<1x8x1024xf32>
    %swap3A_69 = vector.shape_cast %swap3A_68 : vector<1x8x1024xf32> to vector<8x1024xf32>
    %swap3A_70 = vector.shape_cast %transpose3A_65 : vector<8x1024xf32> to vector<1x8x1024xf32>
    tpu.vector_store %arg10[%swap3A, %swap3A_66, %swap3A_67], %swap3A_70 {strides = array<i32>} : memref<1x8x1024xf32, #tpu.memory_space<vmem>>, vector<1x8x1024xf32>,
    %slice3A_71 = vector.extract_strided_slice %transpose3A_65 {offsets = [4, 0], sizes = [1, 1024], strides = [1, 1]} : vector<8x1024xf32> to vector<1x1024xf32>
    %iota3A_72 = tpu.iota {dimensions = array<i32: 1>} : vector<1x1024xi32>
    %broadcast_in_dim3A_73 = arith.constant 0 : i32
    %broadcast_in_dim3A_74 = vector.broadcast %broadcast_in_dim3A_73 : i32 to vector<1x1024xi32>
    %slice3A_75 = vector.extract_strided_slice %broadcast_in_dim3A {offsets = [0, 0], sizes = [256, 1], strides = [1, 1]} : vector<1024x1xf32> to vector<256x1xf32>
    %iota3A_76 = tpu.iota {dimensions = array<i32: 0>} : vector<256x1xi32>
    %add3A_77 = arith.constant 0 : i32
    %add3A_78 = vector.broadcast %add3A_77 : i32 to vector<256x1xi32>
    %add3A_79 = arith.addi %iota3A_76, %add3A_78 : vector<256x1xi32>
    %gt3A = vector.broadcast %slice3A_75 : vector<256x1xf32> to vector<256x1024xf32>
    %gt3A_80 = vector.broadcast %slice3A_71 : vector<1x1024xf32> to vector<256x1024xf32>
    %gt3A_81 = arith.cmpf ogt, %gt3A, %gt3A_80 : vector<256x1024xf32>
    %eq3A_82 = vector.broadcast %slice3A_75 : vector<256x1xf32> to vector<256x1024xf32>
    %eq3A_83 = vector.broadcast %slice3A_71 : vector<1x1024xf32> to vector<256x1024xf32>
    %eq3A_84 = arith.cmpf oeq, %eq3A_82, %eq3A_83 : vector<256x1024xf32>
    %lt3A = vector.broadcast %add3A_79 : vector<256x1xi32> to vector<256x1024xi32>
    %lt3A_85 = vector.broadcast %iota3A_72 : vector<1x1024xi32> to vector<256x1024xi32>
    %lt3A_86 = arith.cmpi slt, %lt3A, %lt3A_85 : vector<256x1024xi32>
    %and3A = arith.andi %eq3A_84, %lt3A_86 : vector<256x1024xi1>
    %or3A = arith.ori %gt3A_81, %and3A : vector<256x1024xi1>
    %convert_element_type3A_87 = arith.extui %or3A : vector<256x1024xi1> to vector<256x1024xi32>
    %reduce_sum3A = arith.constant dense<0> : vector<1024xi32>
    %reduce_sum3A_88 = vector.multi_reduction <add>, %convert_element_type3A_87, %reduce_sum3A [0] : vector<256x1024xi32> to vector<1024xi32>
    %broadcast_in_dim3A_89 = vector.shape_cast %reduce_sum3A_88 : vector<1024xi32> to vector<1x1024xi32>
    %add3A_90 = arith.addi %broadcast_in_dim3A_74, %broadcast_in_dim3A_89 : vector<1x1024xi32>
    %slice3A_91 = vector.extract_strided_slice %broadcast_in_dim3A {offsets = [256, 0], sizes = [256, 1], strides = [1, 1]} : vector<1024x1xf32> to vector<256x1xf32>
    %iota3A_92 = tpu.iota {dimensions = array<i32: 0>} : vector<256x1xi32>
    %add3A_93 = arith.constant 256 : i32
    %add3A_94 = vector.broadcast %add3A_93 : i32 to vector<256x1xi32>
    %add3A_95 = arith.addi %iota3A_92, %add3A_94 : vector<256x1xi32>
    %gt3A_96 = vector.broadcast %slice3A_91 : vector<256x1xf32> to vector<256x1024xf32>
    %gt3A_97 = vector.broadcast %slice3A_71 : vector<1x1024xf32> to vector<256x1024xf32>
    %gt3A_98 = arith.cmpf ogt, %gt3A_96, %gt3A_97 : vector<256x1024xf32>
    %eq3A_99 = vector.broadcast %slice3A_91 : vector<256x1xf32> to vector<256x1024xf32>
    %eq3A_100 = vector.broadcast %slice3A_71 : vector<1x1024xf32> to vector<256x1024xf32>
    %eq3A_101 = arith.cmpf oeq, %eq3A_99, %eq3A_100 : vector<256x1024xf32>
    %lt3A_102 = vector.broadcast %add3A_95 : vector<256x1xi32> to vector<256x1024xi32>
    %lt3A_103 = vector.broadcast %iota3A_72 : vector<1x1024xi32> to vector<256x1024xi32>
    %lt3A_104 = arith.cmpi slt, %lt3A_102, %lt3A_103 : vector<256x1024xi32>
    %and3A_105 = arith.andi %eq3A_101, %lt3A_104 : vector<256x1024xi1>
    %or3A_106 = arith.ori %gt3A_98, %and3A_105 : vector<256x1024xi1>
    %convert_element_type3A_107 = arith.extui %or3A_106 : vector<256x1024xi1> to vector<256x1024xi32>
    %reduce_sum3A_108 = arith.constant dense<0> : vector<1024xi32>
    %reduce_sum3A_109 = vector.multi_reduction <add>, %convert_element_type3A_107, %reduce_sum3A_108 [0] : vector<256x1024xi32> to vector<1024xi32>
    %broadcast_in_dim3A_110 = vector.shape_cast %reduce_sum3A_109 : vector<1024xi32> to vector<1x1024xi32>
    %add3A_111 = arith.addi %add3A_90, %broadcast_in_dim3A_110 : vector<1x1024xi32>
    %slice3A_112 = vector.extract_strided_slice %broadcast_in_dim3A {offsets = [512, 0], sizes = [256, 1], strides = [1, 1]} : vector<1024x1xf32> to vector<256x1xf32>
    %iota3A_113 = tpu.iota {dimensions = array<i32: 0>} : vector<256x1xi32>
    %add3A_114 = arith.constant 512 : i32
    %add3A_115 = vector.broadcast %add3A_114 : i32 to vector<256x1xi32>
    %add3A_116 = arith.addi %iota3A_113, %add3A_115 : vector<256x1xi32>
    %gt3A_117 = vector.broadcast %slice3A_112 : vector<256x1xf32> to vector<256x1024xf32>
    %gt3A_118 = vector.broadcast %slice3A_71 : vector<1x1024xf32> to vector<256x1024xf32>
    %gt3A_119 = arith.cmpf ogt, %gt3A_117, %gt3A_118 : vector<256x1024xf32>
    %eq3A_120 = vector.broadcast %slice3A_112 : vector<256x1xf32> to vector<256x1024xf32>
    %eq3A_121 = vector.broadcast %slice3A_71 : vector<1x1024xf32> to vector<256x1024xf32>
    %eq3A_122 = arith.cmpf oeq, %eq3A_120, %eq3A_121 : vector<256x1024xf32>
    %lt3A_123 = vector.broadcast %add3A_116 : vector<256x1xi32> to vector<256x1024xi32>
    %lt3A_124 = vector.broadcast %iota3A_72 : vector<1x1024xi32> to vector<256x1024xi32>
    %lt3A_125 = arith.cmpi slt, %lt3A_123, %lt3A_124 : vector<256x1024xi32>
    %and3A_126 = arith.andi %eq3A_122, %lt3A_125 : vector<256x1024xi1>
    %or3A_127 = arith.ori %gt3A_119, %and3A_126 : vector<256x1024xi1>
    %convert_element_type3A_128 = arith.extui %or3A_127 : vector<256x1024xi1> to vector<256x1024xi32>
    %reduce_sum3A_129 = arith.constant dense<0> : vector<1024xi32>
    %reduce_sum3A_130 = vector.multi_reduction <add>, %convert_element_type3A_128, %reduce_sum3A_129 [0] : vector<256x1024xi32> to vector<1024xi32>
    %broadcast_in_dim3A_131 = vector.shape_cast %reduce_sum3A_130 : vector<1024xi32> to vector<1x1024xi32>
    %add3A_132 = arith.addi %add3A_111, %broadcast_in_dim3A_131 : vector<1x1024xi32>
    %slice3A_133 = vector.extract_strided_slice %broadcast_in_dim3A {offsets = [768, 0], sizes = [256, 1], strides = [1, 1]} : vector<1024x1xf32> to vector<256x1xf32>
    %iota3A_134 = tpu.iota {dimensions = array<i32: 0>} : vector<256x1xi32>
    %add3A_135 = arith.constant 768 : i32
    %add3A_136 = vector.broadcast %add3A_135 : i32 to vector<256x1xi32>
    %add3A_137 = arith.addi %iota3A_134, %add3A_136 : vector<256x1xi32>
    %gt3A_138 = vector.broadcast %slice3A_133 : vector<256x1xf32> to vector<256x1024xf32>
    %gt3A_139 = vector.broadcast %slice3A_71 : vector<1x1024xf32> to vector<256x1024xf32>
    %gt3A_140 = arith.cmpf ogt, %gt3A_138, %gt3A_139 : vector<256x1024xf32>
    %eq3A_141 = vector.broadcast %slice3A_133 : vector<256x1xf32> to vector<256x1024xf32>
    %eq3A_142 = vector.broadcast %slice3A_71 : vector<1x1024xf32> to vector<256x1024xf32>
    %eq3A_143 = arith.cmpf oeq, %eq3A_141, %eq3A_142 : vector<256x1024xf32>
    %lt3A_144 = vector.broadcast %add3A_137 : vector<256x1xi32> to vector<256x1024xi32>
    %lt3A_145 = vector.broadcast %iota3A_72 : vector<1x1024xi32> to vector<256x1024xi32>
    %lt3A_146 = arith.cmpi slt, %lt3A_144, %lt3A_145 : vector<256x1024xi32>
    %and3A_147 = arith.andi %eq3A_143, %lt3A_146 : vector<256x1024xi1>
    %or3A_148 = arith.ori %gt3A_140, %and3A_147 : vector<256x1024xi1>
    %convert_element_type3A_149 = arith.extui %or3A_148 : vector<256x1024xi1> to vector<256x1024xi32>
    %reduce_sum3A_150 = arith.constant dense<0> : vector<1024xi32>
    %reduce_sum3A_151 = vector.multi_reduction <add>, %convert_element_type3A_149, %reduce_sum3A_150 [0] : vector<256x1024xi32> to vector<1024xi32>
    %broadcast_in_dim3A_152 = vector.shape_cast %reduce_sum3A_151 : vector<1024xi32> to vector<1x1024xi32>
    %add3A_153 = arith.addi %add3A_132, %broadcast_in_dim3A_152 : vector<1x1024xi32>
    %swap3A_154 = arith.constant 0 : index
    %swap3A_155 = arith.constant 0 : index
    %swap3A_156 = arith.constant 0 : index
    %swap3A_157 = vector.load %arg11[%swap3A_154, %swap3A_155, %swap3A_156] : memref<1x1x1024xi32, #tpu.memory_space<vmem>>, vector<1x1x1024xi32>
    %swap3A_158 = vector.shape_cast %swap3A_157 : vector<1x1x1024xi32> to vector<1x1024xi32>
    %swap3A_159 = vector.shape_cast %add3A_153 : vector<1x1024xi32> to vector<1x1x1024xi32>
    tpu.vector_store %arg11[%swap3A_154, %swap3A_155, %swap3A_156], %swap3A_159 {strides = array<i32>} : memref<1x1x1024xi32, #tpu.memory_space<vmem>>, vector<1x1x1024xi32>,
    return
  }
  func.func @transform_0(%arg0: i32) -> (i32, i32, i32, i32) {
    %c0_i32 = arith.constant 0 : i32
    %c0_i32_0 = arith.constant 0 : i32
    %c0_i32_1 = arith.constant 0 : i32
    %c0_i32_2 = arith.constant 0 : i32
    return %arg0, %c0_i32, %c0_i32_0, %c0_i32_1 : i32, i32, i32, i32
  }
  func.func @transform_1(%arg0: i32) -> (i32, i32) {
    %c0_i32 = arith.constant 0 : i32
    %c0_i32_0 = arith.constant 0 : i32
    %c0_i32_1 = arith.constant 0 : i32
    return %c0_i32, %c0_i32_0 : i32, i32
  }
  func.func @transform_2(%arg0: i32) -> (i32, i32) {
    %c0_i32 = arith.constant 0 : i32
    %c0_i32_0 = arith.constant 0 : i32
    %c0_i32_1 = arith.constant 0 : i32
    return %c0_i32, %c0_i32_0 : i32, i32
  }
  func.func @transform_3(%arg0: i32) -> (i32, i32) {
    %c0_i32 = arith.constant 0 : i32
    %c0_i32_0 = arith.constant 0 : i32
    %c0_i32_1 = arith.constant 0 : i32
    return %c0_i32, %c0_i32_0 : i32, i32
  }
  func.func @transform_4(%arg0: i32) -> (i32, i32) {
    %c0_i32 = arith.constant 0 : i32
    %c0_i32_0 = arith.constant 0 : i32
    %c0_i32_1 = arith.constant 0 : i32
    return %c0_i32, %c0_i32_0 : i32, i32
  }
  func.func @transform_5(%arg0: i32) -> (i32, i32) {
    %c0_i32 = arith.constant 0 : i32
    %c0_i32_0 = arith.constant 0 : i32
    %c0_i32_1 = arith.constant 0 : i32
    return %c0_i32, %c0_i32_0 : i32, i32
  }
  func.func @transform_6(%arg0: i32) -> (i32, i32) {
    %c0_i32 = arith.constant 0 : i32
    %c0_i32_0 = arith.constant 0 : i32
    %c0_i32_1 = arith.constant 0 : i32
    return %c0_i32, %c0_i32_0 : i32, i32
  }
  func.func @transform_7(%arg0: i32) -> (i32, i32) {
    %c0_i32 = arith.constant 0 : i32
    %c0_i32_0 = arith.constant 0 : i32
    %c0_i32_1 = arith.constant 0 : i32
    return %c0_i32, %c0_i32_0 : i32, i32
  }
  func.func @transform_8(%arg0: i32) -> (i32, i32) {
    %c0_i32 = arith.constant 0 : i32
    %c0_i32_0 = arith.constant 0 : i32
    %c0_i32_1 = arith.constant 0 : i32
    return %c0_i32, %c0_i32_0 : i32, i32
  }
  func.func @transform_9(%arg0: i32) -> (i32, i32, i32) {
    %c0_i32 = arith.constant 0 : i32
    %c0_i32_0 = arith.constant 0 : i32
    %c0_i32_1 = arith.constant 0 : i32
    return %arg0, %c0_i32, %c0_i32_0 : i32, i32, i32
  }
  func.func @transform_10(%arg0: i32) -> (i32, i32, i32) {
    %c0_i32 = arith.constant 0 : i32
    %c0_i32_0 = arith.constant 0 : i32
    %c0_i32_1 = arith.constant 0 : i32
    return %arg0, %c0_i32, %c0_i32_0 : i32, i32, i32
  }
}

</mosaic_0001>

<sc_bundles>
// kernel: kernel.4.cloned.1.call-start
scs
__scs_entry_jumppad:
0x0: {  	(pc) =	sbr.rel $0x88, $3  }
0x1: {  	(tag) =	ssettag $0x0;
	lr =	simm.s32 $0x1  }
0x2: {  	[smem:$0x3F9A] =	sst lr;
	_ =	strace $0xD0000000  }
0x3: {  	_ = 	snop  }
0x4: {  	_ = 	snop  }
0x5: {  	_ = 	snop  }
0x6: {  	_ = 	snop  }
0x7: {  	_ = 	snop  }
__scs_overlays_trampoline_lowered:
0x8: {  	[smem:$0x3FA9] =	sst s0  }
0x9: {  	[smem:$0x3FAA] =	sst s1  }
0xa: {  	[smem:$0x3FAB] =	sst s2  }
0xb: {  	[smem:$0x3FAC] =	sst s3  }
0xc: {  	[smem:$0x3FAD] =	sst s4  }
0xd: {  	[smem:$0x3FAE] =	sst s5  }
0xe: {  	[smem:$0x3FAF] =	sst s6  }
0xf: {  	[smem:$0x3FB0] =	sst s7  }
0x10: {  	[smem:$0x3FB1] =	sst s8  }
0x11: {  	[smem:$0x3FB2] =	sst s9;
	s0 =	simm.s32 @!p0 $0x0  }
0x12: {  	s1 =	sld [smem:$0x3F98];
	s0 =	simm.s32 @p0 $0x1  }
0x13: {  	[smem:$0x3FB3] =	sst s0;
	s0 =	simm.s32 @!p1 $0x0  }
0x14: {  	s2 =	sld [smem:$0x3F97];
	s0 =	simm.s32 @p1 $0x1  }
0x15: {  	[smem:$0x3FB4] =	sst s0;
	s0 =	simm.s32 @!p2 $0x0  }
0x16: {  	s3 =	sld [smem:$0x3FDB];
	s0 =	simm.s32 @p2 $0x1  }
0x17: {  	s4 =	simm.s32 $0x1BF5;
	[smem:$0x3FB6] =	sst s0  }
0x18: {  	s0 =	sld [smem:$0x3F99];
	_ =	swait.ge [sflag:s4], $0x0  }
0x19: {  	s7 =	sld [smem:$0x3F9A]  }
0x1a: {  	s8 =	sadd.s32 $0xFFFFE003, lr  }
0x1b: {  	s9 =	sadd.s32 $0xFFFFFEF7, lr;
	s5 =	simm.s32 $0xFFFFFFFF;
	p2 =	slt.u32 s8, $0xFFFFF086  }
0x1c: {  	p1 =	slt.u32 s9, $0xF7A;
	s5 =	simm.s32 @!p2 $0x0  }
0x1d: {  	s5 =	simm.s32 @p1 $0x1;
	p0 =	seq.s32 s7, s2  }
0x1e: {  	s7 =	smul.u32 @!p0 $0xF7A, s2;
	p2 =	seq.s32 @!p0 s5, $0x0  }
0x1f: {  	s9 =	smul.u32 $0xF7A, s1;
	s8 =	simm.s32 @!p0 $0x1BF5;
	p2 =	por !p2, p0  }
0x20: {  	[sflag:s8] =	ssyncset.s32 @!p0 $0xFFFFF086;
	s6 =	sadd.s32 @!p0 s3, s7;
	s7 =	simm.s32 @!p0 $0x108  }
0x21: {  	s3 =	sadd.s32 s3, s9;
	s6 =	sadd.s32 @!p0 $0x88, s6;
	s7 =	simm.s32 @p2 $0x1082  }
0x22: {  	[simem:s7], [sflag:s8] =	dma.local @!p0 [hbm:s6], $0xF7A  }
0x23: {  	s9 =	sor.u32 $0xD0000000, s2;
	s6 =	simm.s32 $0x108;
	_ =	swait.ge @!p0 [sflag:s8], $0x0  }
0x24: {  	s3 =	sadd.s32 $0x88, s3;
	s6 =	simm.s32 @!p1 $0x1082;
	[sflag:s4] =	ssyncset.s32 $0xFFFFF086  }
0x25: {  	[simem:s6], [sflag:s4] =	dma.local [hbm:s3], $0xF7A  }
0x26: {  	[smem:$0x3F9A] =	sst s1;
	(tag) =	ssettag s2;
	_ =	strace s9  }
0x27: {  	s1 =	sld [smem:$0x3FAA]  }
0x28: {  	s2 =	sld [smem:$0x3FAB]  }
0x29: {  	s4 =	sld [smem:$0x3FAD]  }
0x2a: {  	p0 =	seq.s32 s5, $0x0;
	s5 =	sld [smem:$0x3FAE]  }
0x2b: {  	s6 =	sld [smem:$0x3FAF]  }
0x2c: {  	s7 =	sld [smem:$0x3FB0]  }
0x2d: {  	s3 =	simm.s32 $0x108;
	s8 =	sld [smem:$0x3FB1]  }
0x2e: {  	s3 =	simm.s32 @!p0 $0x1082;
	s9 =	sld [smem:$0x3FB2]  }
0x2f: {  	lr =	sadd.s32 s0, s3;
	s0 =	sld [smem:$0x3FA9]  }
0x30: {  	s3 =	sld [smem:$0x3FAC]  }
0x31: {  	[smem:$0x3FB5] =	sst s10  }
0x32: {  	s10 =	sld [smem:$0x3FB3];
	_ =	sdelay $0x3  }
0x33: {  	p0 =	seq.s32 s10, $0x1;
	s10 =	sld [smem:$0x3FB5];
	_ =	sdelay $0x3  }
0x34: {  	[smem:$0x3FB5] =	sst s10  }
0x35: {  	s10 =	sld [smem:$0x3FB4];
	_ =	sdelay $0x3  }
0x36: {  	p1 =	seq.s32 s10, $0x1;
	s10 =	sld [smem:$0x3FB5];
	_ =	sdelay $0x3  }
0x37: {  	[smem:$0x3FB5] =	sst s10  }
0x38: {  	s10 =	sld [smem:$0x3FB6]  }
0x39: {  	_ = 	snop;
	(pc) =	sbr.ind lr, $3  }
0x3a: {  	_ = 	snop  }
0x3b: {  	_ = 	snop  }
0x3c: {  	p2 =	seq.s32 s10, $0x1;
	s10 =	sld [smem:$0x3FB5]  }
0x3d: {  	_ =	shalt  }
0x3e: {  	_ =	shalt  }
0x3f: {  	_ =	shalt  }
0x40: {  	_ =	shalt  }
0x41: {  	_ =	shalt  }
0x42: {  	_ =	shalt  }
0x43: {  	_ =	shalt  }
0x44: {  	_ =	shalt  }
0x45: {  	_ =	shalt  }
0x46: {  	_ =	shalt  }
0x47: {  	_ =	shalt  }
0x48: {  	_ =	shalt  }
0x49: {  	_ =	shalt  }
0x4a: {  	_ =	shalt  }
0x4b: {  	_ =	shalt  }
0x4c: {  	_ =	shalt  }
0x4d: {  	_ =	shalt  }
0x4e: {  	_ =	shalt  }
0x4f: {  	_ =	shalt  }
0x50: {  	_ =	shalt  }
0x51: {  	_ =	shalt  }
0x52: {  	_ =	shalt  }
0x53: {  	_ =	shalt  }
0x54: {  	_ =	shalt  }
0x55: {  	_ =	shalt  }
0x56: {  	_ =	shalt  }
0x57: {  	_ =	shalt  }
0x58: {  	_ =	shalt  }
0x59: {  	_ =	shalt  }
0x5a: {  	_ =	shalt  }
0x5b: {  	_ =	shalt  }
0x5c: {  	_ =	shalt  }
0x5d: {  	_ =	shalt  }
0x5e: {  	_ =	shalt  }
0x5f: {  	_ =	shalt  }
0x60: {  	_ =	shalt  }
0x61: {  	_ =	shalt  }
0x62: {  	_ =	shalt  }
0x63: {  	_ =	shalt  }
0x64: {  	_ =	shalt  }
0x65: {  	_ =	shalt  }
0x66: {  	_ =	shalt  }
0x67: {  	_ =	shalt  }
0x68: {  	_ =	shalt  }
0x69: {  	_ =	shalt  }
0x6a: {  	_ =	shalt  }
0x6b: {  	_ =	shalt  }
0x6c: {  	_ =	shalt  }
0x6d: {  	_ =	shalt  }
0x6e: {  	_ =	shalt  }
0x6f: {  	_ =	shalt  }
0x70: {  	_ =	shalt  }
0x71: {  	_ =	shalt  }
0x72: {  	_ =	shalt  }
0x73: {  	_ =	shalt  }
0x74: {  	_ =	shalt  }
0x75: {  	_ =	shalt  }
0x76: {  	_ =	shalt  }
0x77: {  	_ =	shalt  }
0x78: {  	_ =	shalt  }
0x79: {  	_ =	shalt  }
0x7a: {  	_ =	shalt  }
0x7b: {  	_ =	shalt  }
0x7c: {  	_ =	shalt  }
0x7d: {  	_ =	shalt  }
0x7e: {  	_ =	shalt  }
0x7f: {  	_ =	shalt  }
0x80: {  	_ =	shalt  }
0x81: {  	_ =	shalt  }
0x82: {  	_ =	shalt  }
0x83: {  	_ =	shalt  }
0x84: {  	_ =	shalt  }
0x85: {  	_ =	shalt  }
0x86: {  	_ =	shalt  }
0x87: {  	_ =	shalt  }
.Lfunc_end0:
.L_simem_size_0:
called_computation_lowered:
.L_overlay_start_0:
0x88: {  	s2 =	sld [smem:$0x3FD9]  }
0x89: {  	s3 =	sld [smem:$0x3FFE];
	_ =	sdelay $0x1  }
0x8a: {  	s1 =	srdreg.scid  }
0x8b: {  	s0 =	sand.u32 $0x1, s1  }
0x8c: {  	s17 =	sshll.u32 s0, $0xA;
	s2 =	sadd.s32 s3, s2  }
0x8d: {  	s2 =	sadd.s32 s2, s17  }
0x8e: {  	[smem:$0x3FC1] =	sst s2  }
0x8f: {  	_ = 	snop  }
0x90: {  	s2 =	sld [smem:$0x3FD0];
	(tm) =	ssettm $0x1  }
0x91: {  	s18 =	sld [smem:$0x3FFB];
	_ =	sdelay $0x3  }
0x92: {  	_ =	strace s18  }
0x93: {  	s3 =	sld [smem:$0x3FFC];
	_ =	sdelay $0x3  }
0x94: {  	_ =	strace s3  }
0x95: {  	s3 =	sld [smem:$0x3FFD];
	_ =	sdelay $0x3  }
0x96: {  	_ =	strace s3  }
0x97: {  	_ =	strace $0x8FFFFFFF  }
0x98: {  	s19 =	sld [smem:$0x3FDB];
	_ =	sdelay $0x1  }
0x99: {  	s4 =	simm.s32 $_scs_section_size  }
0x9a: {  	s5 =	simm.s32 $_size__tile_overlayer_lowered;
	s6 =	simm.s32 $_tile_overlayer_lowered  }
0x9b: {  	s22 =	simm.s32 $0x1BFF;
	s21 =	sshll.u32 s6, $0x1;
	s3 =	sadd.s32 s4, s19  }
0x9c: {  	s7 =	simm.s32 $0x0;
	s20 =	sshll.u32 s5, $0x1;
	s5 =	sadd.s32 s21, s3  }
0x9d: {  	[timem:s7], [sflag:s22] =	dma.local [hbm:s5], s20  }
0x9e: {  	_ =	swait.ge [sflag:s22], s20  }
0x9f: {  	s4 =	ssub.s32 $0x0, s20;
	[sflag:s22] =	ssyncset.done $0x0  }
0xa0: {  	[sflag:s22] =	ssyncadd.s32 s4;
	_ =	sdelay $0x1  }
0xa1: {  	s23 =	simm.s32 $0x1B8B  }
0xa2: {  	_ =	swait.ge [sflag:s23], $0x1  }
0xa3: {  	[sflag:s23] =	ssyncset.done $0x0  }
0xa4: {  	s25 =	simm.s32 $0x1B8E;
	s24 =	sld [smem:$0x3FFE];
	[sflag:s23] =	ssyncadd.s32 $0xFFFFFFFF  }
0xa5: {  	s26 =	simm.s32 $execute0_lowered;
	[smem:$0x3FD2] =	sst s25  }
0xa6: {  	s5 =	sshll.u32 s26, $0x1;
	_ =	strace $0x80000046;
	[dreg:$0x1] =	wrdreg $0xFFFFFFFF  }
0xa7: {  	s28 =	simm.s32 $_size_execute0_lowered;
	s3 =	sadd.s32 s3, s5;
	[dreg:$0x0] =	wrdreg $0x0  }
0xa8: {  	s5 =	sshll.u32 s28, $0x1;
	[dreg:$0x2] =	wrdreg s3  }
0xa9: {  	[dreg:$0x3] =	wrdreg s5  }
0xaa: {  	[dreg:$0x4] =	wrdreg $0xC0  }
0xab: {  	_ =	task [dreg:s7], $0x5FFFF  }
0xac: {  	[dreg:$0x1] =	wrdreg $0xFFFFFFFF  }
0xad: {  	[dreg:$0x0] =	wrdreg $0x60  }
0xae: {  	[dreg:$0x2] =	wrdreg s24  }
0xaf: {  	[dreg:$0x3] =	wrdreg s2  }
0xb0: {  	[dreg:$0x4] =	wrdreg $0x9  }
0xb1: {  	_ =	task.clear_ibuf [dreg:s7], $0x5FFFF;
	_ =	strace $0x90000046  }
0xb2: {  	s29 =	simm.s32 $0x9;
	_ =	strace $0x80000048  }
0xb3: {  	_ =	swait.ge [sflag:s29], $0x1  }
0xb4: {  	[sflag:s29] =	ssyncadd.s32 $0xFFFFFFFF  }
0xb5: {  	_ =	strace $0x90000048  }
0xb6: {  	_ =	sfence  }
0xb7: {  	s30 =	sld [smem:$0x0];
	_ =	sdelay $0x2  }
0xb8: {  	s31 =	sshll.u32 s1, $0xD;
	s1 =	sshrl.u32 s1, $0x2  }
0xb9: {  	s3 =	sand.u32 $0x4000, s31;
	s1 =	sadd.s32 s1, s30  }
0xba: {  	s0 =	sor.u32 s3, s0;
	s1 =	sshll.u32 s1, $0x11  }
0xbb: {  	s0 =	sor.u32 s1, s0  }
0xbc: {  	s0 =	sadd.s32 $0x8F2B, s0  }
0xbd: {  	[sflag:s0] =	ssyncadd.remote.s32 $0x1  }
0xbe: {  	_ =	sfence.sel $0xFFFF  }
0xbf: {  	[dreg:$0x0] =	wrdreg $0xFFFFFFFF;
	(pc) =	sbr.abs _section_cstart, $3  }
0xc0: {  	[dreg:$0x1] =	wrdreg $0xFFFFFFFF  }
0xc1: {  	_ =	task.clear_ibuf [dreg:s7], $0x2FFFF;
	_ =	strace $0x9FFFFFFF  }
0xc2: {  	(tm) =	ssettm $0x7FFFFFFF  }
0xc3: {  	_ =	shalt  }
tec
execute0_lowered:
.L_overlay_start_1:
0x0: {  	(tag) =	ssettag $0x1  }
0x1: {  	s1 =	stileid.u32  }
0x2: {  	p0 =	sgt.u32 s1, $0x3  }
.Ltmp0:
0x3: {  	_ = 	snop;
	(pc) =	sbr.rel @p0 .LBB2_3-.Ltmp0, $4  }
0x4: {  	s3 =	rddreg [dreg:$0x0]  }
0x5: {  	s5 =	rddreg [dreg:$0x1];
	s2 =	simm.s32 $0x0  }
0x6: {  	[smem:$0x7FF] =	sst s2  }
0x7: {  	s0 =	rddreg [dreg:$0x2];
	_ =	strace $0x80000047  }
0x8: {  	v0 =	vlaneseq.u32  }
0x9: {  	v1 =	vor.u32 $0x10, v0;
	v4 =	vor.u32 $0x40, v0;
	v5 =	vor.u32 $0x50, v0  }
0xa: {  	v6 =	vor.u32 $0x60, v0;
	v7 =	vor.u32 $0x70, v0;
	v8 =	vor.u32 $0x80, v0  }
0xb: {  	v9 =	vor.u32 $0x90, v0;
	v10 =	vor.u32 $0xA0, v0;
	v11 =	vor.u32 $0xB0, v0  }
0xc: {  	v12 =	vor.u32 $0xC0, v0;
	v13 =	vor.u32 $0xD0, v0;
	v14 =	vor.u32 $0xE0, v0  }
0xd: {  	v15 =	vor.u32 $0xF0, v0;
	v16 =	vor.u32 $0x100, v0;
	v17 =	vor.u32 $0x110, v0  }
0xe: {  	v18 =	vor.u32 $0x120, v0;
	v19 =	vor.u32 $0x130, v0;
	v20 =	vor.u32 $0x140, v0  }
0xf: {  	v21 =	vor.u32 $0x150, v0;
	v22 =	vor.u32 $0x160, v0;
	v23 =	vor.u32 $0x170, v0  }
0x10: {  	v24 =	vor.u32 $0x180, v0;
	v25 =	vor.u32 $0x190, v0;
	v26 =	vor.u32 $0x1A0, v0  }
0x11: {  	v27 =	vor.u32 $0x1B0, v0;
	v28 =	vor.u32 $0x1C0, v0;
	v29 =	vor.u32 $0x1D0, v0  }
0x12: {  	v30 =	vor.u32 $0x1E0, v0;
	v31 =	vor.u32 $0x1F0, v0;
	v32 =	vor.u32 $0x200, v0  }
0x13: {  	v33 =	vor.u32 $0x210, v0;
	v34 =	vor.u32 $0x220, v0;
	v35 =	vor.u32 $0x230, v0  }
0x14: {  	v36 =	vor.u32 $0x240, v0;
	v37 =	vor.u32 $0x250, v0;
	v38 =	vor.u32 $0x260, v0  }
0x15: {  	v39 =	vor.u32 $0x270, v0;
	v40 =	vor.u32 $0x280, v0;
	v41 =	vor.u32 $0x290, v0  }
0x16: {  	s4 =	srdreg.scid;
	v42 =	vor.u32 $0x2A0, v0;
	v43 =	vor.u32 $0x2B0, v0;
	v44 =	vor.u32 $0x2C0, v0  }
0x17: {  	s6 =	sshll.u32 s1, $0x1;
	s4 =	sand.u32 $0x1, s4;
	v45 =	vor.u32 $0x2D0, v0;
	v46 =	vor.u32 $0x2E0, v0;
	v47 =	vor.u32 $0x2F0, v0  }
0x18: {  	s10 =	simm.s32 $0x2400;
	s11 =	simm.s32 $0x2800;
	v48 =	vor.u32 $0x300, v0;
	v49 =	vor.u32 $0x310, v0;
	v50 =	vor.u32 $0x320, v0;
	s6 =	sor.u32 s4, s6  }
0x19: {  	v51 =	vor.u32 $0x330, v0;
	v52 =	vor.u32 $0x340, v0;
	v53 =	vor.u32 $0x350, v0;
	s9 =	ssub.s32 $0x2, s4;
	s7 =	smul.u32 $0x180, s6;
	s8 =	sshll.u32 s6, $0xA  }
0x1a: {  	v54 =	vor.u32 $0x360, v0;
	v55 =	vor.u32 $0x370, v0;
	v56 =	vor.u32 $0x380, v0;
	s30 =	sshrl.u32 s9, $0x1;
	s6 =	sshll.u32 s6, $0x4;
	s8 =	sadd.s32 s8, s3  }
0x1b: {  	v57 =	vor.u32 $0x390, v0;
	v58 =	vor.u32 $0x3A0, v0;
	[tilespmem:$0x1FFD0] =	vst v1;
	v1 =	vor.u32 $0x20, v0;
	s31 =	ssub.s32 s9, s30;
	s5 =	sadd.s32 s5, s6;
	s9 =	simm.s32 $0x1  }
0x1c: {  	v59 =	vor.u32 $0x3B0, v0;
	v60 =	vor.u32 $0x3C0, v0;
	[tilespmem:$0x1FFE0] =	vst v1;
	v1 =	vor.u32 $0x30, v0;
	s7 =	sadd.s32 s7, s3;
	s3 =	sadd.s32 $0xE00, s8;
	s6 =	smax.u32 s31, $0x1  }
0x1d: {  	v61 =	vor.u32 $0x3D0, v0;
	v62 =	vor.u32 $0x3E0, v0;
	v63 =	vor.u32 $0x3F0, v0;
	[tilespmem:$0x1FFF0] =	vst v1;
	s8 =	simm.s32 $0x400;
	s4 =	sadd.s32 $0x2E00, s7;
	s7 =	simm.s32 $0x80  }
.LBB2_2:
0x1e: {  	[tilespmem:s2], [sflag:$0x1] =	stream.strided.gather [hbm4b:s5+s7], $0x400, s8, s7, $0x38;
	[tilespmem:$0x3400] =	vst v63  }
0x1f: {  	_ =	swait.ge [sflag:s9], $0x400  }
0x20: {  	[sflag:s9] =	ssyncset.done $0x0  }
0x21: {  	[sflag:s9] =	ssyncadd.s32 $0xFFFFFC00  }
0x22: {  	[tilespmem:s8], [sflag:$0x1] =	stream.linear.gather [hbm4b:s3+s2], $0x2000, $0x38;
	[tilespmem:$0x3400] =	vst v63  }
0x23: {  	_ =	swait.ge [sflag:s9], $0x2000  }
0x24: {  	[sflag:s9] =	ssyncset.done $0x0  }
0x25: {  	[sflag:s9] =	ssyncadd.s32 $0xFFFFE000  }
0x26: {  	v1 =	vld [tilespmem:$0x0];
	_ =	sdelay $0x7  }
0x27: {  	[tilespmem:v1+s10+$0x0] =	vst.idx.msk $0xffff, v0  }
0x28: {  	v1 =	vld [tilespmem:$0x10];
	_ =	sdelay $0x2  }
0x29: {  	v2 =	vld [tilespmem:$0x1FFD0];
	_ =	sdelay $0x4  }
0x2a: {  	[tilespmem:v1+s10+$0x0] =	vst.idx.msk $0xffff, v2  }
0x2b: {  	v1 =	vld [tilespmem:$0x20];
	_ =	sdelay $0x2  }
0x2c: {  	v2 =	vld [tilespmem:$0x1FFE0];
	_ =	sdelay $0x4  }
0x2d: {  	[tilespmem:v1+s10+$0x0] =	vst.idx.msk $0xffff, v2  }
0x2e: {  	v1 =	vld [tilespmem:$0x30];
	_ =	sdelay $0x2  }
0x2f: {  	v2 =	vld [tilespmem:$0x1FFF0];
	_ =	sdelay $0x4  }
0x30: {  	[tilespmem:v1+s10+$0x0] =	vst.idx.msk $0xffff, v2  }
0x31: {  	v1 =	vld [tilespmem:$0x40];
	_ =	sdelay $0x7  }
0x32: {  	[tilespmem:v1+s10+$0x0] =	vst.idx.msk $0xffff, v4  }
0x33: {  	v1 =	vld [tilespmem:$0x50];
	_ =	sdelay $0x7  }
0x34: {  	[tilespmem:v1+s10+$0x0] =	vst.idx.msk $0xffff, v5  }
0x35: {  	v1 =	vld [tilespmem:$0x60];
	_ =	sdelay $0x7  }
0x36: {  	[tilespmem:v1+s10+$0x0] =	vst.idx.msk $0xffff, v6  }
0x37: {  	v1 =	vld [tilespmem:$0x70];
	_ =	sdelay $0x7  }
0x38: {  	[tilespmem:v1+s10+$0x0] =	vst.idx.msk $0xffff, v7  }
0x39: {  	v1 =	vld [tilespmem:$0x80];
	_ =	sdelay $0x7  }
0x3a: {  	[tilespmem:v1+s10+$0x0] =	vst.idx.msk $0xffff, v8  }
0x3b: {  	v1 =	vld [tilespmem:$0x90];
	_ =	sdelay $0x7  }
0x3c: {  	[tilespmem:v1+s10+$0x0] =	vst.idx.msk $0xffff, v9  }
0x3d: {  	v1 =	vld [tilespmem:$0xA0];
	_ =	sdelay $0x7  }
0x3e: {  	[tilespmem:v1+s10+$0x0] =	vst.idx.msk $0xffff, v10  }
0x3f: {  	v1 =	vld [tilespmem:$0xB0];
	_ =	sdelay $0x7  }
0x40: {  	[tilespmem:v1+s10+$0x0] =	vst.idx.msk $0xffff, v11  }
0x41: {  	v1 =	vld [tilespmem:$0xC0];
	_ =	sdelay $0x7  }
0x42: {  	[tilespmem:v1+s10+$0x0] =	vst.idx.msk $0xffff, v12  }
0x43: {  	v1 =	vld [tilespmem:$0xD0];
	_ =	sdelay $0x7  }
0x44: {  	[tilespmem:v1+s10+$0x0] =	vst.idx.msk $0xffff, v13  }
0x45: {  	v1 =	vld [tilespmem:$0xE0];
	_ =	sdelay $0x7  }
0x46: {  	[tilespmem:v1+s10+$0x0] =	vst.idx.msk $0xffff, v14  }
0x47: {  	v1 =	vld [tilespmem:$0xF0];
	_ =	sdelay $0x7  }
0x48: {  	[tilespmem:v1+s10+$0x0] =	vst.idx.msk $0xffff, v15  }
0x49: {  	v1 =	vld [tilespmem:$0x100];
	_ =	sdelay $0x7  }
0x4a: {  	[tilespmem:v1+s10+$0x0] =	vst.idx.msk $0xffff, v16  }
0x4b: {  	v1 =	vld [tilespmem:$0x110];
	_ =	sdelay $0x7  }
0x4c: {  	[tilespmem:v1+s10+$0x0] =	vst.idx.msk $0xffff, v17  }
0x4d: {  	v1 =	vld [tilespmem:$0x120];
	_ =	sdelay $0x7  }
0x4e: {  	[tilespmem:v1+s10+$0x0] =	vst.idx.msk $0xffff, v18  }
0x4f: {  	v1 =	vld [tilespmem:$0x130];
	_ =	sdelay $0x7  }
0x50: {  	[tilespmem:v1+s10+$0x0] =	vst.idx.msk $0xffff, v19  }
0x51: {  	v1 =	vld [tilespmem:$0x140];
	_ =	sdelay $0x7  }
0x52: {  	[tilespmem:v1+s10+$0x0] =	vst.idx.msk $0xffff, v20  }
0x53: {  	v1 =	vld [tilespmem:$0x150];
	_ =	sdelay $0x7  }
0x54: {  	[tilespmem:v1+s10+$0x0] =	vst.idx.msk $0xffff, v21  }
0x55: {  	v1 =	vld [tilespmem:$0x160];
	_ =	sdelay $0x7  }
0x56: {  	[tilespmem:v1+s10+$0x0] =	vst.idx.msk $0xffff, v22  }
0x57: {  	v1 =	vld [tilespmem:$0x170];
	_ =	sdelay $0x7  }
0x58: {  	[tilespmem:v1+s10+$0x0] =	vst.idx.msk $0xffff, v23  }
0x59: {  	v1 =	vld [tilespmem:$0x180];
	_ =	sdelay $0x7  }
0x5a: {  	[tilespmem:v1+s10+$0x0] =	vst.idx.msk $0xffff, v24  }
0x5b: {  	v1 =	vld [tilespmem:$0x190];
	_ =	sdelay $0x7  }
0x5c: {  	[tilespmem:v1+s10+$0x0] =	vst.idx.msk $0xffff, v25  }
0x5d: {  	v1 =	vld [tilespmem:$0x1A0];
	_ =	sdelay $0x7  }
0x5e: {  	[tilespmem:v1+s10+$0x0] =	vst.idx.msk $0xffff, v26  }
0x5f: {  	v1 =	vld [tilespmem:$0x1B0];
	_ =	sdelay $0x7  }
0x60: {  	[tilespmem:v1+s10+$0x0] =	vst.idx.msk $0xffff, v27  }
0x61: {  	v1 =	vld [tilespmem:$0x1C0];
	_ =	sdelay $0x7  }
0x62: {  	[tilespmem:v1+s10+$0x0] =	vst.idx.msk $0xffff, v28  }
0x63: {  	v1 =	vld [tilespmem:$0x1D0];
	_ =	sdelay $0x7  }
0x64: {  	[tilespmem:v1+s10+$0x0] =	vst.idx.msk $0xffff, v29  }
0x65: {  	v1 =	vld [tilespmem:$0x1E0];
	_ =	sdelay $0x7  }
0x66: {  	[tilespmem:v1+s10+$0x0] =	vst.idx.msk $0xffff, v30  }
0x67: {  	v1 =	vld [tilespmem:$0x1F0];
	_ =	sdelay $0x7  }
0x68: {  	[tilespmem:v1+s10+$0x0] =	vst.idx.msk $0xffff, v31  }
0x69: {  	v1 =	vld [tilespmem:$0x200];
	_ =	sdelay $0x7  }
0x6a: {  	[tilespmem:v1+s10+$0x0] =	vst.idx.msk $0xffff, v32  }
0x6b: {  	v1 =	vld [tilespmem:$0x210];
	_ =	sdelay $0x7  }
0x6c: {  	[tilespmem:v1+s10+$0x0] =	vst.idx.msk $0xffff, v33  }
0x6d: {  	v1 =	vld [tilespmem:$0x220];
	_ =	sdelay $0x7  }
0x6e: {  	[tilespmem:v1+s10+$0x0] =	vst.idx.msk $0xffff, v34  }
0x6f: {  	v1 =	vld [tilespmem:$0x230];
	_ =	sdelay $0x7  }
0x70: {  	[tilespmem:v1+s10+$0x0] =	vst.idx.msk $0xffff, v35  }
0x71: {  	v1 =	vld [tilespmem:$0x240];
	_ =	sdelay $0x7  }
0x72: {  	[tilespmem:v1+s10+$0x0] =	vst.idx.msk $0xffff, v36  }
0x73: {  	v1 =	vld [tilespmem:$0x250];
	_ =	sdelay $0x7  }
0x74: {  	[tilespmem:v1+s10+$0x0] =	vst.idx.msk $0xffff, v37  }
0x75: {  	v1 =	vld [tilespmem:$0x260];
	_ =	sdelay $0x7  }
0x76: {  	[tilespmem:v1+s10+$0x0] =	vst.idx.msk $0xffff, v38  }
0x77: {  	v1 =	vld [tilespmem:$0x270];
	_ =	sdelay $0x7  }
0x78: {  	[tilespmem:v1+s10+$0x0] =	vst.idx.msk $0xffff, v39  }
0x79: {  	v1 =	vld [tilespmem:$0x280];
	_ =	sdelay $0x7  }
0x7a: {  	[tilespmem:v1+s10+$0x0] =	vst.idx.msk $0xffff, v40  }
0x7b: {  	v1 =	vld [tilespmem:$0x290];
	_ =	sdelay $0x7  }
0x7c: {  	[tilespmem:v1+s10+$0x0] =	vst.idx.msk $0xffff, v41  }
0x7d: {  	v1 =	vld [tilespmem:$0x2A0];
	_ =	sdelay $0x7  }
0x7e: {  	[tilespmem:v1+s10+$0x0] =	vst.idx.msk $0xffff, v42  }
0x7f: {  	v1 =	vld [tilespmem:$0x2B0];
	_ =	sdelay $0x7  }
0x80: {  	[tilespmem:v1+s10+$0x0] =	vst.idx.msk $0xffff, v43  }
0x81: {  	v1 =	vld [tilespmem:$0x2C0];
	_ =	sdelay $0x7  }
0x82: {  	[tilespmem:v1+s10+$0x0] =	vst.idx.msk $0xffff, v44  }
0x83: {  	v1 =	vld [tilespmem:$0x2D0];
	_ =	sdelay $0x7  }
0x84: {  	[tilespmem:v1+s10+$0x0] =	vst.idx.msk $0xffff, v45  }
0x85: {  	v1 =	vld [tilespmem:$0x2E0];
	_ =	sdelay $0x7  }
0x86: {  	[tilespmem:v1+s10+$0x0] =	vst.idx.msk $0xffff, v46  }
0x87: {  	v1 =	vld [tilespmem:$0x2F0];
	_ =	sdelay $0x7  }
0x88: {  	[tilespmem:v1+s10+$0x0] =	vst.idx.msk $0xffff, v47  }
0x89: {  	v1 =	vld [tilespmem:$0x300];
	_ =	sdelay $0x7  }
0x8a: {  	[tilespmem:v1+s10+$0x0] =	vst.idx.msk $0xffff, v48  }
0x8b: {  	v1 =	vld [tilespmem:$0x310];
	_ =	sdelay $0x7  }
0x8c: {  	[tilespmem:v1+s10+$0x0] =	vst.idx.msk $0xffff, v49  }
0x8d: {  	v1 =	vld [tilespmem:$0x320];
	_ =	sdelay $0x7  }
0x8e: {  	[tilespmem:v1+s10+$0x0] =	vst.idx.msk $0xffff, v50  }
0x8f: {  	v1 =	vld [tilespmem:$0x330];
	_ =	sdelay $0x7  }
0x90: {  	[tilespmem:v1+s10+$0x0] =	vst.idx.msk $0xffff, v51  }
0x91: {  	v1 =	vld [tilespmem:$0x340];
	_ =	sdelay $0x7  }
0x92: {  	[tilespmem:v1+s10+$0x0] =	vst.idx.msk $0xffff, v52  }
0x93: {  	v1 =	vld [tilespmem:$0x350];
	_ =	sdelay $0x7  }
0x94: {  	[tilespmem:v1+s10+$0x0] =	vst.idx.msk $0xffff, v53  }
0x95: {  	v1 =	vld [tilespmem:$0x360];
	_ =	sdelay $0x7  }
0x96: {  	[tilespmem:v1+s10+$0x0] =	vst.idx.msk $0xffff, v54  }
0x97: {  	v1 =	vld [tilespmem:$0x370];
	_ =	sdelay $0x7  }
0x98: {  	[tilespmem:v1+s10+$0x0] =	vst.idx.msk $0xffff, v55  }
0x99: {  	v1 =	vld [tilespmem:$0x380];
	_ =	sdelay $0x7  }
0x9a: {  	[tilespmem:v1+s10+$0x0] =	vst.idx.msk $0xffff, v56  }
0x9b: {  	v1 =	vld [tilespmem:$0x390];
	_ =	sdelay $0x7  }
0x9c: {  	[tilespmem:v1+s10+$0x0] =	vst.idx.msk $0xffff, v57  }
0x9d: {  	v1 =	vld [tilespmem:$0x3A0];
	_ =	sdelay $0x7  }
0x9e: {  	[tilespmem:v1+s10+$0x0] =	vst.idx.msk $0xffff, v58  }
0x9f: {  	v1 =	vld [tilespmem:$0x3B0];
	_ =	sdelay $0x7  }
0xa0: {  	[tilespmem:v1+s10+$0x0] =	vst.idx.msk $0xffff, v59  }
0xa1: {  	v1 =	vld [tilespmem:$0x3C0];
	_ =	sdelay $0x7  }
0xa2: {  	[tilespmem:v1+s10+$0x0] =	vst.idx.msk $0xffff, v60  }
0xa3: {  	v1 =	vld [tilespmem:$0x3D0];
	_ =	sdelay $0x7  }
0xa4: {  	[tilespmem:v1+s10+$0x0] =	vst.idx.msk $0xffff, v61  }
0xa5: {  	v1 =	vld [tilespmem:$0x3E0];
	_ =	sdelay $0x7  }
0xa6: {  	[tilespmem:v1+s10+$0x0] =	vst.idx.msk $0xffff, v62  }
0xa7: {  	v1 =	vld [tilespmem:$0x3F0];
	_ =	sdelay $0x7  }
0xa8: {  	[tilespmem:v1+s10+$0x0] =	vst.idx.msk $0xffff, v63  }
0xa9: {  	v1 =	vld [tilespmem:$0x2400];
	_ =	sdelay $0x7  }
0xaa: {  	v2 =	vld.idx.msk [tilespmem:v1+s8+$0x0], $0xffff  }
0xab: {  	v3 =	vadd.s32 $0x400, v1;
	_ =	sdelay $0x3  }
0xac: {  	[tilespmem:$0x2800] =	vst v2  }
0xad: {  	v2 =	vld.idx.msk [tilespmem:v3+s8+$0x0], $0xffff  }
0xae: {  	v3 =	vadd.s32 $0x800, v1;
	_ =	sdelay $0x3  }
0xaf: {  	[tilespmem:$0x2880] =	vst v2  }
0xb0: {  	v2 =	vld.idx.msk [tilespmem:v3+s8+$0x0], $0xffff  }
0xb1: {  	v3 =	vadd.s32 $0xC00, v1;
	_ =	sdelay $0x3  }
0xb2: {  	[tilespmem:$0x2900] =	vst v2  }
0xb3: {  	v2 =	vld.idx.msk [tilespmem:v3+s8+$0x0], $0xffff  }
0xb4: {  	v3 =	vadd.s32 $0x1000, v1;
	_ =	sdelay $0x3  }
0xb5: {  	[tilespmem:$0x2980] =	vst v2  }
0xb6: {  	v2 =	vld.idx.msk [tilespmem:v3+s8+$0x0], $0xffff  }
0xb7: {  	v1 =	vadd.s32 $0x1400, v1;
	_ =	sdelay $0x2  }
0xb8: {  	v3 =	vld [tilespmem:$0x2410]  }
0xb9: {  	[tilespmem:$0x2A00] =	vst v2  }
0xba: {  	v1 =	vld.idx.msk [tilespmem:v1+s8+$0x0], $0xffff;
	_ =	sdelay $0x4  }
0xbb: {  	[tilespmem:$0x2A80] =	vst v1  }
0xbc: {  	v1 =	vld.idx.msk [tilespmem:v3+s8+$0x0], $0xffff  }
0xbd: {  	v2 =	vadd.s32 $0x400, v3;
	_ =	sdelay $0x3  }
0xbe: {  	[tilespmem:$0x2810] =	vst v1  }
0xbf: {  	v1 =	vld.idx.msk [tilespmem:v2+s8+$0x0], $0xffff  }
0xc0: {  	v2 =	vadd.s32 $0x800, v3;
	_ =	sdelay $0x3  }
0xc1: {  	[tilespmem:$0x2890] =	vst v1  }
0xc2: {  	v1 =	vld.idx.msk [tilespmem:v2+s8+$0x0], $0xffff  }
0xc3: {  	v2 =	vadd.s32 $0xC00, v3;
	_ =	sdelay $0x3  }
0xc4: {  	[tilespmem:$0x2910] =	vst v1  }
0xc5: {  	v1 =	vld.idx.msk [tilespmem:v2+s8+$0x0], $0xffff  }
0xc6: {  	v2 =	vadd.s32 $0x1000, v3;
	_ =	sdelay $0x3  }
0xc7: {  	[tilespmem:$0x2990] =	vst v1  }
0xc8: {  	v1 =	vld.idx.msk [tilespmem:v2+s8+$0x0], $0xffff  }
0xc9: {  	v2 =	vadd.s32 $0x1400, v3;
	_ =	sdelay $0x2  }
0xca: {  	v3 =	vld [tilespmem:$0x2420]  }
0xcb: {  	[tilespmem:$0x2A10] =	vst v1  }
0xcc: {  	v1 =	vld.idx.msk [tilespmem:v2+s8+$0x0], $0xffff;
	_ =	sdelay $0x4  }
0xcd: {  	[tilespmem:$0x2A90] =	vst v1  }
0xce: {  	v1 =	vld.idx.msk [tilespmem:v3+s8+$0x0], $0xffff  }
0xcf: {  	v2 =	vadd.s32 $0x400, v3;
	_ =	sdelay $0x3  }
0xd0: {  	[tilespmem:$0x2820] =	vst v1  }
0xd1: {  	v1 =	vld.idx.msk [tilespmem:v2+s8+$0x0], $0xffff  }
0xd2: {  	v2 =	vadd.s32 $0x800, v3;
	_ =	sdelay $0x3  }
0xd3: {  	[tilespmem:$0x28A0] =	vst v1  }
0xd4: {  	v1 =	vld.idx.msk [tilespmem:v2+s8+$0x0], $0xffff  }
0xd5: {  	v2 =	vadd.s32 $0xC00, v3;
	_ =	sdelay $0x3  }
0xd6: {  	[tilespmem:$0x2920] =	vst v1  }
0xd7: {  	v1 =	vld.idx.msk [tilespmem:v2+s8+$0x0], $0xffff  }
0xd8: {  	v2 =	vadd.s32 $0x1000, v3;
	_ =	sdelay $0x3  }
0xd9: {  	[tilespmem:$0x29A0] =	vst v1  }
0xda: {  	v1 =	vld.idx.msk [tilespmem:v2+s8+$0x0], $0xffff  }
0xdb: {  	v2 =	vadd.s32 $0x1400, v3;
	_ =	sdelay $0x2  }
0xdc: {  	v3 =	vld [tilespmem:$0x2430]  }
0xdd: {  	[tilespmem:$0x2A20] =	vst v1  }
0xde: {  	v1 =	vld.idx.msk [tilespmem:v2+s8+$0x0], $0xffff;
	_ =	sdelay $0x4  }
0xdf: {  	[tilespmem:$0x2AA0] =	vst v1  }
0xe0: {  	v1 =	vld.idx.msk [tilespmem:v3+s8+$0x0], $0xffff  }
0xe1: {  	v2 =	vadd.s32 $0x400, v3;
	_ =	sdelay $0x3  }
0xe2: {  	[tilespmem:$0x2830] =	vst v1  }
0xe3: {  	v1 =	vld.idx.msk [tilespmem:v2+s8+$0x0], $0xffff  }
0xe4: {  	v2 =	vadd.s32 $0x800, v3;
	_ =	sdelay $0x3  }
0xe5: {  	[tilespmem:$0x28B0] =	vst v1  }
0xe6: {  	v1 =	vld.idx.msk [tilespmem:v2+s8+$0x0], $0xffff  }
0xe7: {  	v2 =	vadd.s32 $0xC00, v3;
	_ =	sdelay $0x3  }
0xe8: {  	[tilespmem:$0x2930] =	vst v1  }
0xe9: {  	v1 =	vld.idx.msk [tilespmem:v2+s8+$0x0], $0xffff  }
0xea: {  	v2 =	vadd.s32 $0x1000, v3;
	_ =	sdelay $0x3  }
0xeb: {  	[tilespmem:$0x29B0] =	vst v1  }
0xec: {  	v1 =	vld.idx.msk [tilespmem:v2+s8+$0x0], $0xffff  }
0xed: {  	v2 =	vadd.s32 $0x1400, v3;
	_ =	sdelay $0x2  }
0xee: {  	v3 =	vld [tilespmem:$0x2440]  }
0xef: {  	[tilespmem:$0x2A30] =	vst v1  }
0xf0: {  	v1 =	vld.idx.msk [tilespmem:v2+s8+$0x0], $0xffff;
	_ =	sdelay $0x4  }
0xf1: {  	[tilespmem:$0x2AB0] =	vst v1  }
0xf2: {  	v1 =	vld.idx.msk [tilespmem:v3+s8+$0x0], $0xffff  }
0xf3: {  	v2 =	vadd.s32 $0x400, v3;
	_ =	sdelay $0x3  }
0xf4: {  	[tilespmem:$0x2840] =	vst v1  }
0xf5: {  	v1 =	vld.idx.msk [tilespmem:v2+s8+$0x0], $0xffff  }
0xf6: {  	v2 =	vadd.s32 $0x800, v3;
	_ =	sdelay $0x3  }
0xf7: {  	[tilespmem:$0x28C0] =	vst v1  }
0xf8: {  	v1 =	vld.idx.msk [tilespmem:v2+s8+$0x0], $0xffff  }
0xf9: {  	v2 =	vadd.s32 $0xC00, v3;
	_ =	sdelay $0x3  }
0xfa: {  	[tilespmem:$0x2940] =	vst v1  }
0xfb: {  	v1 =	vld.idx.msk [tilespmem:v2+s8+$0x0], $0xffff  }
0xfc: {  	v2 =	vadd.s32 $0x1000, v3;
	_ =	sdelay $0x3  }
0xfd: {  	[tilespmem:$0x29C0] =	vst v1  }
0xfe: {  	v1 =	vld.idx.msk [tilespmem:v2+s8+$0x0], $0xffff  }
0xff: {  	v2 =	vadd.s32 $0x1400, v3;
	_ =	sdelay $0x2  }
0x100: {  	v3 =	vld [tilespmem:$0x2450]  }
0x101: {  	[tilespmem:$0x2A40] =	vst v1  }
0x102: {  	v1 =	vld.idx.msk [tilespmem:v2+s8+$0x0], $0xffff;
	_ =	sdelay $0x4  }
0x103: {  	[tilespmem:$0x2AC0] =	vst v1  }
0x104: {  	v1 =	vld.idx.msk [tilespmem:v3+s8+$0x0], $0xffff  }
0x105: {  	v2 =	vadd.s32 $0x400, v3;
	_ =	sdelay $0x3  }
0x106: {  	[tilespmem:$0x2850] =	vst v1  }
0x107: {  	v1 =	vld.idx.msk [tilespmem:v2+s8+$0x0], $0xffff  }
0x108: {  	v2 =	vadd.s32 $0x800, v3;
	_ =	sdelay $0x3  }
0x109: {  	[tilespmem:$0x28D0] =	vst v1  }
0x10a: {  	v1 =	vld.idx.msk [tilespmem:v2+s8+$0x0], $0xffff  }
0x10b: {  	v2 =	vadd.s32 $0xC00, v3;
	_ =	sdelay $0x3  }
0x10c: {  	[tilespmem:$0x2950] =	vst v1  }
0x10d: {  	v1 =	vld.idx.msk [tilespmem:v2+s8+$0x0], $0xffff  }
0x10e: {  	v2 =	vadd.s32 $0x1000, v3;
	_ =	sdelay $0x3  }
0x10f: {  	[tilespmem:$0x29D0] =	vst v1  }
0x110: {  	v1 =	vld.idx.msk [tilespmem:v2+s8+$0x0], $0xffff  }
0x111: {  	v2 =	vadd.s32 $0x1400, v3;
	_ =	sdelay $0x2  }
0x112: {  	v3 =	vld [tilespmem:$0x2460]  }
0x113: {  	[tilespmem:$0x2A50] =	vst v1  }
0x114: {  	v1 =	vld.idx.msk [tilespmem:v2+s8+$0x0], $0xffff;
	_ =	sdelay $0x4  }
0x115: {  	[tilespmem:$0x2AD0] =	vst v1  }
0x116: {  	v1 =	vld.idx.msk [tilespmem:v3+s8+$0x0], $0xffff  }
0x117: {  	v2 =	vadd.s32 $0x400, v3;
	_ =	sdelay $0x3  }
0x118: {  	[tilespmem:$0x2860] =	vst v1  }
0x119: {  	v1 =	vld.idx.msk [tilespmem:v2+s8+$0x0], $0xffff  }
0x11a: {  	v2 =	vadd.s32 $0x800, v3;
	_ =	sdelay $0x3  }
0x11b: {  	[tilespmem:$0x28E0] =	vst v1  }
0x11c: {  	v1 =	vld.idx.msk [tilespmem:v2+s8+$0x0], $0xffff  }
0x11d: {  	v2 =	vadd.s32 $0xC00, v3;
	_ =	sdelay $0x3  }
0x11e: {  	[tilespmem:$0x2960] =	vst v1  }
0x11f: {  	v1 =	vld.idx.msk [tilespmem:v2+s8+$0x0], $0xffff  }
0x120: {  	v2 =	vadd.s32 $0x1000, v3;
	_ =	sdelay $0x3  }
0x121: {  	[tilespmem:$0x29E0] =	vst v1  }
0x122: {  	v1 =	vld.idx.msk [tilespmem:v2+s8+$0x0], $0xffff  }
0x123: {  	v2 =	vadd.s32 $0x1400, v3;
	_ =	sdelay $0x2  }
0x124: {  	v3 =	vld [tilespmem:$0x2470]  }
0x125: {  	[tilespmem:$0x2A60] =	vst v1  }
0x126: {  	v1 =	vld.idx.msk [tilespmem:v2+s8+$0x0], $0xffff;
	_ =	sdelay $0x4  }
0x127: {  	[tilespmem:$0x2AE0] =	vst v1  }
0x128: {  	v1 =	vld.idx.msk [tilespmem:v3+s8+$0x0], $0xffff  }
0x129: {  	v2 =	vadd.s32 $0x400, v3;
	_ =	sdelay $0x3  }
0x12a: {  	[tilespmem:$0x2870] =	vst v1  }
0x12b: {  	v1 =	vld.idx.msk [tilespmem:v2+s8+$0x0], $0xffff  }
0x12c: {  	v2 =	vadd.s32 $0x800, v3;
	_ =	sdelay $0x3  }
0x12d: {  	[tilespmem:$0x28F0] =	vst v1  }
0x12e: {  	v1 =	vld.idx.msk [tilespmem:v2+s8+$0x0], $0xffff  }
0x12f: {  	v2 =	vadd.s32 $0xC00, v3;
	_ =	sdelay $0x3  }
0x130: {  	[tilespmem:$0x2970] =	vst v1  }
0x131: {  	v1 =	vld.idx.msk [tilespmem:v2+s8+$0x0], $0xffff  }
0x132: {  	v2 =	vadd.s32 $0x1000, v3;
	_ =	sdelay $0x3  }
0x133: {  	[tilespmem:$0x29F0] =	vst v1  }
0x134: {  	v1 =	vld.idx.msk [tilespmem:v2+s8+$0x0], $0xffff  }
0x135: {  	v2 =	vadd.s32 $0x1400, v3;
	_ =	sdelay $0x2  }
0x136: {  	v3 =	vld [tilespmem:$0x2480]  }
0x137: {  	[tilespmem:$0x2A70] =	vst v1  }
0x138: {  	v1 =	vld.idx.msk [tilespmem:v2+s8+$0x0], $0xffff;
	_ =	sdelay $0x4  }
0x139: {  	[tilespmem:$0x2AF0] =	vst v1  }
0x13a: {  	v1 =	vld.idx.msk [tilespmem:v3+s8+$0x0], $0xffff  }
0x13b: {  	v2 =	vadd.s32 $0x400, v3;
	_ =	sdelay $0x3  }
0x13c: {  	[tilespmem:$0x2C00] =	vst v1  }
0x13d: {  	v1 =	vld.idx.msk [tilespmem:v2+s8+$0x0], $0xffff  }
0x13e: {  	v2 =	vadd.s32 $0x800, v3;
	_ =	sdelay $0x3  }
0x13f: {  	[tilespmem:$0x2C80] =	vst v1  }
0x140: {  	v1 =	vld.idx.msk [tilespmem:v2+s8+$0x0], $0xffff  }
0x141: {  	v2 =	vadd.s32 $0xC00, v3;
	_ =	sdelay $0x3  }
0x142: {  	[tilespmem:$0x2D00] =	vst v1  }
0x143: {  	v1 =	vld.idx.msk [tilespmem:v2+s8+$0x0], $0xffff  }
0x144: {  	v2 =	vadd.s32 $0x1000, v3;
	_ =	sdelay $0x3  }
0x145: {  	[tilespmem:$0x2D80] =	vst v1  }
0x146: {  	v1 =	vld.idx.msk [tilespmem:v2+s8+$0x0], $0xffff  }
0x147: {  	v2 =	vadd.s32 $0x1400, v3;
	_ =	sdelay $0x2  }
0x148: {  	v3 =	vld [tilespmem:$0x2490]  }
0x149: {  	[tilespmem:$0x2E00] =	vst v1  }
0x14a: {  	v1 =	vld.idx.msk [tilespmem:v2+s8+$0x0], $0xffff;
	_ =	sdelay $0x4  }
0x14b: {  	[tilespmem:$0x2E80] =	vst v1  }
0x14c: {  	v1 =	vld.idx.msk [tilespmem:v3+s8+$0x0], $0xffff  }
0x14d: {  	v2 =	vadd.s32 $0x400, v3;
	_ =	sdelay $0x3  }
0x14e: {  	[tilespmem:$0x2C10] =	vst v1  }
0x14f: {  	v1 =	vld.idx.msk [tilespmem:v2+s8+$0x0], $0xffff  }
0x150: {  	v2 =	vadd.s32 $0x800, v3;
	_ =	sdelay $0x3  }
0x151: {  	[tilespmem:$0x2C90] =	vst v1  }
0x152: {  	v1 =	vld.idx.msk [tilespmem:v2+s8+$0x0], $0xffff  }
0x153: {  	v2 =	vadd.s32 $0xC00, v3;
	_ =	sdelay $0x3  }
0x154: {  	[tilespmem:$0x2D10] =	vst v1  }
0x155: {  	v1 =	vld.idx.msk [tilespmem:v2+s8+$0x0], $0xffff  }
0x156: {  	v2 =	vadd.s32 $0x1000, v3;
	_ =	sdelay $0x3  }
0x157: {  	[tilespmem:$0x2D90] =	vst v1  }
0x158: {  	v1 =	vld.idx.msk [tilespmem:v2+s8+$0x0], $0xffff  }
0x159: {  	v2 =	vadd.s32 $0x1400, v3;
	_ =	sdelay $0x2  }
0x15a: {  	v3 =	vld [tilespmem:$0x24A0]  }
0x15b: {  	[tilespmem:$0x2E10] =	vst v1  }
0x15c: {  	v1 =	vld.idx.msk [tilespmem:v2+s8+$0x0], $0xffff;
	_ =	sdelay $0x4  }
0x15d: {  	[tilespmem:$0x2E90] =	vst v1  }
0x15e: {  	v1 =	vld.idx.msk [tilespmem:v3+s8+$0x0], $0xffff  }
0x15f: {  	v2 =	vadd.s32 $0x400, v3;
	_ =	sdelay $0x3  }
0x160: {  	[tilespmem:$0x2C20] =	vst v1  }
0x161: {  	v1 =	vld.idx.msk [tilespmem:v2+s8+$0x0], $0xffff  }
0x162: {  	v2 =	vadd.s32 $0x800, v3;
	_ =	sdelay $0x3  }
0x163: {  	[tilespmem:$0x2CA0] =	vst v1  }
0x164: {  	v1 =	vld.idx.msk [tilespmem:v2+s8+$0x0], $0xffff  }
0x165: {  	v2 =	vadd.s32 $0xC00, v3;
	_ =	sdelay $0x3  }
0x166: {  	[tilespmem:$0x2D20] =	vst v1  }
0x167: {  	v1 =	vld.idx.msk [tilespmem:v2+s8+$0x0], $0xffff  }
0x168: {  	v2 =	vadd.s32 $0x1000, v3;
	_ =	sdelay $0x3  }
0x169: {  	[tilespmem:$0x2DA0] =	vst v1  }
0x16a: {  	v1 =	vld.idx.msk [tilespmem:v2+s8+$0x0], $0xffff  }
0x16b: {  	v2 =	vadd.s32 $0x1400, v3;
	_ =	sdelay $0x2  }
0x16c: {  	v3 =	vld [tilespmem:$0x24B0]  }
0x16d: {  	[tilespmem:$0x2E20] =	vst v1  }
0x16e: {  	v1 =	vld.idx.msk [tilespmem:v2+s8+$0x0], $0xffff;
	_ =	sdelay $0x4  }
0x16f: {  	[tilespmem:$0x2EA0] =	vst v1  }
0x170: {  	v1 =	vld.idx.msk [tilespmem:v3+s8+$0x0], $0xffff  }
0x171: {  	v2 =	vadd.s32 $0x400, v3;
	_ =	sdelay $0x3  }
0x172: {  	[tilespmem:$0x2C30] =	vst v1  }
0x173: {  	v1 =	vld.idx.msk [tilespmem:v2+s8+$0x0], $0xffff  }
0x174: {  	v2 =	vadd.s32 $0x800, v3;
	_ =	sdelay $0x3  }
0x175: {  	[tilespmem:$0x2CB0] =	vst v1  }
0x176: {  	v1 =	vld.idx.msk [tilespmem:v2+s8+$0x0], $0xffff  }
0x177: {  	v2 =	vadd.s32 $0xC00, v3;
	_ =	sdelay $0x3  }
0x178: {  	[tilespmem:$0x2D30] =	vst v1  }
0x179: {  	v1 =	vld.idx.msk [tilespmem:v2+s8+$0x0], $0xffff  }
0x17a: {  	v2 =	vadd.s32 $0x1000, v3;
	_ =	sdelay $0x3  }
0x17b: {  	[tilespmem:$0x2DB0] =	vst v1  }
0x17c: {  	v1 =	vld.idx.msk [tilespmem:v2+s8+$0x0], $0xffff  }
0x17d: {  	v2 =	vadd.s32 $0x1400, v3;
	_ =	sdelay $0x2  }
0x17e: {  	v3 =	vld [tilespmem:$0x24C0]  }
0x17f: {  	[tilespmem:$0x2E30] =	vst v1  }
0x180: {  	v1 =	vld.idx.msk [tilespmem:v2+s8+$0x0], $0xffff;
	_ =	sdelay $0x4  }
0x181: {  	[tilespmem:$0x2EB0] =	vst v1  }
0x182: {  	v1 =	vld.idx.msk [tilespmem:v3+s8+$0x0], $0xffff  }
0x183: {  	v2 =	vadd.s32 $0x400, v3;
	_ =	sdelay $0x3  }
0x184: {  	[tilespmem:$0x2C40] =	vst v1  }
0x185: {  	v1 =	vld.idx.msk [tilespmem:v2+s8+$0x0], $0xffff  }
0x186: {  	v2 =	vadd.s32 $0x800, v3;
	_ =	sdelay $0x3  }
0x187: {  	[tilespmem:$0x2CC0] =	vst v1  }
0x188: {  	v1 =	vld.idx.msk [tilespmem:v2+s8+$0x0], $0xffff  }
0x189: {  	v2 =	vadd.s32 $0xC00, v3;
	_ =	sdelay $0x3  }
0x18a: {  	[tilespmem:$0x2D40] =	vst v1  }
0x18b: {  	v1 =	vld.idx.msk [tilespmem:v2+s8+$0x0], $0xffff  }
0x18c: {  	v2 =	vadd.s32 $0x1000, v3;
	_ =	sdelay $0x3  }
0x18d: {  	[tilespmem:$0x2DC0] =	vst v1  }
0x18e: {  	v1 =	vld.idx.msk [tilespmem:v2+s8+$0x0], $0xffff  }
0x18f: {  	v2 =	vadd.s32 $0x1400, v3;
	_ =	sdelay $0x2  }
0x190: {  	v3 =	vld [tilespmem:$0x24D0]  }
0x191: {  	[tilespmem:$0x2E40] =	vst v1  }
0x192: {  	v1 =	vld.idx.msk [tilespmem:v2+s8+$0x0], $0xffff;
	_ =	sdelay $0x4  }
0x193: {  	[tilespmem:$0x2EC0] =	vst v1  }
0x194: {  	v1 =	vld.idx.msk [tilespmem:v3+s8+$0x0], $0xffff  }
0x195: {  	v2 =	vadd.s32 $0x400, v3;
	_ =	sdelay $0x3  }
0x196: {  	[tilespmem:$0x2C50] =	vst v1  }
0x197: {  	v1 =	vld.idx.msk [tilespmem:v2+s8+$0x0], $0xffff  }
0x198: {  	v2 =	vadd.s32 $0x800, v3;
	_ =	sdelay $0x3  }
0x199: {  	[tilespmem:$0x2CD0] =	vst v1  }
0x19a: {  	v1 =	vld.idx.msk [tilespmem:v2+s8+$0x0], $0xffff  }
0x19b: {  	v2 =	vadd.s32 $0xC00, v3;
	_ =	sdelay $0x3  }
0x19c: {  	[tilespmem:$0x2D50] =	vst v1  }
0x19d: {  	v1 =	vld.idx.msk [tilespmem:v2+s8+$0x0], $0xffff  }
0x19e: {  	v2 =	vadd.s32 $0x1000, v3;
	_ =	sdelay $0x3  }
0x19f: {  	[tilespmem:$0x2DD0] =	vst v1  }
0x1a0: {  	v1 =	vld.idx.msk [tilespmem:v2+s8+$0x0], $0xffff  }
0x1a1: {  	v2 =	vadd.s32 $0x1400, v3;
	_ =	sdelay $0x2  }
0x1a2: {  	v3 =	vld [tilespmem:$0x24E0]  }
0x1a3: {  	[tilespmem:$0x2E50] =	vst v1  }
0x1a4: {  	v1 =	vld.idx.msk [tilespmem:v2+s8+$0x0], $0xffff;
	_ =	sdelay $0x4  }
0x1a5: {  	[tilespmem:$0x2ED0] =	vst v1  }
0x1a6: {  	v1 =	vld.idx.msk [tilespmem:v3+s8+$0x0], $0xffff  }
0x1a7: {  	v2 =	vadd.s32 $0x400, v3;
	_ =	sdelay $0x3  }
0x1a8: {  	[tilespmem:$0x2C60] =	vst v1  }
0x1a9: {  	v1 =	vld.idx.msk [tilespmem:v2+s8+$0x0], $0xffff  }
0x1aa: {  	v2 =	vadd.s32 $0x800, v3;
	_ =	sdelay $0x3  }
0x1ab: {  	[tilespmem:$0x2CE0] =	vst v1  }
0x1ac: {  	v1 =	vld.idx.msk [tilespmem:v2+s8+$0x0], $0xffff  }
0x1ad: {  	v2 =	vadd.s32 $0xC00, v3;
	_ =	sdelay $0x3  }
0x1ae: {  	[tilespmem:$0x2D60] =	vst v1  }
0x1af: {  	v1 =	vld.idx.msk [tilespmem:v2+s8+$0x0], $0xffff  }
0x1b0: {  	v2 =	vadd.s32 $0x1000, v3;
	_ =	sdelay $0x3  }
0x1b1: {  	[tilespmem:$0x2DE0] =	vst v1  }
0x1b2: {  	v1 =	vld.idx.msk [tilespmem:v2+s8+$0x0], $0xffff  }
0x1b3: {  	v2 =	vadd.s32 $0x1400, v3;
	_ =	sdelay $0x2  }
0x1b4: {  	v3 =	vld [tilespmem:$0x24F0]  }
0x1b5: {  	[tilespmem:$0x2E60] =	vst v1  }
0x1b6: {  	v1 =	vld.idx.msk [tilespmem:v2+s8+$0x0], $0xffff;
	_ =	sdelay $0x4  }
0x1b7: {  	[tilespmem:$0x2EE0] =	vst v1  }
0x1b8: {  	v1 =	vld.idx.msk [tilespmem:v3+s8+$0x0], $0xffff  }
0x1b9: {  	v2 =	vadd.s32 $0x400, v3;
	_ =	sdelay $0x3  }
0x1ba: {  	[tilespmem:$0x2C70] =	vst v1  }
0x1bb: {  	v1 =	vld.idx.msk [tilespmem:v2+s8+$0x0], $0xffff  }
0x1bc: {  	v2 =	vadd.s32 $0x800, v3;
	_ =	sdelay $0x3  }
0x1bd: {  	[tilespmem:$0x2CF0] =	vst v1  }
0x1be: {  	v1 =	vld.idx.msk [tilespmem:v2+s8+$0x0], $0xffff  }
0x1bf: {  	v2 =	vadd.s32 $0xC00, v3;
	_ =	sdelay $0x3  }
0x1c0: {  	[tilespmem:$0x2D70] =	vst v1  }
0x1c1: {  	v1 =	vld.idx.msk [tilespmem:v2+s8+$0x0], $0xffff  }
0x1c2: {  	v2 =	vadd.s32 $0x1000, v3;
	_ =	sdelay $0x3  }
0x1c3: {  	[tilespmem:$0x2DF0] =	vst v1  }
0x1c4: {  	v1 =	vld.idx.msk [tilespmem:v2+s8+$0x0], $0xffff  }
0x1c5: {  	v2 =	vadd.s32 $0x1400, v3;
	_ =	sdelay $0x2  }
0x1c6: {  	v3 =	vld [tilespmem:$0x2500]  }
0x1c7: {  	[tilespmem:$0x2E70] =	vst v1  }
0x1c8: {  	v1 =	vld.idx.msk [tilespmem:v2+s8+$0x0], $0xffff;
	_ =	sdelay $0x4  }
0x1c9: {  	[tilespmem:$0x2EF0] =	vst v1  }
0x1ca: {  	v1 =	vld.idx.msk [tilespmem:v3+s8+$0x0], $0xffff  }
0x1cb: {  	v2 =	vadd.s32 $0x400, v3;
	_ =	sdelay $0x3  }
0x1cc: {  	[tilespmem:$0x3000] =	vst v1  }
0x1cd: {  	v1 =	vld.idx.msk [tilespmem:v2+s8+$0x0], $0xffff  }
0x1ce: {  	v2 =	vadd.s32 $0x800, v3;
	_ =	sdelay $0x3  }
0x1cf: {  	[tilespmem:$0x3080] =	vst v1  }
0x1d0: {  	v1 =	vld.idx.msk [tilespmem:v2+s8+$0x0], $0xffff  }
0x1d1: {  	v2 =	vadd.s32 $0xC00, v3;
	_ =	sdelay $0x3  }
0x1d2: {  	[tilespmem:$0x3100] =	vst v1  }
0x1d3: {  	v1 =	vld.idx.msk [tilespmem:v2+s8+$0x0], $0xffff  }
0x1d4: {  	v2 =	vadd.s32 $0x1000, v3;
	_ =	sdelay $0x3  }
0x1d5: {  	[tilespmem:$0x3180] =	vst v1  }
0x1d6: {  	v1 =	vld.idx.msk [tilespmem:v2+s8+$0x0], $0xffff  }
0x1d7: {  	v2 =	vadd.s32 $0x1400, v3;
	_ =	sdelay $0x2  }
0x1d8: {  	v3 =	vld [tilespmem:$0x2510]  }
0x1d9: {  	[tilespmem:$0x3200] =	vst v1  }
0x1da: {  	v1 =	vld.idx.msk [tilespmem:v2+s8+$0x0], $0xffff;
	_ =	sdelay $0x4  }
0x1db: {  	[tilespmem:$0x3280] =	vst v1  }
0x1dc: {  	v1 =	vld.idx.msk [tilespmem:v3+s8+$0x0], $0xffff  }
0x1dd: {  	v2 =	vadd.s32 $0x400, v3;
	_ =	sdelay $0x3  }
0x1de: {  	[tilespmem:$0x3010] =	vst v1  }
0x1df: {  	v1 =	vld.idx.msk [tilespmem:v2+s8+$0x0], $0xffff  }
0x1e0: {  	v2 =	vadd.s32 $0x800, v3;
	_ =	sdelay $0x3  }
0x1e1: {  	[tilespmem:$0x3090] =	vst v1  }
0x1e2: {  	v1 =	vld.idx.msk [tilespmem:v2+s8+$0x0], $0xffff  }
0x1e3: {  	v2 =	vadd.s32 $0xC00, v3;
	_ =	sdelay $0x3  }
0x1e4: {  	[tilespmem:$0x3110] =	vst v1  }
0x1e5: {  	v1 =	vld.idx.msk [tilespmem:v2+s8+$0x0], $0xffff  }
0x1e6: {  	v2 =	vadd.s32 $0x1000, v3;
	_ =	sdelay $0x3  }
0x1e7: {  	[tilespmem:$0x3190] =	vst v1  }
0x1e8: {  	v1 =	vld.idx.msk [tilespmem:v2+s8+$0x0], $0xffff  }
0x1e9: {  	v2 =	vadd.s32 $0x1400, v3;
	_ =	sdelay $0x2  }
0x1ea: {  	v3 =	vld [tilespmem:$0x2520]  }
0x1eb: {  	[tilespmem:$0x3210] =	vst v1  }
0x1ec: {  	v1 =	vld.idx.msk [tilespmem:v2+s8+$0x0], $0xffff;
	_ =	sdelay $0x4  }
0x1ed: {  	[tilespmem:$0x3290] =	vst v1  }
0x1ee: {  	v1 =	vld.idx.msk [tilespmem:v3+s8+$0x0], $0xffff  }
0x1ef: {  	v2 =	vadd.s32 $0x400, v3;
	_ =	sdelay $0x3  }
0x1f0: {  	[tilespmem:$0x3020] =	vst v1  }
0x1f1: {  	v1 =	vld.idx.msk [tilespmem:v2+s8+$0x0], $0xffff  }
0x1f2: {  	v2 =	vadd.s32 $0x800, v3;
	_ =	sdelay $0x3  }
0x1f3: {  	[tilespmem:$0x30A0] =	vst v1  }
0x1f4: {  	v1 =	vld.idx.msk [tilespmem:v2+s8+$0x0], $0xffff  }
0x1f5: {  	v2 =	vadd.s32 $0xC00, v3;
	_ =	sdelay $0x3  }
0x1f6: {  	[tilespmem:$0x3120] =	vst v1  }
0x1f7: {  	v1 =	vld.idx.msk [tilespmem:v2+s8+$0x0], $0xffff  }
0x1f8: {  	v2 =	vadd.s32 $0x1000, v3;
	_ =	sdelay $0x3  }
0x1f9: {  	[tilespmem:$0x31A0] =	vst v1  }
0x1fa: {  	v1 =	vld.idx.msk [tilespmem:v2+s8+$0x0], $0xffff  }
0x1fb: {  	v2 =	vadd.s32 $0x1400, v3;
	_ =	sdelay $0x3  }
0x1fc: {  	[tilespmem:$0x3220] =	vst v1  }
0x1fd: {  	v1 =	vld.idx.msk [tilespmem:v2+s8+$0x0], $0xffff;
	_ =	sdelay $0x3  }
0x1fe: {  	p0 =	sne.s32 s6, $0x1  }
.Ltmp1:
0x1ff: {  	[tilespmem:$0x32A0] =	vst v1;
	(pc) =	sbr.rel @p0 .LBB2_2-.Ltmp1, $4  }
0x200: {  	[hbm4b:s4+s2] =	stream.linear.scatter [tilespmem:s11], [sflag:$0x1], $0xC00, $0x38;
	[tilespmem:$0x3400] =	vst v63  }
0x201: {  	_ =	swait.ge [sflag:s9], $0xC00  }
0x202: {  	[sflag:s9] =	ssyncset.done $0x0  }
0x203: {  	s6 =	sadd.s32 $0xFFFFFFFF, s6;
	[sflag:s9] =	ssyncadd.s32 $0xFFFFF400  }
.LBB2_3:
0x204: {  	_ =	sfence.sel $0x180000  }
0x205: {  	[bflag:$0x0] =	sbarrier.arrive $0xFFFF  }
0x206: {  	p0 =	sne.s32 s1, $0x0;
	_ =	strace $0x90000047  }
0x207: {  	s0 =	sadd.s32 @!p0 $0x100000, s0;
	[bflag:$0x2] =	sbarrier.arrive $0xFFFF  }
0x208: {  	[sflag:s0] =	ssyncadd.tile.s32 @!p0 $0x1;
	_ =	shalt  }
.Lfunc_end2:
_tile_overlayer_lowered:
.L_overlay_start_2:
0x209: {  	(tag) =	ssettag $0x2  }
0x20a: {  	s0 =	rddreg [dreg:$0x0];
	s2 =	stileid.u32  }
0x20b: {  	s1 =	rddreg [dreg:$0x1];
	p0 =	sne.s32 s2, $0x0  }
0x20c: {  	s3 =	rddreg [dreg:$0x2];
	[bflag:$0x3] =	sbarrier.arrive $0xFFFF;
	s2 =	simm.s32 @!p0 $0x1C01  }
0x20d: {  	[timem:s3], [sflag:s2] =	dma.local @!p0 [hbm:s0], s1  }
0x20e: {  	s0 =	simm.s32 @!p0 $0x1  }
0x20f: {  	_ =	swait.ge @!p0 [sflag:s0], s1  }
0x210: {  	s1 =	ssub.s32 @!p0 $0x0, s1;
	[sflag:s0] =	ssyncset.done @!p0 $0x0  }
0x211: {  	[sflag:s0] =	ssyncadd.s32 @!p0 s1  }
0x212: {  	[bflag:$0x3] =	sbarrier.arrive $0xFFFF  }
0x213: {  	_ =	shalt  }

</sc_bundles>
